<compile_context>
chip_gen: v7x
topology: tpu7x:2x2x1
jax: 0.10.2.dev20260603
libtpu: 0.0.44.dev20260713+nightly
codegen_flags: <defaults>
</compile_context>

<pallas_src>
import functools

import jax
import jax.numpy as jnp
from jax import lax
from jax.experimental import pallas as pl
from jax.experimental.pallas import tpu as pltpu, tpu_sc as plsc

N = 10000
D = 128
H = 64
G = 128

NC = 2
NS = 16
CHUNK = 128
VROWS = 10240
PT = VROWS // NS
TRASH = N


def _sc_mesh():
    return plsc.VectorSubcoreMesh(core_axis_name="c", subcore_axis_name="s")


_SC_PARAMS = pltpu.CompilerParams(use_tc_tiling_on_sc=False)


def _sc_degree(dst4):
    nch = dst4.shape[2]

    @functools.partial(
        pl.kernel,
        out_type=jax.ShapeDtypeStruct((NC, VROWS), jnp.float32),
        mesh=_sc_mesh(),
        scratch_types=[
            pltpu.VMEM((nch, CHUNK), jnp.int32),
            pltpu.VMEM((CHUNK,), jnp.float32),
            pltpu.VMEM((PT,), jnp.float32),
            pltpu.MemorySpace.VMEM_SHARED((VROWS,), jnp.float32),
        ],
        compiler_params=_SC_PARAMS,
    )
    def deg_kernel(dst_hbm, out_hbm, didx, ones_v, zbuf, acc):
        c = lax.axis_index("c")
        s = lax.axis_index("s")

        def fill1(i, _):
            ones_v[pl.ds(i * 16, 16)] = jnp.ones((16,), jnp.float32)
            return 0

        def fill0(i, _):
            zbuf[pl.ds(i * 16, 16)] = jnp.zeros((16,), jnp.float32)
            return 0

        lax.fori_loop(0, CHUNK // 16, fill1, 0)
        lax.fori_loop(0, PT // 16, fill0, 0)
        pltpu.sync_copy(zbuf, acc.at[pl.ds(s * PT, PT)])
        pltpu.sync_copy(dst_hbm.at[c, s], didx)
        plsc.subcore_barrier()

        def chunk(j, _):
            pltpu.sync_copy(ones_v, acc.at[didx.at[j]], add=True)
            return 0

        lax.fori_loop(0, nch, chunk, 0)
        plsc.subcore_barrier()
        pltpu.sync_copy(acc.at[pl.ds(s * PT, PT)],
                        out_hbm.at[c, pl.ds(s * PT, PT)])

    return deg_kernel(dst4)


def _sc_edge_pass(src4, dst4, table):
    nch = src4.shape[2]

    @functools.partial(
        pl.kernel,
        out_type=jax.ShapeDtypeStruct((NC, VROWS, H), jnp.float32),
        mesh=_sc_mesh(),
        scratch_types=[
            pltpu.VMEM((nch, CHUNK), jnp.int32),
            pltpu.VMEM((nch, CHUNK), jnp.int32),
        ] + [pltpu.VMEM((CHUNK, H), jnp.float32)] * 6 + [
            pltpu.VMEM((CHUNK,), jnp.float32),
            pltpu.MemorySpace.VMEM_SHARED((VROWS, H), jnp.float32),
        ] + [pltpu.SemaphoreType.DMA] * 12,
        compiler_params=_SC_PARAMS,
    )
    def pass_kernel(src_hbm, dst_hbm, tab_hbm, out_hbm, sidx, didx, *rest):
        bufs = rest[0:6]
        acc = rest[7]
        gsems = rest[8:14]
        ssems = rest[14:20]
        c = lax.axis_index("c")
        s = lax.axis_index("s")
        rows0 = bufs[0]

        def zrow(i, _):
            for j in range(H // 16):
                rows0[i, pl.ds(j * 16, 16)] = jnp.zeros((16,), jnp.float32)
            return 0

        lax.fori_loop(0, CHUNK, zrow, 0)

        def zc(k, _):
            pltpu.sync_copy(rows0, acc.at[pl.ds(s * PT + k * CHUNK, CHUNK), :])
            return 0

        lax.fori_loop(0, PT // CHUNK, zc, 0)
        pltpu.sync_copy(src_hbm.at[c, s], sidx)
        pltpu.sync_copy(dst_hbm.at[c, s], didx)
        plsc.subcore_barrier()

        for b in range(3):
            pltpu.async_copy(tab_hbm.at[sidx.at[b]], bufs[b], gsems[b])

        def chunk(j, _):
            for b in range(6):
                @pl.when(lax.rem(j, 6) == b)
                def _():
                    b2 = (b + 3) % 6
                    pltpu.make_async_copy(tab_hbm.at[sidx.at[j]],
                                          bufs[b], gsems[b]).wait()
                    pltpu.async_copy(bufs[b], acc.at[didx.at[j]], ssems[b],
                                     add=True)

                    @pl.when(j >= 3)
                    def _():
                        pltpu.make_async_copy(
                            bufs[b2], acc.at[didx.at[j - 3]],
                            ssems[b2]).wait()

                    @pl.when(j + 3 < nch)
                    def _():
                        pltpu.async_copy(tab_hbm.at[sidx.at[j + 3]],
                                         bufs[b2], gsems[b2])
            return 0

        lax.fori_loop(0, nch, chunk, 0)
        for k in (nch - 3, nch - 2, nch - 1):
            b = k % 6
            pltpu.make_async_copy(bufs[b], acc.at[didx.at[k]],
                                  ssems[b]).wait()
        plsc.subcore_barrier()
        pltpu.sync_copy(acc.at[pl.ds(s * PT, PT), :],
                        out_hbm.at[c, pl.ds(s * PT, PT), :])

    return pass_kernel(src4, dst4, table)


BR = 1000
NBV = N // BR


def _ka_body(x_ref, fm_ref, w1_ref, deg_ref, y_ref, dinv_ref):
    v = pl.program_id(0)
    xb = x_ref[...]
    xb = jnp.where(v == 1, xb * fm_ref[...], xb)
    deg = deg_ref[...] + 1.0
    dinv = lax.rsqrt(deg)
    y = jnp.dot(xb, w1_ref[...], preferred_element_type=jnp.float32)
    y_ref[...] = y * dinv
    dinv_ref[...] = dinv


def _tc_ka(x, fmask, W1, deg):
    return pl.pallas_call(
        _ka_body,
        grid=(2, NBV),
        in_specs=[
            pl.BlockSpec((BR, D), lambda v, i: (i, 0)),
            pl.BlockSpec((1, D), lambda v, i: (0, 0)),
            pl.BlockSpec((D, H), lambda v, i: (0, 0)),
            pl.BlockSpec((BR, 1), lambda v, i: (v * NBV + i, 0)),
        ],
        out_specs=[
            pl.BlockSpec((BR, H), lambda v, i: (v * NBV + i, 0)),
            pl.BlockSpec((BR, 1), lambda v, i: (v * NBV + i, 0)),
        ],
        out_shape=[
            jax.ShapeDtypeStruct((2 * N, H), jnp.float32),
            jax.ShapeDtypeStruct((2 * N, 1), jnp.float32),
        ],
    )(x, fmask, W1, deg)


def _kb_body(acc_ref, y_ref, dinv_ref, b1_ref, w2_ref, out_ref):
    d = dinv_ref[...]
    h = jnp.maximum(d * acc_ref[...] + d * y_ref[...] + b1_ref[...], 0.0)
    out_ref[...] = jnp.dot(h, w2_ref[...],
                           preferred_element_type=jnp.float32) * d


def _tc_kb(acc, y, dinv, b1, W2):
    return pl.pallas_call(
        _kb_body,
        grid=(2 * NBV,),
        in_specs=[
            pl.BlockSpec((BR, H), lambda i: (i, 0)),
            pl.BlockSpec((BR, H), lambda i: (i, 0)),
            pl.BlockSpec((BR, 1), lambda i: (i, 0)),
            pl.BlockSpec((1, H), lambda i: (0, 0)),
            pl.BlockSpec((H, H), lambda i: (0, 0)),
        ],
        out_specs=pl.BlockSpec((BR, H), lambda i: (i, 0)),
        out_shape=jax.ShapeDtypeStruct((2 * N, H), jnp.float32),
    )(acc, y, dinv, b1, W2)


def _kc_body(acc_ref, t_ref, dinv_ref, b2_ref, bat_ref, out_ref):
    j = pl.program_id(1)
    d = dinv_ref[...]
    o2 = d * acc_ref[...] + d * t_ref[...] + b2_ref[...]
    oh = (bat_ref[...] == lax.broadcasted_iota(jnp.int32, (1, G), 1)
          ).astype(jnp.float32)
    zp = lax.dot_general(oh, o2, (((0,), (0,)), ((), ())),
                         preferred_element_type=jnp.float32)

    @pl.when(j == 0)
    def _():
        out_ref[...] = zp[None]

    @pl.when(j > 0)
    def _():
        out_ref[...] += zp[None]


def _tc_kc(acc, t, dinv, b2, batc):
    return pl.pallas_call(
        _kc_body,
        grid=(2, NBV),
        in_specs=[
            pl.BlockSpec((BR, H), lambda v, i: (v * NBV + i, 0)),
            pl.BlockSpec((BR, H), lambda v, i: (v * NBV + i, 0)),
            pl.BlockSpec((BR, 1), lambda v, i: (v * NBV + i, 0)),
            pl.BlockSpec((1, H), lambda v, i: (0, 0)),
            pl.BlockSpec((BR, 1), lambda v, i: (v * NBV + i, 0)),
        ],
        out_specs=pl.BlockSpec((1, G, H), lambda v, i: (v, 0, 0)),
        out_shape=jax.ShapeDtypeStruct((2, G, H), jnp.float32),
        compiler_params=pltpu.CompilerParams(
            dimension_semantics=("arbitrary", "arbitrary")),
    )(acc, t, dinv, b2, batc)


def kernel(x, edge_index, batch, W1, b1, W2, b2):
    E = edge_index.shape[1]
    src, dst = edge_index[0], edge_index[1]

    akey = jax.random.key(42)
    ka, kb = jax.random.split(akey)
    keep = jax.random.uniform(ka, (E,)) >= 0.1
    fmask = (jax.random.uniform(kb, (D,)) >= 0.1).astype(jnp.float32)

    per_tile = -(-E // (NS * CHUNK)) * CHUNK
    pad = NS * per_tile - E
    trash = TRASH + lax.rem(jnp.arange(E, dtype=jnp.int32), 240)
    padi = jnp.zeros((pad,), jnp.int32)
    padt = TRASH + lax.rem(jnp.arange(pad, dtype=jnp.int32), 240)
    src4 = jnp.stack([jnp.concatenate([src, padi]),
                      jnp.concatenate([src + N, padi])])
    dst4 = jnp.stack([jnp.concatenate([jnp.where(keep, dst, trash), padt]),
                      jnp.concatenate([dst, padt])])
    src4 = src4.reshape(NC, NS, per_tile // CHUNK, CHUNK)
    dst4 = dst4.reshape(NC, NS, per_tile // CHUNK, CHUNK)

    degp = _sc_degree(dst4)
    deg2d = degp[:, :N].reshape(2 * N, 1)

    ycat, dinv = _tc_ka(x, fmask[None, :], W1, deg2d)
    acc1 = _sc_edge_pass(src4, dst4, ycat)
    acc1v = acc1[:, :N, :].reshape(2 * N, H)
    tcat = _tc_kb(acc1v, ycat, dinv, b1[None, :], W2)
    acc2 = _sc_edge_pass(src4, dst4, tcat)
    acc2v = acc2[:, :N, :].reshape(2 * N, H)
    batc = jnp.concatenate([batch, batch])[:, None]
    zcat = _tc_kc(acc2v, tcat, dinv, b2[None, :], batc)
    return (zcat[0], zcat[1])

# --- scband reference (transcript-rebuilt; emitter-appended) ---
"""Pipeline reference for scband-encoder-34205119545845 (READ-ONLY COPY).

The authoritative reference and input builder live on the scoring server;
editing this copy changes nothing except your own understanding.
"""

import jax, jax.numpy as jnp
import numpy as np

N = 10000
E = 320000
D = 128
H = 64
G = 128


def setup_inputs(seed: int = 0) -> dict:
    key = jax.random.key(seed)
    k1, k2, k3, k4, k5 = jax.random.split(key, 5)
    x = jax.random.normal(k1, (N, D), dtype=jnp.float32)
    edge_index = jax.random.randint(k2, (2, E), 0, N, dtype=jnp.int32)
    batch = jnp.sort(jax.random.randint(k3, (N,), 0, G, dtype=jnp.int32))
    W1 = jax.random.normal(k4, (D, H), dtype=jnp.float32) * (1.0 / np.sqrt(D))
    b1 = jnp.zeros((H,), dtype=jnp.float32)
    W2 = jax.random.normal(k5, (H, H), dtype=jnp.float32) * (1.0 / np.sqrt(H))
    b2 = jnp.zeros((H,), dtype=jnp.float32)
    return {"x": x, "edge_index": edge_index, "batch": batch, "W1": W1, "b1": b1, "W2": W2, "b2": b2}


def _gcn_conv(x, src, dst, ew, W, b):
    n = x.shape[0]
    loop = jnp.arange(n, dtype=src.dtype)
    s = jnp.concatenate([src, loop])
    d = jnp.concatenate([dst, loop])
    w = jnp.concatenate([ew, jnp.ones((n,), dtype=x.dtype)])
    deg = jnp.zeros((n,), dtype=x.dtype).at[d].add(w)
    dinv = jnp.where(deg > 0, 1.0 / jnp.sqrt(deg), 0.0)
    norm = dinv[s] * dinv[d] * w
    msg = x[s] * norm[:, None]
    agg = jnp.zeros((n, x.shape[1]), dtype=x.dtype).at[d].add(msg)
    return agg @ W + b


def _gcn(x, edge_index, ew, batch, W1, b1, W2, b2):
    src, dst = edge_index[0], edge_index[1]
    h = jax.nn.relu(_gcn_conv(x, src, dst, ew, W1, b1))
    h = _gcn_conv(h, src, dst, ew, W2, b2)
    return jax.ops.segment_sum(h, batch, num_segments=G)


def reference(x, edge_index, batch, W1, b1, W2, b2):
    akey = jax.random.key(42)
    ka, kb = jax.random.split(akey)
    # aug1: EdgeRemoving(pe=0.1) -- drop each edge with prob 0.1
    keep = jax.random.uniform(ka, (edge_index.shape[1],)) >= 0.1
    ew1 = keep.astype(x.dtype)
    # aug2: FeatureMasking(pf=0.1) -- zero each feature dim with prob 0.1
    fmask = (jax.random.uniform(kb, (x.shape[1],)) >= 0.1).astype(x.dtype)
    x2 = x * fmask[None, :]
    z1 = _gcn(x, edge_index, ew1, batch, W1, b1, W2, b2)
    z2 = _gcn(x2, edge_index, jnp.ones((edge_index.shape[1],), dtype=x.dtype), batch, W1, b1, W2, b2)
    return (z1, z2)

if __name__ == "__main__":
    import jax
    _d = setup_inputs()
    print(jax.jit(kernel)(*tuple(_d.values())))

</pallas_src>

<mosaic_0001>
#map = affine_map<(d0, d1) -> (0, 0, 0, 0)>
#map1 = affine_map<(d0, d1) -> (0, 0)>
#map2 = affine_map<(d0, d1) -> (0, 0, 0)>
module attributes {stable_mosaic.version = 14 : i64} {
  func.func @pass_kernel(%arg0: i32, %arg1: i32, %arg2: memref<2x16x157x128xi32, #tpu.memory_space<hbm>>, %arg3: memref<2x16x157x128xi32, #tpu.memory_space<hbm>>, %arg4: memref<20000x64xf32, #tpu.memory_space<hbm>>, %arg5: memref<2x10240x64xf32, #tpu.memory_space<hbm>>, %arg6: memref<157x128xi32, #tpu.memory_space<vmem>>, %arg7: memref<157x128xi32, #tpu.memory_space<vmem>>, %arg8: memref<128x64xf32, #tpu.memory_space<vmem>>, %arg9: memref<128x64xf32, #tpu.memory_space<vmem>>, %arg10: memref<128x64xf32, #tpu.memory_space<vmem>>, %arg11: memref<128x64xf32, #tpu.memory_space<vmem>>, %arg12: memref<128x64xf32, #tpu.memory_space<vmem>>, %arg13: memref<128x64xf32, #tpu.memory_space<vmem>>, %arg14: memref<128xf32, #tpu.memory_space<vmem>>, %arg15: memref<10240x64xf32, #tpu.memory_space<vmem_shared>>, %arg16: memref<!tpu.dma_semaphore, #tpu.memory_space<semaphore_mem>>, %arg17: memref<!tpu.dma_semaphore, #tpu.memory_space<semaphore_mem>>, %arg18: memref<!tpu.dma_semaphore, #tpu.memory_space<semaphore_mem>>, %arg19: memref<!tpu.dma_semaphore, #tpu.memory_space<semaphore_mem>>, %arg20: memref<!tpu.dma_semaphore, #tpu.memory_space<semaphore_mem>>, %arg21: memref<!tpu.dma_semaphore, #tpu.memory_space<semaphore_mem>>, %arg22: memref<!tpu.dma_semaphore, #tpu.memory_space<semaphore_mem>>, %arg23: memref<!tpu.dma_semaphore, #tpu.memory_space<semaphore_mem>>, %arg24: memref<!tpu.dma_semaphore, #tpu.memory_space<semaphore_mem>>, %arg25: memref<!tpu.dma_semaphore, #tpu.memory_space<semaphore_mem>>, %arg26: memref<!tpu.dma_semaphore, #tpu.memory_space<semaphore_mem>>, %arg27: memref<!tpu.dma_semaphore, #tpu.memory_space<semaphore_mem>>) attributes {dimension_semantics = [#tpu.dimension_semantics<core_parallel>, #tpu.dimension_semantics<subcore_parallel>], iteration_bounds = array<i64: 2, 16>, scalar_prefetch = 0 : i64, scratch_operands = 22 : i64, tpu.core_type = #tpu.core_type<sc_vector_subcore>, window_params = [{transform_indices = #map}, {transform_indices = #map}, {transform_indices = #map1}, {transform_indices = #map2}]} {
    %scan3A = arith.constant 0 : i32
    %scan3A_0 = arith.constant 0 : i32
    %scan3A_1 = arith.constant 128 : i32
    %scan3A_2 = arith.addi %scan3A_0, %scan3A_1 : i32
    %scan3A_3 = arith.constant 1 : i32
    %scan3A_4 = scf.for %scan3A_64 = %scan3A_0 to %scan3A_2 step %scan3A_3 iter_args(%scan3A_65 = %scan3A) -> (i32)  : i32 {
      %broadcast_in_dim3A = arith.constant 0.000000e+00 : f32
      %broadcast_in_dim3A_66 = vector.broadcast %broadcast_in_dim3A : f32 to vector<16xf32>
      %swap3A = arith.index_cast %scan3A_64 : i32 to index
      %swap3A_67 = arith.constant 0 : index
      %swap3A_68 = tpu.vector_load %arg8[%swap3A, %swap3A_67] {strides = array<i32>} : memref<128x64xf32, #tpu.memory_space<vmem>>, vector<1x16xf32>,
      %swap3A_69 = vector.shape_cast %swap3A_68 : vector<1x16xf32> to vector<16xf32>
      %swap3A_70 = vector.shape_cast %broadcast_in_dim3A_66 : vector<16xf32> to vector<1x16xf32>
      tpu.vector_store %arg8[%swap3A, %swap3A_67], %swap3A_70 {strides = array<i32>} : memref<128x64xf32, #tpu.memory_space<vmem>>, vector<1x16xf32>,
      %broadcast_in_dim3A_71 = arith.constant 0.000000e+00 : f32
      %broadcast_in_dim3A_72 = vector.broadcast %broadcast_in_dim3A_71 : f32 to vector<16xf32>
      %swap3A_73 = arith.index_cast %scan3A_64 : i32 to index
      %swap3A_74 = arith.constant 16 : index
      %swap3A_75 = tpu.vector_load %arg8[%swap3A_73, %swap3A_74] {strides = array<i32>} : memref<128x64xf32, #tpu.memory_space<vmem>>, vector<1x16xf32>,
      %swap3A_76 = vector.shape_cast %swap3A_75 : vector<1x16xf32> to vector<16xf32>
      %swap3A_77 = vector.shape_cast %broadcast_in_dim3A_72 : vector<16xf32> to vector<1x16xf32>
      tpu.vector_store %arg8[%swap3A_73, %swap3A_74], %swap3A_77 {strides = array<i32>} : memref<128x64xf32, #tpu.memory_space<vmem>>, vector<1x16xf32>,
      %broadcast_in_dim3A_78 = arith.constant 0.000000e+00 : f32
      %broadcast_in_dim3A_79 = vector.broadcast %broadcast_in_dim3A_78 : f32 to vector<16xf32>
      %swap3A_80 = arith.index_cast %scan3A_64 : i32 to index
      %swap3A_81 = arith.constant 32 : index
      %swap3A_82 = tpu.vector_load %arg8[%swap3A_80, %swap3A_81] {strides = array<i32>} : memref<128x64xf32, #tpu.memory_space<vmem>>, vector<1x16xf32>,
      %swap3A_83 = vector.shape_cast %swap3A_82 : vector<1x16xf32> to vector<16xf32>
      %swap3A_84 = vector.shape_cast %broadcast_in_dim3A_79 : vector<16xf32> to vector<1x16xf32>
      tpu.vector_store %arg8[%swap3A_80, %swap3A_81], %swap3A_84 {strides = array<i32>} : memref<128x64xf32, #tpu.memory_space<vmem>>, vector<1x16xf32>,
      %broadcast_in_dim3A_85 = arith.constant 0.000000e+00 : f32
      %broadcast_in_dim3A_86 = vector.broadcast %broadcast_in_dim3A_85 : f32 to vector<16xf32>
      %swap3A_87 = arith.index_cast %scan3A_64 : i32 to index
      %swap3A_88 = arith.constant 48 : index
      %swap3A_89 = tpu.vector_load %arg8[%swap3A_87, %swap3A_88] {strides = array<i32>} : memref<128x64xf32, #tpu.memory_space<vmem>>, vector<1x16xf32>,
      %swap3A_90 = vector.shape_cast %swap3A_89 : vector<1x16xf32> to vector<16xf32>
      %swap3A_91 = vector.shape_cast %broadcast_in_dim3A_86 : vector<16xf32> to vector<1x16xf32>
      tpu.vector_store %arg8[%swap3A_87, %swap3A_88], %swap3A_91 {strides = array<i32>} : memref<128x64xf32, #tpu.memory_space<vmem>>, vector<1x16xf32>,
      %scan3A_92 = arith.constant 0 : i32
      scf.yield %scan3A_92 : i32
    }
    %scan3A_5 = arith.constant 128 : i32
    %scan3A_6 = arith.constant 0 : i32
    %scan3A_7 = arith.constant 0 : i32
    %scan3A_8 = arith.constant 5 : i32
    %scan3A_9 = arith.addi %scan3A_7, %scan3A_8 : i32
    %scan3A_10 = arith.constant 1 : i32
    %scan3A_11 = scf.for %scan3A_64 = %scan3A_7 to %scan3A_9 step %scan3A_10 iter_args(%scan3A_65 = %scan3A_6) -> (i32)  : i32 {
      %mul3A_66 = arith.constant 640 : i32
      %mul3A_67 = arith.muli %arg1, %mul3A_66 : i32
      %mul3A_68 = arith.constant 128 : i32
      %mul3A_69 = arith.muli %scan3A_64, %mul3A_68 : i32
      %add3A = arith.addi %mul3A_67, %mul3A_69 : i32
      "tpu.region"() ({
        %run_scoped3A = tpu.sem_alloc : memref<!tpu.dma_semaphore, #tpu.memory_space<semaphore_mem>>
        %dma_start3A_71 = arith.constant 0 : i32
        %dma_start3A_72 = tpu.memref_slice %arg15[%add3A, %dma_start3A_71] : memref<10240x64xf32, #tpu.memory_space<vmem_shared>> -> memref<128x64xf32, #tpu.memory_space<vmem_shared>>
        %dma_start3A_73 = arith.constant 0 : i32
        %dma_start3A_74 = tpu.memref_slice %arg15[%add3A, %dma_start3A_73] : memref<10240x64xf32, #tpu.memory_space<vmem_shared>> -> memref<128x64xf32, #tpu.memory_space<vmem_shared>>
        tpu.enqueue_dma source(%arg8 : memref<128x64xf32, #tpu.memory_space<vmem>>) target(%dma_start3A_74 : memref<128x64xf32, #tpu.memory_space<vmem_shared>>) target_semaphore(%run_scoped3A : memref<!tpu.dma_semaphore, #tpu.memory_space<semaphore_mem>>)
        %dma_wait3A_75 = arith.constant 0 : i32
        %dma_wait3A_76 = tpu.memref_slice %arg15[%add3A, %dma_wait3A_75] : memref<10240x64xf32, #tpu.memory_space<vmem_shared>> -> memref<128x64xf32, #tpu.memory_space<vmem_shared>>
        %dma_wait3A_77 = arith.constant 0 : i32
        %dma_wait3A_78 = tpu.memref_slice %arg15[%add3A, %dma_wait3A_77] : memref<10240x64xf32, #tpu.memory_space<vmem_shared>> -> memref<128x64xf32, #tpu.memory_space<vmem_shared>>
        tpu.wait_dma2 semaphore(%run_scoped3A : memref<!tpu.dma_semaphore, #tpu.memory_space<semaphore_mem>>) src(%arg8 : memref<128x64xf32, #tpu.memory_space<vmem>>) dst(%dma_wait3A_78 : memref<128x64xf32, #tpu.memory_space<vmem_shared>>)
        tpu.yield
      }) : () -> ()
      %scan3A_70 = arith.constant 0 : i32
      scf.yield %scan3A_70 : i32
    }
    %scan3A_12 = arith.constant 5 : i32
    "tpu.region"() ({
      %run_scoped3A = tpu.sem_alloc : memref<!tpu.dma_semaphore, #tpu.memory_space<semaphore_mem>>
      %dma_start3A_64 = arith.constant 0 : i32
      %dma_start3A_65 = arith.constant 0 : i32
      %dma_start3A_66 = tpu.memref_slice %arg2[%arg0, %arg1, %dma_start3A_64, %dma_start3A_65] : memref<2x16x157x128xi32, #tpu.memory_space<hbm>> -> memref<1x1x157x128xi32, #tpu.memory_space<hbm>>
      %dma_start3A_67 = tpu.memref_squeeze %dma_start3A_66 : memref<1x1x157x128xi32, #tpu.memory_space<hbm>> -> memref<157x128xi32, #tpu.memory_space<hbm>>
      %dma_start3A_68 = arith.constant 0 : i32
      %dma_start3A_69 = arith.constant 0 : i32
      %dma_start3A_70 = tpu.memref_slice %arg2[%arg0, %arg1, %dma_start3A_68, %dma_start3A_69] : memref<2x16x157x128xi32, #tpu.memory_space<hbm>> -> memref<1x1x157x128xi32, #tpu.memory_space<hbm>>
      %dma_start3A_71 = tpu.memref_squeeze %dma_start3A_70 : memref<1x1x157x128xi32, #tpu.memory_space<hbm>> -> memref<157x128xi32, #tpu.memory_space<hbm>>
      tpu.enqueue_dma source(%dma_start3A_71 : memref<157x128xi32, #tpu.memory_space<hbm>>) target(%arg6 : memref<157x128xi32, #tpu.memory_space<vmem>>) target_semaphore(%run_scoped3A : memref<!tpu.dma_semaphore, #tpu.memory_space<semaphore_mem>>)
      %dma_wait3A_72 = arith.constant 0 : i32
      %dma_wait3A_73 = arith.constant 0 : i32
      %dma_wait3A_74 = tpu.memref_slice %arg2[%arg0, %arg1, %dma_wait3A_72, %dma_wait3A_73] : memref<2x16x157x128xi32, #tpu.memory_space<hbm>> -> memref<1x1x157x128xi32, #tpu.memory_space<hbm>>
      %dma_wait3A_75 = tpu.memref_squeeze %dma_wait3A_74 : memref<1x1x157x128xi32, #tpu.memory_space<hbm>> -> memref<157x128xi32, #tpu.memory_space<hbm>>
      %dma_wait3A_76 = arith.constant 0 : i32
      %dma_wait3A_77 = arith.constant 0 : i32
      %dma_wait3A_78 = tpu.memref_slice %arg2[%arg0, %arg1, %dma_wait3A_76, %dma_wait3A_77] : memref<2x16x157x128xi32, #tpu.memory_space<hbm>> -> memref<1x1x157x128xi32, #tpu.memory_space<hbm>>
      %dma_wait3A_79 = tpu.memref_squeeze %dma_wait3A_78 : memref<1x1x157x128xi32, #tpu.memory_space<hbm>> -> memref<157x128xi32, #tpu.memory_space<hbm>>
      tpu.wait_dma2 semaphore(%run_scoped3A : memref<!tpu.dma_semaphore, #tpu.memory_space<semaphore_mem>>) src(%dma_wait3A_79 : memref<157x128xi32, #tpu.memory_space<hbm>>) dst(%arg6 : memref<157x128xi32, #tpu.memory_space<vmem>>)
      tpu.yield
    }) : () -> ()
    "tpu.region"() ({
      %run_scoped3A = tpu.sem_alloc : memref<!tpu.dma_semaphore, #tpu.memory_space<semaphore_mem>>
      %dma_start3A_64 = arith.constant 0 : i32
      %dma_start3A_65 = arith.constant 0 : i32
      %dma_start3A_66 = tpu.memref_slice %arg3[%arg0, %arg1, %dma_start3A_64, %dma_start3A_65] : memref<2x16x157x128xi32, #tpu.memory_space<hbm>> -> memref<1x1x157x128xi32, #tpu.memory_space<hbm>>
      %dma_start3A_67 = tpu.memref_squeeze %dma_start3A_66 : memref<1x1x157x128xi32, #tpu.memory_space<hbm>> -> memref<157x128xi32, #tpu.memory_space<hbm>>
      %dma_start3A_68 = arith.constant 0 : i32
      %dma_start3A_69 = arith.constant 0 : i32
      %dma_start3A_70 = tpu.memref_slice %arg3[%arg0, %arg1, %dma_start3A_68, %dma_start3A_69] : memref<2x16x157x128xi32, #tpu.memory_space<hbm>> -> memref<1x1x157x128xi32, #tpu.memory_space<hbm>>
      %dma_start3A_71 = tpu.memref_squeeze %dma_start3A_70 : memref<1x1x157x128xi32, #tpu.memory_space<hbm>> -> memref<157x128xi32, #tpu.memory_space<hbm>>
      tpu.enqueue_dma source(%dma_start3A_71 : memref<157x128xi32, #tpu.memory_space<hbm>>) target(%arg7 : memref<157x128xi32, #tpu.memory_space<vmem>>) target_semaphore(%run_scoped3A : memref<!tpu.dma_semaphore, #tpu.memory_space<semaphore_mem>>)
      %dma_wait3A_72 = arith.constant 0 : i32
      %dma_wait3A_73 = arith.constant 0 : i32
      %dma_wait3A_74 = tpu.memref_slice %arg3[%arg0, %arg1, %dma_wait3A_72, %dma_wait3A_73] : memref<2x16x157x128xi32, #tpu.memory_space<hbm>> -> memref<1x1x157x128xi32, #tpu.memory_space<hbm>>
      %dma_wait3A_75 = tpu.memref_squeeze %dma_wait3A_74 : memref<1x1x157x128xi32, #tpu.memory_space<hbm>> -> memref<157x128xi32, #tpu.memory_space<hbm>>
      %dma_wait3A_76 = arith.constant 0 : i32
      %dma_wait3A_77 = arith.constant 0 : i32
      %dma_wait3A_78 = tpu.memref_slice %arg3[%arg0, %arg1, %dma_wait3A_76, %dma_wait3A_77] : memref<2x16x157x128xi32, #tpu.memory_space<hbm>> -> memref<1x1x157x128xi32, #tpu.memory_space<hbm>>
      %dma_wait3A_79 = tpu.memref_squeeze %dma_wait3A_78 : memref<1x1x157x128xi32, #tpu.memory_space<hbm>> -> memref<157x128xi32, #tpu.memory_space<hbm>>
      tpu.wait_dma2 semaphore(%run_scoped3A : memref<!tpu.dma_semaphore, #tpu.memory_space<semaphore_mem>>) src(%dma_wait3A_79 : memref<157x128xi32, #tpu.memory_space<hbm>>) dst(%arg7 : memref<157x128xi32, #tpu.memory_space<vmem>>)
      tpu.yield
    }) : () -> ()
    %barrier3A = arith.constant 0 : index
    tpu.barrier barrier_id(%barrier3A)
    %dma_start3A = arith.constant 0 : i32
    %dma_start3A_13 = arith.constant 0 : i32
    %dma_start3A_14 = tpu.memref_slice %arg6[%dma_start3A, %dma_start3A_13] : memref<157x128xi32, #tpu.memory_space<vmem>> -> memref<1x128xi32, #tpu.memory_space<vmem>>
    %dma_start3A_15 = tpu.memref_squeeze %dma_start3A_14 : memref<1x128xi32, #tpu.memory_space<vmem>> -> memref<128xi32, #tpu.memory_space<vmem>>
    %dma_start3A_16 = arith.constant 0 : i32
    %dma_start3A_17 = arith.constant 0 : i32
    %dma_start3A_18 = tpu.memref_slice %arg4[%dma_start3A_16, %dma_start3A_17] : memref<20000x64xf32, #tpu.memory_space<hbm>> -> memref<20000x64xf32, #tpu.memory_space<hbm>>
    tpu.enqueue_indirect_dma source(%dma_start3A_18 : memref<20000x64xf32, #tpu.memory_space<hbm>>) target(%arg8 : memref<128x64xf32, #tpu.memory_space<vmem>>) offsets(%dma_start3A_15 : memref<128xi32, #tpu.memory_space<vmem>>) semaphore(%arg16 : memref<!tpu.dma_semaphore, #tpu.memory_space<semaphore_mem>>)
    %dma_start3A_19 = arith.constant 1 : i32
    %dma_start3A_20 = arith.constant 0 : i32
    %dma_start3A_21 = tpu.memref_slice %arg6[%dma_start3A_19, %dma_start3A_20] : memref<157x128xi32, #tpu.memory_space<vmem>> -> memref<1x128xi32, #tpu.memory_space<vmem>>
    %dma_start3A_22 = tpu.memref_squeeze %dma_start3A_21 : memref<1x128xi32, #tpu.memory_space<vmem>> -> memref<128xi32, #tpu.memory_space<vmem>>
    %dma_start3A_23 = arith.constant 0 : i32
    %dma_start3A_24 = arith.constant 0 : i32
    %dma_start3A_25 = tpu.memref_slice %arg4[%dma_start3A_23, %dma_start3A_24] : memref<20000x64xf32, #tpu.memory_space<hbm>> -> memref<20000x64xf32, #tpu.memory_space<hbm>>
    tpu.enqueue_indirect_dma source(%dma_start3A_25 : memref<20000x64xf32, #tpu.memory_space<hbm>>) target(%arg9 : memref<128x64xf32, #tpu.memory_space<vmem>>) offsets(%dma_start3A_22 : memref<128xi32, #tpu.memory_space<vmem>>) semaphore(%arg17 : memref<!tpu.dma_semaphore, #tpu.memory_space<semaphore_mem>>)
    %dma_start3A_26 = arith.constant 2 : i32
    %dma_start3A_27 = arith.constant 0 : i32
    %dma_start3A_28 = tpu.memref_slice %arg6[%dma_start3A_26, %dma_start3A_27] : memref<157x128xi32, #tpu.memory_space<vmem>> -> memref<1x128xi32, #tpu.memory_space<vmem>>
    %dma_start3A_29 = tpu.memref_squeeze %dma_start3A_28 : memref<1x128xi32, #tpu.memory_space<vmem>> -> memref<128xi32, #tpu.memory_space<vmem>>
    %dma_start3A_30 = arith.constant 0 : i32
    %dma_start3A_31 = arith.constant 0 : i32
    %dma_start3A_32 = tpu.memref_slice %arg4[%dma_start3A_30, %dma_start3A_31] : memref<20000x64xf32, #tpu.memory_space<hbm>> -> memref<20000x64xf32, #tpu.memory_space<hbm>>
    tpu.enqueue_indirect_dma source(%dma_start3A_32 : memref<20000x64xf32, #tpu.memory_space<hbm>>) target(%arg10 : memref<128x64xf32, #tpu.memory_space<vmem>>) offsets(%dma_start3A_29 : memref<128xi32, #tpu.memory_space<vmem>>) semaphore(%arg18 : memref<!tpu.dma_semaphore, #tpu.memory_space<semaphore_mem>>)
    %scan3A_33 = arith.constant 0 : i32
    %scan3A_34 = arith.constant 0 : i32
    %scan3A_35 = arith.constant 157 : i32
    %scan3A_36 = arith.addi %scan3A_34, %scan3A_35 : i32
    %scan3A_37 = arith.constant 1 : i32
    %scan3A_38 = scf.for %scan3A_64 = %scan3A_34 to %scan3A_36 step %scan3A_37 iter_args(%scan3A_65 = %scan3A_33) -> (i32)  : i32 {
      %rem3A = arith.constant 6 : i32
      %rem3A_66 = arith.remsi %scan3A_64, %rem3A : i32
      %eq3A = arith.constant 0 : i32
      %eq3A_67 = arith.cmpi eq, %rem3A_66, %eq3A : i32
      %convert_element_type3A = arith.extui %eq3A_67 : i1 to i32
      %cond3A = arith.constant 0 : i32
      %cond3A_68 = arith.cmpi ne, %convert_element_type3A, %cond3A : i32
      scf.if %cond3A_68 {
        %dma_wait3A_105 = arith.constant 0 : i32
        %dma_wait3A_106 = tpu.memref_slice %arg6[%scan3A_64, %dma_wait3A_105] : memref<157x128xi32, #tpu.memory_space<vmem>> -> memref<1x128xi32, #tpu.memory_space<vmem>>
        %dma_wait3A_107 = tpu.memref_squeeze %dma_wait3A_106 : memref<1x128xi32, #tpu.memory_space<vmem>> -> memref<128xi32, #tpu.memory_space<vmem>>
        %dma_wait3A_108 = arith.constant 0 : i32
        %dma_wait3A_109 = arith.constant 0 : i32
        %dma_wait3A_110 = tpu.memref_slice %arg4[%dma_wait3A_108, %dma_wait3A_109] : memref<20000x64xf32, #tpu.memory_space<hbm>> -> memref<20000x64xf32, #tpu.memory_space<hbm>>
        tpu.wait_indirect_dma semaphore(%arg16 : memref<!tpu.dma_semaphore, #tpu.memory_space<semaphore_mem>>) src(%dma_wait3A_110 : memref<20000x64xf32, #tpu.memory_space<hbm>>) dst(%arg8 : memref<128x64xf32, #tpu.memory_space<vmem>>)
        %dma_start3A_111 = arith.constant 0 : i32
        %dma_start3A_112 = tpu.memref_slice %arg7[%scan3A_64, %dma_start3A_111] : memref<157x128xi32, #tpu.memory_space<vmem>> -> memref<1x128xi32, #tpu.memory_space<vmem>>
        %dma_start3A_113 = tpu.memref_squeeze %dma_start3A_112 : memref<1x128xi32, #tpu.memory_space<vmem>> -> memref<128xi32, #tpu.memory_space<vmem>>
        %dma_start3A_114 = arith.constant 0 : i32
        %dma_start3A_115 = arith.constant 0 : i32
        %dma_start3A_116 = tpu.memref_slice %arg15[%dma_start3A_114, %dma_start3A_115] : memref<10240x64xf32, #tpu.memory_space<vmem_shared>> -> memref<10240x64xf32, #tpu.memory_space<vmem_shared>>
        tpu.enqueue_indirect_dma source(%arg8 : memref<128x64xf32, #tpu.memory_space<vmem>>) target(%dma_start3A_116 : memref<10240x64xf32, #tpu.memory_space<vmem_shared>>) offsets(%dma_start3A_113 : memref<128xi32, #tpu.memory_space<vmem>>) semaphore(%arg22 : memref<!tpu.dma_semaphore, #tpu.memory_space<semaphore_mem>>) {add = true}
        %ge3A = arith.constant 3 : i32
        %ge3A_117 = arith.cmpi sge, %scan3A_64, %ge3A : i32
        %convert_element_type3A_118 = arith.extui %ge3A_117 : i1 to i32
        %cond3A_119 = arith.constant 0 : i32
        %cond3A_120 = arith.cmpi ne, %convert_element_type3A_118, %cond3A_119 : i32
        scf.if %cond3A_120 {
          %sub3A = arith.constant 3 : i32
          %sub3A_126 = arith.subi %scan3A_64, %sub3A : i32
          %dma_wait3A_127 = arith.constant 0 : i32
          %dma_wait3A_128 = tpu.memref_slice %arg7[%sub3A_126, %dma_wait3A_127] : memref<157x128xi32, #tpu.memory_space<vmem>> -> memref<1x128xi32, #tpu.memory_space<vmem>>
          %dma_wait3A_129 = tpu.memref_squeeze %dma_wait3A_128 : memref<1x128xi32, #tpu.memory_space<vmem>> -> memref<128xi32, #tpu.memory_space<vmem>>
          %dma_wait3A_130 = arith.constant 0 : i32
          %dma_wait3A_131 = arith.constant 0 : i32
          %dma_wait3A_132 = tpu.memref_slice %arg15[%dma_wait3A_130, %dma_wait3A_131] : memref<10240x64xf32, #tpu.memory_space<vmem_shared>> -> memref<10240x64xf32, #tpu.memory_space<vmem_shared>>
          tpu.wait_indirect_dma semaphore(%arg25 : memref<!tpu.dma_semaphore, #tpu.memory_space<semaphore_mem>>) src(%arg11 : memref<128x64xf32, #tpu.memory_space<vmem>>) dst(%dma_wait3A_132 : memref<10240x64xf32, #tpu.memory_space<vmem_shared>>)
        } else {
        }
        %add3A = arith.constant 3 : i32
        %add3A_121 = arith.addi %scan3A_64, %add3A : i32
        %lt3A = arith.constant 157 : i32
        %lt3A_122 = arith.cmpi slt, %add3A_121, %lt3A : i32
        %convert_element_type3A_123 = arith.extui %lt3A_122 : i1 to i32
        %cond3A_124 = arith.constant 0 : i32
        %cond3A_125 = arith.cmpi ne, %convert_element_type3A_123, %cond3A_124 : i32
        scf.if %cond3A_125 {
          %add3A_126 = arith.constant 3 : i32
          %add3A_127 = arith.addi %scan3A_64, %add3A_126 : i32
          %dma_start3A_128 = arith.constant 0 : i32
          %dma_start3A_129 = tpu.memref_slice %arg6[%add3A_127, %dma_start3A_128] : memref<157x128xi32, #tpu.memory_space<vmem>> -> memref<1x128xi32, #tpu.memory_space<vmem>>
          %dma_start3A_130 = tpu.memref_squeeze %dma_start3A_129 : memref<1x128xi32, #tpu.memory_space<vmem>> -> memref<128xi32, #tpu.memory_space<vmem>>
          %dma_start3A_131 = arith.constant 0 : i32
          %dma_start3A_132 = arith.constant 0 : i32
          %dma_start3A_133 = tpu.memref_slice %arg4[%dma_start3A_131, %dma_start3A_132] : memref<20000x64xf32, #tpu.memory_space<hbm>> -> memref<20000x64xf32, #tpu.memory_space<hbm>>
          tpu.enqueue_indirect_dma source(%dma_start3A_133 : memref<20000x64xf32, #tpu.memory_space<hbm>>) target(%arg11 : memref<128x64xf32, #tpu.memory_space<vmem>>) offsets(%dma_start3A_130 : memref<128xi32, #tpu.memory_space<vmem>>) semaphore(%arg19 : memref<!tpu.dma_semaphore, #tpu.memory_space<semaphore_mem>>)
        } else {
        }
      } else {
      }
      %rem3A_69 = arith.constant 6 : i32
      %rem3A_70 = arith.remsi %scan3A_64, %rem3A_69 : i32
      %eq3A_71 = arith.constant 1 : i32
      %eq3A_72 = arith.cmpi eq, %rem3A_70, %eq3A_71 : i32
      %convert_element_type3A_73 = arith.extui %eq3A_72 : i1 to i32
      %cond3A_74 = arith.constant 0 : i32
      %cond3A_75 = arith.cmpi ne, %convert_element_type3A_73, %cond3A_74 : i32
      scf.if %cond3A_75 {
        %dma_wait3A_105 = arith.constant 0 : i32
        %dma_wait3A_106 = tpu.memref_slice %arg6[%scan3A_64, %dma_wait3A_105] : memref<157x128xi32, #tpu.memory_space<vmem>> -> memref<1x128xi32, #tpu.memory_space<vmem>>
        %dma_wait3A_107 = tpu.memref_squeeze %dma_wait3A_106 : memref<1x128xi32, #tpu.memory_space<vmem>> -> memref<128xi32, #tpu.memory_space<vmem>>
        %dma_wait3A_108 = arith.constant 0 : i32
        %dma_wait3A_109 = arith.constant 0 : i32
        %dma_wait3A_110 = tpu.memref_slice %arg4[%dma_wait3A_108, %dma_wait3A_109] : memref<20000x64xf32, #tpu.memory_space<hbm>> -> memref<20000x64xf32, #tpu.memory_space<hbm>>
        tpu.wait_indirect_dma semaphore(%arg17 : memref<!tpu.dma_semaphore, #tpu.memory_space<semaphore_mem>>) src(%dma_wait3A_110 : memref<20000x64xf32, #tpu.memory_space<hbm>>) dst(%arg9 : memref<128x64xf32, #tpu.memory_space<vmem>>)
        %dma_start3A_111 = arith.constant 0 : i32
        %dma_start3A_112 = tpu.memref_slice %arg7[%scan3A_64, %dma_start3A_111] : memref<157x128xi32, #tpu.memory_space<vmem>> -> memref<1x128xi32, #tpu.memory_space<vmem>>
        %dma_start3A_113 = tpu.memref_squeeze %dma_start3A_112 : memref<1x128xi32, #tpu.memory_space<vmem>> -> memref<128xi32, #tpu.memory_space<vmem>>
        %dma_start3A_114 = arith.constant 0 : i32
        %dma_start3A_115 = arith.constant 0 : i32
        %dma_start3A_116 = tpu.memref_slice %arg15[%dma_start3A_114, %dma_start3A_115] : memref<10240x64xf32, #tpu.memory_space<vmem_shared>> -> memref<10240x64xf32, #tpu.memory_space<vmem_shared>>
        tpu.enqueue_indirect_dma source(%arg9 : memref<128x64xf32, #tpu.memory_space<vmem>>) target(%dma_start3A_116 : memref<10240x64xf32, #tpu.memory_space<vmem_shared>>) offsets(%dma_start3A_113 : memref<128xi32, #tpu.memory_space<vmem>>) semaphore(%arg23 : memref<!tpu.dma_semaphore, #tpu.memory_space<semaphore_mem>>) {add = true}
        %ge3A = arith.constant 3 : i32
        %ge3A_117 = arith.cmpi sge, %scan3A_64, %ge3A : i32
        %convert_element_type3A_118 = arith.extui %ge3A_117 : i1 to i32
        %cond3A_119 = arith.constant 0 : i32
        %cond3A_120 = arith.cmpi ne, %convert_element_type3A_118, %cond3A_119 : i32
        scf.if %cond3A_120 {
          %sub3A = arith.constant 3 : i32
          %sub3A_126 = arith.subi %scan3A_64, %sub3A : i32
          %dma_wait3A_127 = arith.constant 0 : i32
          %dma_wait3A_128 = tpu.memref_slice %arg7[%sub3A_126, %dma_wait3A_127] : memref<157x128xi32, #tpu.memory_space<vmem>> -> memref<1x128xi32, #tpu.memory_space<vmem>>
          %dma_wait3A_129 = tpu.memref_squeeze %dma_wait3A_128 : memref<1x128xi32, #tpu.memory_space<vmem>> -> memref<128xi32, #tpu.memory_space<vmem>>
          %dma_wait3A_130 = arith.constant 0 : i32
          %dma_wait3A_131 = arith.constant 0 : i32
          %dma_wait3A_132 = tpu.memref_slice %arg15[%dma_wait3A_130, %dma_wait3A_131] : memref<10240x64xf32, #tpu.memory_space<vmem_shared>> -> memref<10240x64xf32, #tpu.memory_space<vmem_shared>>
          tpu.wait_indirect_dma semaphore(%arg26 : memref<!tpu.dma_semaphore, #tpu.memory_space<semaphore_mem>>) src(%arg12 : memref<128x64xf32, #tpu.memory_space<vmem>>) dst(%dma_wait3A_132 : memref<10240x64xf32, #tpu.memory_space<vmem_shared>>)
        } else {
        }
        %add3A = arith.constant 3 : i32
        %add3A_121 = arith.addi %scan3A_64, %add3A : i32
        %lt3A = arith.constant 157 : i32
        %lt3A_122 = arith.cmpi slt, %add3A_121, %lt3A : i32
        %convert_element_type3A_123 = arith.extui %lt3A_122 : i1 to i32
        %cond3A_124 = arith.constant 0 : i32
        %cond3A_125 = arith.cmpi ne, %convert_element_type3A_123, %cond3A_124 : i32
        scf.if %cond3A_125 {
          %add3A_126 = arith.constant 3 : i32
          %add3A_127 = arith.addi %scan3A_64, %add3A_126 : i32
          %dma_start3A_128 = arith.constant 0 : i32
          %dma_start3A_129 = tpu.memref_slice %arg6[%add3A_127, %dma_start3A_128] : memref<157x128xi32, #tpu.memory_space<vmem>> -> memref<1x128xi32, #tpu.memory_space<vmem>>
          %dma_start3A_130 = tpu.memref_squeeze %dma_start3A_129 : memref<1x128xi32, #tpu.memory_space<vmem>> -> memref<128xi32, #tpu.memory_space<vmem>>
          %dma_start3A_131 = arith.constant 0 : i32
          %dma_start3A_132 = arith.constant 0 : i32
          %dma_start3A_133 = tpu.memref_slice %arg4[%dma_start3A_131, %dma_start3A_132] : memref<20000x64xf32, #tpu.memory_space<hbm>> -> memref<20000x64xf32, #tpu.memory_space<hbm>>
          tpu.enqueue_indirect_dma source(%dma_start3A_133 : memref<20000x64xf32, #tpu.memory_space<hbm>>) target(%arg12 : memref<128x64xf32, #tpu.memory_space<vmem>>) offsets(%dma_start3A_130 : memref<128xi32, #tpu.memory_space<vmem>>) semaphore(%arg20 : memref<!tpu.dma_semaphore, #tpu.memory_space<semaphore_mem>>)
        } else {
        }
      } else {
      }
      %rem3A_76 = arith.constant 6 : i32
      %rem3A_77 = arith.remsi %scan3A_64, %rem3A_76 : i32
      %eq3A_78 = arith.constant 2 : i32
      %eq3A_79 = arith.cmpi eq, %rem3A_77, %eq3A_78 : i32
      %convert_element_type3A_80 = arith.extui %eq3A_79 : i1 to i32
      %cond3A_81 = arith.constant 0 : i32
      %cond3A_82 = arith.cmpi ne, %convert_element_type3A_80, %cond3A_81 : i32
      scf.if %cond3A_82 {
        %dma_wait3A_105 = arith.constant 0 : i32
        %dma_wait3A_106 = tpu.memref_slice %arg6[%scan3A_64, %dma_wait3A_105] : memref<157x128xi32, #tpu.memory_space<vmem>> -> memref<1x128xi32, #tpu.memory_space<vmem>>
        %dma_wait3A_107 = tpu.memref_squeeze %dma_wait3A_106 : memref<1x128xi32, #tpu.memory_space<vmem>> -> memref<128xi32, #tpu.memory_space<vmem>>
        %dma_wait3A_108 = arith.constant 0 : i32
        %dma_wait3A_109 = arith.constant 0 : i32
        %dma_wait3A_110 = tpu.memref_slice %arg4[%dma_wait3A_108, %dma_wait3A_109] : memref<20000x64xf32, #tpu.memory_space<hbm>> -> memref<20000x64xf32, #tpu.memory_space<hbm>>
        tpu.wait_indirect_dma semaphore(%arg18 : memref<!tpu.dma_semaphore, #tpu.memory_space<semaphore_mem>>) src(%dma_wait3A_110 : memref<20000x64xf32, #tpu.memory_space<hbm>>) dst(%arg10 : memref<128x64xf32, #tpu.memory_space<vmem>>)
        %dma_start3A_111 = arith.constant 0 : i32
        %dma_start3A_112 = tpu.memref_slice %arg7[%scan3A_64, %dma_start3A_111] : memref<157x128xi32, #tpu.memory_space<vmem>> -> memref<1x128xi32, #tpu.memory_space<vmem>>
        %dma_start3A_113 = tpu.memref_squeeze %dma_start3A_112 : memref<1x128xi32, #tpu.memory_space<vmem>> -> memref<128xi32, #tpu.memory_space<vmem>>
        %dma_start3A_114 = arith.constant 0 : i32
        %dma_start3A_115 = arith.constant 0 : i32
        %dma_start3A_116 = tpu.memref_slice %arg15[%dma_start3A_114, %dma_start3A_115] : memref<10240x64xf32, #tpu.memory_space<vmem_shared>> -> memref<10240x64xf32, #tpu.memory_space<vmem_shared>>
        tpu.enqueue_indirect_dma source(%arg10 : memref<128x64xf32, #tpu.memory_space<vmem>>) target(%dma_start3A_116 : memref<10240x64xf32, #tpu.memory_space<vmem_shared>>) offsets(%dma_start3A_113 : memref<128xi32, #tpu.memory_space<vmem>>) semaphore(%arg24 : memref<!tpu.dma_semaphore, #tpu.memory_space<semaphore_mem>>) {add = true}
        %ge3A = arith.constant 3 : i32
        %ge3A_117 = arith.cmpi sge, %scan3A_64, %ge3A : i32
        %convert_element_type3A_118 = arith.extui %ge3A_117 : i1 to i32
        %cond3A_119 = arith.constant 0 : i32
        %cond3A_120 = arith.cmpi ne, %convert_element_type3A_118, %cond3A_119 : i32
        scf.if %cond3A_120 {
          %sub3A = arith.constant 3 : i32
          %sub3A_126 = arith.subi %scan3A_64, %sub3A : i32
          %dma_wait3A_127 = arith.constant 0 : i32
          %dma_wait3A_128 = tpu.memref_slice %arg7[%sub3A_126, %dma_wait3A_127] : memref<157x128xi32, #tpu.memory_space<vmem>> -> memref<1x128xi32, #tpu.memory_space<vmem>>
          %dma_wait3A_129 = tpu.memref_squeeze %dma_wait3A_128 : memref<1x128xi32, #tpu.memory_space<vmem>> -> memref<128xi32, #tpu.memory_space<vmem>>
          %dma_wait3A_130 = arith.constant 0 : i32
          %dma_wait3A_131 = arith.constant 0 : i32
          %dma_wait3A_132 = tpu.memref_slice %arg15[%dma_wait3A_130, %dma_wait3A_131] : memref<10240x64xf32, #tpu.memory_space<vmem_shared>> -> memref<10240x64xf32, #tpu.memory_space<vmem_shared>>
          tpu.wait_indirect_dma semaphore(%arg27 : memref<!tpu.dma_semaphore, #tpu.memory_space<semaphore_mem>>) src(%arg13 : memref<128x64xf32, #tpu.memory_space<vmem>>) dst(%dma_wait3A_132 : memref<10240x64xf32, #tpu.memory_space<vmem_shared>>)
        } else {
        }
        %add3A = arith.constant 3 : i32
        %add3A_121 = arith.addi %scan3A_64, %add3A : i32
        %lt3A = arith.constant 157 : i32
        %lt3A_122 = arith.cmpi slt, %add3A_121, %lt3A : i32
        %convert_element_type3A_123 = arith.extui %lt3A_122 : i1 to i32
        %cond3A_124 = arith.constant 0 : i32
        %cond3A_125 = arith.cmpi ne, %convert_element_type3A_123, %cond3A_124 : i32
        scf.if %cond3A_125 {
          %add3A_126 = arith.constant 3 : i32
          %add3A_127 = arith.addi %scan3A_64, %add3A_126 : i32
          %dma_start3A_128 = arith.constant 0 : i32
          %dma_start3A_129 = tpu.memref_slice %arg6[%add3A_127, %dma_start3A_128] : memref<157x128xi32, #tpu.memory_space<vmem>> -> memref<1x128xi32, #tpu.memory_space<vmem>>
          %dma_start3A_130 = tpu.memref_squeeze %dma_start3A_129 : memref<1x128xi32, #tpu.memory_space<vmem>> -> memref<128xi32, #tpu.memory_space<vmem>>
          %dma_start3A_131 = arith.constant 0 : i32
          %dma_start3A_132 = arith.constant 0 : i32
          %dma_start3A_133 = tpu.memref_slice %arg4[%dma_start3A_131, %dma_start3A_132] : memref<20000x64xf32, #tpu.memory_space<hbm>> -> memref<20000x64xf32, #tpu.memory_space<hbm>>
          tpu.enqueue_indirect_dma source(%dma_start3A_133 : memref<20000x64xf32, #tpu.memory_space<hbm>>) target(%arg13 : memref<128x64xf32, #tpu.memory_space<vmem>>) offsets(%dma_start3A_130 : memref<128xi32, #tpu.memory_space<vmem>>) semaphore(%arg21 : memref<!tpu.dma_semaphore, #tpu.memory_space<semaphore_mem>>)
        } else {
        }
      } else {
      }
      %rem3A_83 = arith.constant 6 : i32
      %rem3A_84 = arith.remsi %scan3A_64, %rem3A_83 : i32
      %eq3A_85 = arith.constant 3 : i32
      %eq3A_86 = arith.cmpi eq, %rem3A_84, %eq3A_85 : i32
      %convert_element_type3A_87 = arith.extui %eq3A_86 : i1 to i32
      %cond3A_88 = arith.constant 0 : i32
      %cond3A_89 = arith.cmpi ne, %convert_element_type3A_87, %cond3A_88 : i32
      scf.if %cond3A_89 {
        %dma_wait3A_105 = arith.constant 0 : i32
        %dma_wait3A_106 = tpu.memref_slice %arg6[%scan3A_64, %dma_wait3A_105] : memref<157x128xi32, #tpu.memory_space<vmem>> -> memref<1x128xi32, #tpu.memory_space<vmem>>
        %dma_wait3A_107 = tpu.memref_squeeze %dma_wait3A_106 : memref<1x128xi32, #tpu.memory_space<vmem>> -> memref<128xi32, #tpu.memory_space<vmem>>
        %dma_wait3A_108 = arith.constant 0 : i32
        %dma_wait3A_109 = arith.constant 0 : i32
        %dma_wait3A_110 = tpu.memref_slice %arg4[%dma_wait3A_108, %dma_wait3A_109] : memref<20000x64xf32, #tpu.memory_space<hbm>> -> memref<20000x64xf32, #tpu.memory_space<hbm>>
        tpu.wait_indirect_dma semaphore(%arg19 : memref<!tpu.dma_semaphore, #tpu.memory_space<semaphore_mem>>) src(%dma_wait3A_110 : memref<20000x64xf32, #tpu.memory_space<hbm>>) dst(%arg11 : memref<128x64xf32, #tpu.memory_space<vmem>>)
        %dma_start3A_111 = arith.constant 0 : i32
        %dma_start3A_112 = tpu.memref_slice %arg7[%scan3A_64, %dma_start3A_111] : memref<157x128xi32, #tpu.memory_space<vmem>> -> memref<1x128xi32, #tpu.memory_space<vmem>>
        %dma_start3A_113 = tpu.memref_squeeze %dma_start3A_112 : memref<1x128xi32, #tpu.memory_space<vmem>> -> memref<128xi32, #tpu.memory_space<vmem>>
        %dma_start3A_114 = arith.constant 0 : i32
        %dma_start3A_115 = arith.constant 0 : i32
        %dma_start3A_116 = tpu.memref_slice %arg15[%dma_start3A_114, %dma_start3A_115] : memref<10240x64xf32, #tpu.memory_space<vmem_shared>> -> memref<10240x64xf32, #tpu.memory_space<vmem_shared>>
        tpu.enqueue_indirect_dma source(%arg11 : memref<128x64xf32, #tpu.memory_space<vmem>>) target(%dma_start3A_116 : memref<10240x64xf32, #tpu.memory_space<vmem_shared>>) offsets(%dma_start3A_113 : memref<128xi32, #tpu.memory_space<vmem>>) semaphore(%arg25 : memref<!tpu.dma_semaphore, #tpu.memory_space<semaphore_mem>>) {add = true}
        %ge3A = arith.constant 3 : i32
        %ge3A_117 = arith.cmpi sge, %scan3A_64, %ge3A : i32
        %convert_element_type3A_118 = arith.extui %ge3A_117 : i1 to i32
        %cond3A_119 = arith.constant 0 : i32
        %cond3A_120 = arith.cmpi ne, %convert_element_type3A_118, %cond3A_119 : i32
        scf.if %cond3A_120 {
          %sub3A = arith.constant 3 : i32
          %sub3A_126 = arith.subi %scan3A_64, %sub3A : i32
          %dma_wait3A_127 = arith.constant 0 : i32
          %dma_wait3A_128 = tpu.memref_slice %arg7[%sub3A_126, %dma_wait3A_127] : memref<157x128xi32, #tpu.memory_space<vmem>> -> memref<1x128xi32, #tpu.memory_space<vmem>>
          %dma_wait3A_129 = tpu.memref_squeeze %dma_wait3A_128 : memref<1x128xi32, #tpu.memory_space<vmem>> -> memref<128xi32, #tpu.memory_space<vmem>>
          %dma_wait3A_130 = arith.constant 0 : i32
          %dma_wait3A_131 = arith.constant 0 : i32
          %dma_wait3A_132 = tpu.memref_slice %arg15[%dma_wait3A_130, %dma_wait3A_131] : memref<10240x64xf32, #tpu.memory_space<vmem_shared>> -> memref<10240x64xf32, #tpu.memory_space<vmem_shared>>
          tpu.wait_indirect_dma semaphore(%arg22 : memref<!tpu.dma_semaphore, #tpu.memory_space<semaphore_mem>>) src(%arg8 : memref<128x64xf32, #tpu.memory_space<vmem>>) dst(%dma_wait3A_132 : memref<10240x64xf32, #tpu.memory_space<vmem_shared>>)
        } else {
        }
        %add3A = arith.constant 3 : i32
        %add3A_121 = arith.addi %scan3A_64, %add3A : i32
        %lt3A = arith.constant 157 : i32
        %lt3A_122 = arith.cmpi slt, %add3A_121, %lt3A : i32
        %convert_element_type3A_123 = arith.extui %lt3A_122 : i1 to i32
        %cond3A_124 = arith.constant 0 : i32
        %cond3A_125 = arith.cmpi ne, %convert_element_type3A_123, %cond3A_124 : i32
        scf.if %cond3A_125 {
          %add3A_126 = arith.constant 3 : i32
          %add3A_127 = arith.addi %scan3A_64, %add3A_126 : i32
          %dma_start3A_128 = arith.constant 0 : i32
          %dma_start3A_129 = tpu.memref_slice %arg6[%add3A_127, %dma_start3A_128] : memref<157x128xi32, #tpu.memory_space<vmem>> -> memref<1x128xi32, #tpu.memory_space<vmem>>
          %dma_start3A_130 = tpu.memref_squeeze %dma_start3A_129 : memref<1x128xi32, #tpu.memory_space<vmem>> -> memref<128xi32, #tpu.memory_space<vmem>>
          %dma_start3A_131 = arith.constant 0 : i32
          %dma_start3A_132 = arith.constant 0 : i32
          %dma_start3A_133 = tpu.memref_slice %arg4[%dma_start3A_131, %dma_start3A_132] : memref<20000x64xf32, #tpu.memory_space<hbm>> -> memref<20000x64xf32, #tpu.memory_space<hbm>>
          tpu.enqueue_indirect_dma source(%dma_start3A_133 : memref<20000x64xf32, #tpu.memory_space<hbm>>) target(%arg8 : memref<128x64xf32, #tpu.memory_space<vmem>>) offsets(%dma_start3A_130 : memref<128xi32, #tpu.memory_space<vmem>>) semaphore(%arg16 : memref<!tpu.dma_semaphore, #tpu.memory_space<semaphore_mem>>)
        } else {
        }
      } else {
      }
      %rem3A_90 = arith.constant 6 : i32
      %rem3A_91 = arith.remsi %scan3A_64, %rem3A_90 : i32
      %eq3A_92 = arith.constant 4 : i32
      %eq3A_93 = arith.cmpi eq, %rem3A_91, %eq3A_92 : i32
      %convert_element_type3A_94 = arith.extui %eq3A_93 : i1 to i32
      %cond3A_95 = arith.constant 0 : i32
      %cond3A_96 = arith.cmpi ne, %convert_element_type3A_94, %cond3A_95 : i32
      scf.if %cond3A_96 {
        %dma_wait3A_105 = arith.constant 0 : i32
        %dma_wait3A_106 = tpu.memref_slice %arg6[%scan3A_64, %dma_wait3A_105] : memref<157x128xi32, #tpu.memory_space<vmem>> -> memref<1x128xi32, #tpu.memory_space<vmem>>
        %dma_wait3A_107 = tpu.memref_squeeze %dma_wait3A_106 : memref<1x128xi32, #tpu.memory_space<vmem>> -> memref<128xi32, #tpu.memory_space<vmem>>
        %dma_wait3A_108 = arith.constant 0 : i32
        %dma_wait3A_109 = arith.constant 0 : i32
        %dma_wait3A_110 = tpu.memref_slice %arg4[%dma_wait3A_108, %dma_wait3A_109] : memref<20000x64xf32, #tpu.memory_space<hbm>> -> memref<20000x64xf32, #tpu.memory_space<hbm>>
        tpu.wait_indirect_dma semaphore(%arg20 : memref<!tpu.dma_semaphore, #tpu.memory_space<semaphore_mem>>) src(%dma_wait3A_110 : memref<20000x64xf32, #tpu.memory_space<hbm>>) dst(%arg12 : memref<128x64xf32, #tpu.memory_space<vmem>>)
        %dma_start3A_111 = arith.constant 0 : i32
        %dma_start3A_112 = tpu.memref_slice %arg7[%scan3A_64, %dma_start3A_111] : memref<157x128xi32, #tpu.memory_space<vmem>> -> memref<1x128xi32, #tpu.memory_space<vmem>>
        %dma_start3A_113 = tpu.memref_squeeze %dma_start3A_112 : memref<1x128xi32, #tpu.memory_space<vmem>> -> memref<128xi32, #tpu.memory_space<vmem>>
        %dma_start3A_114 = arith.constant 0 : i32
        %dma_start3A_115 = arith.constant 0 : i32
        %dma_start3A_116 = tpu.memref_slice %arg15[%dma_start3A_114, %dma_start3A_115] : memref<10240x64xf32, #tpu.memory_space<vmem_shared>> -> memref<10240x64xf32, #tpu.memory_space<vmem_shared>>
        tpu.enqueue_indirect_dma source(%arg12 : memref<128x64xf32, #tpu.memory_space<vmem>>) target(%dma_start3A_116 : memref<10240x64xf32, #tpu.memory_space<vmem_shared>>) offsets(%dma_start3A_113 : memref<128xi32, #tpu.memory_space<vmem>>) semaphore(%arg26 : memref<!tpu.dma_semaphore, #tpu.memory_space<semaphore_mem>>) {add = true}
        %ge3A = arith.constant 3 : i32
        %ge3A_117 = arith.cmpi sge, %scan3A_64, %ge3A : i32
        %convert_element_type3A_118 = arith.extui %ge3A_117 : i1 to i32
        %cond3A_119 = arith.constant 0 : i32
        %cond3A_120 = arith.cmpi ne, %convert_element_type3A_118, %cond3A_119 : i32
        scf.if %cond3A_120 {
          %sub3A = arith.constant 3 : i32
          %sub3A_126 = arith.subi %scan3A_64, %sub3A : i32
          %dma_wait3A_127 = arith.constant 0 : i32
          %dma_wait3A_128 = tpu.memref_slice %arg7[%sub3A_126, %dma_wait3A_127] : memref<157x128xi32, #tpu.memory_space<vmem>> -> memref<1x128xi32, #tpu.memory_space<vmem>>
          %dma_wait3A_129 = tpu.memref_squeeze %dma_wait3A_128 : memref<1x128xi32, #tpu.memory_space<vmem>> -> memref<128xi32, #tpu.memory_space<vmem>>
          %dma_wait3A_130 = arith.constant 0 : i32
          %dma_wait3A_131 = arith.constant 0 : i32
          %dma_wait3A_132 = tpu.memref_slice %arg15[%dma_wait3A_130, %dma_wait3A_131] : memref<10240x64xf32, #tpu.memory_space<vmem_shared>> -> memref<10240x64xf32, #tpu.memory_space<vmem_shared>>
          tpu.wait_indirect_dma semaphore(%arg23 : memref<!tpu.dma_semaphore, #tpu.memory_space<semaphore_mem>>) src(%arg9 : memref<128x64xf32, #tpu.memory_space<vmem>>) dst(%dma_wait3A_132 : memref<10240x64xf32, #tpu.memory_space<vmem_shared>>)
        } else {
        }
        %add3A = arith.constant 3 : i32
        %add3A_121 = arith.addi %scan3A_64, %add3A : i32
        %lt3A = arith.constant 157 : i32
        %lt3A_122 = arith.cmpi slt, %add3A_121, %lt3A : i32
        %convert_element_type3A_123 = arith.extui %lt3A_122 : i1 to i32
        %cond3A_124 = arith.constant 0 : i32
        %cond3A_125 = arith.cmpi ne, %convert_element_type3A_123, %cond3A_124 : i32
        scf.if %cond3A_125 {
          %add3A_126 = arith.constant 3 : i32
          %add3A_127 = arith.addi %scan3A_64, %add3A_126 : i32
          %dma_start3A_128 = arith.constant 0 : i32
          %dma_start3A_129 = tpu.memref_slice %arg6[%add3A_127, %dma_start3A_128] : memref<157x128xi32, #tpu.memory_space<vmem>> -> memref<1x128xi32, #tpu.memory_space<vmem>>
          %dma_start3A_130 = tpu.memref_squeeze %dma_start3A_129 : memref<1x128xi32, #tpu.memory_space<vmem>> -> memref<128xi32, #tpu.memory_space<vmem>>
          %dma_start3A_131 = arith.constant 0 : i32
          %dma_start3A_132 = arith.constant 0 : i32
          %dma_start3A_133 = tpu.memref_slice %arg4[%dma_start3A_131, %dma_start3A_132] : memref<20000x64xf32, #tpu.memory_space<hbm>> -> memref<20000x64xf32, #tpu.memory_space<hbm>>
          tpu.enqueue_indirect_dma source(%dma_start3A_133 : memref<20000x64xf32, #tpu.memory_space<hbm>>) target(%arg9 : memref<128x64xf32, #tpu.memory_space<vmem>>) offsets(%dma_start3A_130 : memref<128xi32, #tpu.memory_space<vmem>>) semaphore(%arg17 : memref<!tpu.dma_semaphore, #tpu.memory_space<semaphore_mem>>)
        } else {
        }
      } else {
      }
      %rem3A_97 = arith.constant 6 : i32
      %rem3A_98 = arith.remsi %scan3A_64, %rem3A_97 : i32
      %eq3A_99 = arith.constant 5 : i32
      %eq3A_100 = arith.cmpi eq, %rem3A_98, %eq3A_99 : i32
      %convert_element_type3A_101 = arith.extui %eq3A_100 : i1 to i32
      %cond3A_102 = arith.constant 0 : i32
      %cond3A_103 = arith.cmpi ne, %convert_element_type3A_101, %cond3A_102 : i32
      scf.if %cond3A_103 {
        %dma_wait3A_105 = arith.constant 0 : i32
        %dma_wait3A_106 = tpu.memref_slice %arg6[%scan3A_64, %dma_wait3A_105] : memref<157x128xi32, #tpu.memory_space<vmem>> -> memref<1x128xi32, #tpu.memory_space<vmem>>
        %dma_wait3A_107 = tpu.memref_squeeze %dma_wait3A_106 : memref<1x128xi32, #tpu.memory_space<vmem>> -> memref<128xi32, #tpu.memory_space<vmem>>
        %dma_wait3A_108 = arith.constant 0 : i32
        %dma_wait3A_109 = arith.constant 0 : i32
        %dma_wait3A_110 = tpu.memref_slice %arg4[%dma_wait3A_108, %dma_wait3A_109] : memref<20000x64xf32, #tpu.memory_space<hbm>> -> memref<20000x64xf32, #tpu.memory_space<hbm>>
        tpu.wait_indirect_dma semaphore(%arg21 : memref<!tpu.dma_semaphore, #tpu.memory_space<semaphore_mem>>) src(%dma_wait3A_110 : memref<20000x64xf32, #tpu.memory_space<hbm>>) dst(%arg13 : memref<128x64xf32, #tpu.memory_space<vmem>>)
        %dma_start3A_111 = arith.constant 0 : i32
        %dma_start3A_112 = tpu.memref_slice %arg7[%scan3A_64, %dma_start3A_111] : memref<157x128xi32, #tpu.memory_space<vmem>> -> memref<1x128xi32, #tpu.memory_space<vmem>>
        %dma_start3A_113 = tpu.memref_squeeze %dma_start3A_112 : memref<1x128xi32, #tpu.memory_space<vmem>> -> memref<128xi32, #tpu.memory_space<vmem>>
        %dma_start3A_114 = arith.constant 0 : i32
        %dma_start3A_115 = arith.constant 0 : i32
        %dma_start3A_116 = tpu.memref_slice %arg15[%dma_start3A_114, %dma_start3A_115] : memref<10240x64xf32, #tpu.memory_space<vmem_shared>> -> memref<10240x64xf32, #tpu.memory_space<vmem_shared>>
        tpu.enqueue_indirect_dma source(%arg13 : memref<128x64xf32, #tpu.memory_space<vmem>>) target(%dma_start3A_116 : memref<10240x64xf32, #tpu.memory_space<vmem_shared>>) offsets(%dma_start3A_113 : memref<128xi32, #tpu.memory_space<vmem>>) semaphore(%arg27 : memref<!tpu.dma_semaphore, #tpu.memory_space<semaphore_mem>>) {add = true}
        %ge3A = arith.constant 3 : i32
        %ge3A_117 = arith.cmpi sge, %scan3A_64, %ge3A : i32
        %convert_element_type3A_118 = arith.extui %ge3A_117 : i1 to i32
        %cond3A_119 = arith.constant 0 : i32
        %cond3A_120 = arith.cmpi ne, %convert_element_type3A_118, %cond3A_119 : i32
        scf.if %cond3A_120 {
          %sub3A = arith.constant 3 : i32
          %sub3A_126 = arith.subi %scan3A_64, %sub3A : i32
          %dma_wait3A_127 = arith.constant 0 : i32
          %dma_wait3A_128 = tpu.memref_slice %arg7[%sub3A_126, %dma_wait3A_127] : memref<157x128xi32, #tpu.memory_space<vmem>> -> memref<1x128xi32, #tpu.memory_space<vmem>>
          %dma_wait3A_129 = tpu.memref_squeeze %dma_wait3A_128 : memref<1x128xi32, #tpu.memory_space<vmem>> -> memref<128xi32, #tpu.memory_space<vmem>>
          %dma_wait3A_130 = arith.constant 0 : i32
          %dma_wait3A_131 = arith.constant 0 : i32
          %dma_wait3A_132 = tpu.memref_slice %arg15[%dma_wait3A_130, %dma_wait3A_131] : memref<10240x64xf32, #tpu.memory_space<vmem_shared>> -> memref<10240x64xf32, #tpu.memory_space<vmem_shared>>
          tpu.wait_indirect_dma semaphore(%arg24 : memref<!tpu.dma_semaphore, #tpu.memory_space<semaphore_mem>>) src(%arg10 : memref<128x64xf32, #tpu.memory_space<vmem>>) dst(%dma_wait3A_132 : memref<10240x64xf32, #tpu.memory_space<vmem_shared>>)
        } else {
        }
        %add3A = arith.constant 3 : i32
        %add3A_121 = arith.addi %scan3A_64, %add3A : i32
        %lt3A = arith.constant 157 : i32
        %lt3A_122 = arith.cmpi slt, %add3A_121, %lt3A : i32
        %convert_element_type3A_123 = arith.extui %lt3A_122 : i1 to i32
        %cond3A_124 = arith.constant 0 : i32
        %cond3A_125 = arith.cmpi ne, %convert_element_type3A_123, %cond3A_124 : i32
        scf.if %cond3A_125 {
          %add3A_126 = arith.constant 3 : i32
          %add3A_127 = arith.addi %scan3A_64, %add3A_126 : i32
          %dma_start3A_128 = arith.constant 0 : i32
          %dma_start3A_129 = tpu.memref_slice %arg6[%add3A_127, %dma_start3A_128] : memref<157x128xi32, #tpu.memory_space<vmem>> -> memref<1x128xi32, #tpu.memory_space<vmem>>
          %dma_start3A_130 = tpu.memref_squeeze %dma_start3A_129 : memref<1x128xi32, #tpu.memory_space<vmem>> -> memref<128xi32, #tpu.memory_space<vmem>>
          %dma_start3A_131 = arith.constant 0 : i32
          %dma_start3A_132 = arith.constant 0 : i32
          %dma_start3A_133 = tpu.memref_slice %arg4[%dma_start3A_131, %dma_start3A_132] : memref<20000x64xf32, #tpu.memory_space<hbm>> -> memref<20000x64xf32, #tpu.memory_space<hbm>>
          tpu.enqueue_indirect_dma source(%dma_start3A_133 : memref<20000x64xf32, #tpu.memory_space<hbm>>) target(%arg10 : memref<128x64xf32, #tpu.memory_space<vmem>>) offsets(%dma_start3A_130 : memref<128xi32, #tpu.memory_space<vmem>>) semaphore(%arg18 : memref<!tpu.dma_semaphore, #tpu.memory_space<semaphore_mem>>)
        } else {
        }
      } else {
      }
      %scan3A_104 = arith.constant 0 : i32
      scf.yield %scan3A_104 : i32
    }
    %scan3A_39 = arith.constant 157 : i32
    %dma_wait3A = arith.constant 154 : i32
    %dma_wait3A_40 = arith.constant 0 : i32
    %dma_wait3A_41 = tpu.memref_slice %arg7[%dma_wait3A, %dma_wait3A_40] : memref<157x128xi32, #tpu.memory_space<vmem>> -> memref<1x128xi32, #tpu.memory_space<vmem>>
    %dma_wait3A_42 = tpu.memref_squeeze %dma_wait3A_41 : memref<1x128xi32, #tpu.memory_space<vmem>> -> memref<128xi32, #tpu.memory_space<vmem>>
    %dma_wait3A_43 = arith.constant 0 : i32
    %dma_wait3A_44 = arith.constant 0 : i32
    %dma_wait3A_45 = tpu.memref_slice %arg15[%dma_wait3A_43, %dma_wait3A_44] : memref<10240x64xf32, #tpu.memory_space<vmem_shared>> -> memref<10240x64xf32, #tpu.memory_space<vmem_shared>>
    tpu.wait_indirect_dma semaphore(%arg26 : memref<!tpu.dma_semaphore, #tpu.memory_space<semaphore_mem>>) src(%arg12 : memref<128x64xf32, #tpu.memory_space<vmem>>) dst(%dma_wait3A_45 : memref<10240x64xf32, #tpu.memory_space<vmem_shared>>)
    %dma_wait3A_46 = arith.constant 155 : i32
    %dma_wait3A_47 = arith.constant 0 : i32
    %dma_wait3A_48 = tpu.memref_slice %arg7[%dma_wait3A_46, %dma_wait3A_47] : memref<157x128xi32, #tpu.memory_space<vmem>> -> memref<1x128xi32, #tpu.memory_space<vmem>>
    %dma_wait3A_49 = tpu.memref_squeeze %dma_wait3A_48 : memref<1x128xi32, #tpu.memory_space<vmem>> -> memref<128xi32, #tpu.memory_space<vmem>>
    %dma_wait3A_50 = arith.constant 0 : i32
    %dma_wait3A_51 = arith.constant 0 : i32
    %dma_wait3A_52 = tpu.memref_slice %arg15[%dma_wait3A_50, %dma_wait3A_51] : memref<10240x64xf32, #tpu.memory_space<vmem_shared>> -> memref<10240x64xf32, #tpu.memory_space<vmem_shared>>
    tpu.wait_indirect_dma semaphore(%arg27 : memref<!tpu.dma_semaphore, #tpu.memory_space<semaphore_mem>>) src(%arg13 : memref<128x64xf32, #tpu.memory_space<vmem>>) dst(%dma_wait3A_52 : memref<10240x64xf32, #tpu.memory_space<vmem_shared>>)
    %dma_wait3A_53 = arith.constant 156 : i32
    %dma_wait3A_54 = arith.constant 0 : i32
    %dma_wait3A_55 = tpu.memref_slice %arg7[%dma_wait3A_53, %dma_wait3A_54] : memref<157x128xi32, #tpu.memory_space<vmem>> -> memref<1x128xi32, #tpu.memory_space<vmem>>
    %dma_wait3A_56 = tpu.memref_squeeze %dma_wait3A_55 : memref<1x128xi32, #tpu.memory_space<vmem>> -> memref<128xi32, #tpu.memory_space<vmem>>
    %dma_wait3A_57 = arith.constant 0 : i32
    %dma_wait3A_58 = arith.constant 0 : i32
    %dma_wait3A_59 = tpu.memref_slice %arg15[%dma_wait3A_57, %dma_wait3A_58] : memref<10240x64xf32, #tpu.memory_space<vmem_shared>> -> memref<10240x64xf32, #tpu.memory_space<vmem_shared>>
    tpu.wait_indirect_dma semaphore(%arg22 : memref<!tpu.dma_semaphore, #tpu.memory_space<semaphore_mem>>) src(%arg8 : memref<128x64xf32, #tpu.memory_space<vmem>>) dst(%dma_wait3A_59 : memref<10240x64xf32, #tpu.memory_space<vmem_shared>>)
    %barrier3A_60 = arith.constant 0 : index
    tpu.barrier barrier_id(%barrier3A_60)
    %mul3A = arith.constant 640 : i32
    %mul3A_61 = arith.muli %arg1, %mul3A : i32
    %mul3A_62 = arith.constant 640 : i32
    %mul3A_63 = arith.muli %arg1, %mul3A_62 : i32
    "tpu.region"() ({
      %run_scoped3A = tpu.sem_alloc : memref<!tpu.dma_semaphore, #tpu.memory_space<semaphore_mem>>
      %dma_start3A_64 = arith.constant 0 : i32
      %dma_start3A_65 = tpu.memref_slice %arg5[%arg0, %mul3A_63, %dma_start3A_64] : memref<2x10240x64xf32, #tpu.memory_space<hbm>> -> memref<1x640x64xf32, #tpu.memory_space<hbm>>
      %dma_start3A_66 = tpu.memref_squeeze %dma_start3A_65 : memref<1x640x64xf32, #tpu.memory_space<hbm>> -> memref<640x64xf32, #tpu.memory_space<hbm>>
      %dma_start3A_67 = arith.constant 0 : i32
      %dma_start3A_68 = tpu.memref_slice %arg15[%mul3A_61, %dma_start3A_67] : memref<10240x64xf32, #tpu.memory_space<vmem_shared>> -> memref<640x64xf32, #tpu.memory_space<vmem_shared>>
      tpu.enqueue_dma source(%dma_start3A_68 : memref<640x64xf32, #tpu.memory_space<vmem_shared>>) target(%dma_start3A_66 : memref<640x64xf32, #tpu.memory_space<hbm>>) target_semaphore(%run_scoped3A : memref<!tpu.dma_semaphore, #tpu.memory_space<semaphore_mem>>)
      %dma_wait3A_69 = arith.constant 0 : i32
      %dma_wait3A_70 = tpu.memref_slice %arg5[%arg0, %mul3A_63, %dma_wait3A_69] : memref<2x10240x64xf32, #tpu.memory_space<hbm>> -> memref<1x640x64xf32, #tpu.memory_space<hbm>>
      %dma_wait3A_71 = tpu.memref_squeeze %dma_wait3A_70 : memref<1x640x64xf32, #tpu.memory_space<hbm>> -> memref<640x64xf32, #tpu.memory_space<hbm>>
      %dma_wait3A_72 = arith.constant 0 : i32
      %dma_wait3A_73 = tpu.memref_slice %arg15[%mul3A_61, %dma_wait3A_72] : memref<10240x64xf32, #tpu.memory_space<vmem_shared>> -> memref<640x64xf32, #tpu.memory_space<vmem_shared>>
      tpu.wait_dma2 semaphore(%run_scoped3A : memref<!tpu.dma_semaphore, #tpu.memory_space<semaphore_mem>>) src(%dma_wait3A_73 : memref<640x64xf32, #tpu.memory_space<vmem_shared>>) dst(%dma_wait3A_71 : memref<640x64xf32, #tpu.memory_space<hbm>>)
      tpu.yield
    }) : () -> ()
    return
  }
}

#map = affine_map<(d0, d1) -> (0, 0, 0, 0)>
#map1 = affine_map<(d0, d1) -> (0, 0)>
#map2 = affine_map<(d0, d1) -> (0, 0, 0)>
module attributes {stable_mosaic.version = 14 : i64} {
  func.func @pass_kernel(%arg0: i32, %arg1: i32, %arg2: memref<2x16x157x128xi32, #tpu.memory_space<hbm>>, %arg3: memref<2x16x157x128xi32, #tpu.memory_space<hbm>>, %arg4: memref<20000x64xf32, #tpu.memory_space<hbm>>, %arg5: memref<2x10240x64xf32, #tpu.memory_space<hbm>>, %arg6: memref<157x128xi32, #tpu.memory_space<vmem>>, %arg7: memref<157x128xi32, #tpu.memory_space<vmem>>, %arg8: memref<128x64xf32, #tpu.memory_space<vmem>>, %arg9: memref<128x64xf32, #tpu.memory_space<vmem>>, %arg10: memref<128x64xf32, #tpu.memory_space<vmem>>, %arg11: memref<128x64xf32, #tpu.memory_space<vmem>>, %arg12: memref<128x64xf32, #tpu.memory_space<vmem>>, %arg13: memref<128x64xf32, #tpu.memory_space<vmem>>, %arg14: memref<128xf32, #tpu.memory_space<vmem>>, %arg15: memref<10240x64xf32, #tpu.memory_space<vmem_shared>>, %arg16: memref<!tpu.dma_semaphore, #tpu.memory_space<semaphore_mem>>, %arg17: memref<!tpu.dma_semaphore, #tpu.memory_space<semaphore_mem>>, %arg18: memref<!tpu.dma_semaphore, #tpu.memory_space<semaphore_mem>>, %arg19: memref<!tpu.dma_semaphore, #tpu.memory_space<semaphore_mem>>, %arg20: memref<!tpu.dma_semaphore, #tpu.memory_space<semaphore_mem>>, %arg21: memref<!tpu.dma_semaphore, #tpu.memory_space<semaphore_mem>>, %arg22: memref<!tpu.dma_semaphore, #tpu.memory_space<semaphore_mem>>, %arg23: memref<!tpu.dma_semaphore, #tpu.memory_space<semaphore_mem>>, %arg24: memref<!tpu.dma_semaphore, #tpu.memory_space<semaphore_mem>>, %arg25: memref<!tpu.dma_semaphore, #tpu.memory_space<semaphore_mem>>, %arg26: memref<!tpu.dma_semaphore, #tpu.memory_space<semaphore_mem>>, %arg27: memref<!tpu.dma_semaphore, #tpu.memory_space<semaphore_mem>>) attributes {dimension_semantics = [#tpu.dimension_semantics<core_parallel>, #tpu.dimension_semantics<subcore_parallel>], iteration_bounds = array<i64: 2, 16>, scalar_prefetch = 0 : i64, scratch_operands = 22 : i64, tpu.core_type = #tpu.core_type<sc_vector_subcore>, window_params = [{transform_indices = #map}, {transform_indices = #map}, {transform_indices = #map1}, {transform_indices = #map2}]} {
    %scan3A = arith.constant 0 : i32
    %scan3A_0 = arith.constant 0 : i32
    %scan3A_1 = arith.constant 128 : i32
    %scan3A_2 = arith.addi %scan3A_0, %scan3A_1 : i32
    %scan3A_3 = arith.constant 1 : i32
    %scan3A_4 = scf.for %scan3A_64 = %scan3A_0 to %scan3A_2 step %scan3A_3 iter_args(%scan3A_65 = %scan3A) -> (i32)  : i32 {
      %broadcast_in_dim3A = arith.constant 0.000000e+00 : f32
      %broadcast_in_dim3A_66 = vector.broadcast %broadcast_in_dim3A : f32 to vector<16xf32>
      %swap3A = arith.index_cast %scan3A_64 : i32 to index
      %swap3A_67 = arith.constant 0 : index
      %swap3A_68 = tpu.vector_load %arg8[%swap3A, %swap3A_67] {strides = array<i32>} : memref<128x64xf32, #tpu.memory_space<vmem>>, vector<1x16xf32>,
      %swap3A_69 = vector.shape_cast %swap3A_68 : vector<1x16xf32> to vector<16xf32>
      %swap3A_70 = vector.shape_cast %broadcast_in_dim3A_66 : vector<16xf32> to vector<1x16xf32>
      tpu.vector_store %arg8[%swap3A, %swap3A_67], %swap3A_70 {strides = array<i32>} : memref<128x64xf32, #tpu.memory_space<vmem>>, vector<1x16xf32>,
      %broadcast_in_dim3A_71 = arith.constant 0.000000e+00 : f32
      %broadcast_in_dim3A_72 = vector.broadcast %broadcast_in_dim3A_71 : f32 to vector<16xf32>
      %swap3A_73 = arith.index_cast %scan3A_64 : i32 to index
      %swap3A_74 = arith.constant 16 : index
      %swap3A_75 = tpu.vector_load %arg8[%swap3A_73, %swap3A_74] {strides = array<i32>} : memref<128x64xf32, #tpu.memory_space<vmem>>, vector<1x16xf32>,
      %swap3A_76 = vector.shape_cast %swap3A_75 : vector<1x16xf32> to vector<16xf32>
      %swap3A_77 = vector.shape_cast %broadcast_in_dim3A_72 : vector<16xf32> to vector<1x16xf32>
      tpu.vector_store %arg8[%swap3A_73, %swap3A_74], %swap3A_77 {strides = array<i32>} : memref<128x64xf32, #tpu.memory_space<vmem>>, vector<1x16xf32>,
      %broadcast_in_dim3A_78 = arith.constant 0.000000e+00 : f32
      %broadcast_in_dim3A_79 = vector.broadcast %broadcast_in_dim3A_78 : f32 to vector<16xf32>
      %swap3A_80 = arith.index_cast %scan3A_64 : i32 to index
      %swap3A_81 = arith.constant 32 : index
      %swap3A_82 = tpu.vector_load %arg8[%swap3A_80, %swap3A_81] {strides = array<i32>} : memref<128x64xf32, #tpu.memory_space<vmem>>, vector<1x16xf32>,
      %swap3A_83 = vector.shape_cast %swap3A_82 : vector<1x16xf32> to vector<16xf32>
      %swap3A_84 = vector.shape_cast %broadcast_in_dim3A_79 : vector<16xf32> to vector<1x16xf32>
      tpu.vector_store %arg8[%swap3A_80, %swap3A_81], %swap3A_84 {strides = array<i32>} : memref<128x64xf32, #tpu.memory_space<vmem>>, vector<1x16xf32>,
      %broadcast_in_dim3A_85 = arith.constant 0.000000e+00 : f32
      %broadcast_in_dim3A_86 = vector.broadcast %broadcast_in_dim3A_85 : f32 to vector<16xf32>
      %swap3A_87 = arith.index_cast %scan3A_64 : i32 to index
      %swap3A_88 = arith.constant 48 : index
      %swap3A_89 = tpu.vector_load %arg8[%swap3A_87, %swap3A_88] {strides = array<i32>} : memref<128x64xf32, #tpu.memory_space<vmem>>, vector<1x16xf32>,
      %swap3A_90 = vector.shape_cast %swap3A_89 : vector<1x16xf32> to vector<16xf32>
      %swap3A_91 = vector.shape_cast %broadcast_in_dim3A_86 : vector<16xf32> to vector<1x16xf32>
      tpu.vector_store %arg8[%swap3A_87, %swap3A_88], %swap3A_91 {strides = array<i32>} : memref<128x64xf32, #tpu.memory_space<vmem>>, vector<1x16xf32>,
      %scan3A_92 = arith.constant 0 : i32
      scf.yield %scan3A_92 : i32
    }
    %scan3A_5 = arith.constant 128 : i32
    %scan3A_6 = arith.constant 0 : i32
    %scan3A_7 = arith.constant 0 : i32
    %scan3A_8 = arith.constant 5 : i32
    %scan3A_9 = arith.addi %scan3A_7, %scan3A_8 : i32
    %scan3A_10 = arith.constant 1 : i32
    %scan3A_11 = scf.for %scan3A_64 = %scan3A_7 to %scan3A_9 step %scan3A_10 iter_args(%scan3A_65 = %scan3A_6) -> (i32)  : i32 {
      %mul3A_66 = arith.constant 640 : i32
      %mul3A_67 = arith.muli %arg1, %mul3A_66 : i32
      %mul3A_68 = arith.constant 128 : i32
      %mul3A_69 = arith.muli %scan3A_64, %mul3A_68 : i32
      %add3A = arith.addi %mul3A_67, %mul3A_69 : i32
      "tpu.region"() ({
        %run_scoped3A = tpu.sem_alloc : memref<!tpu.dma_semaphore, #tpu.memory_space<semaphore_mem>>
        %dma_start3A_71 = arith.constant 0 : i32
        %dma_start3A_72 = tpu.memref_slice %arg15[%add3A, %dma_start3A_71] : memref<10240x64xf32, #tpu.memory_space<vmem_shared>> -> memref<128x64xf32, #tpu.memory_space<vmem_shared>>
        %dma_start3A_73 = arith.constant 0 : i32
        %dma_start3A_74 = tpu.memref_slice %arg15[%add3A, %dma_start3A_73] : memref<10240x64xf32, #tpu.memory_space<vmem_shared>> -> memref<128x64xf32, #tpu.memory_space<vmem_shared>>
        tpu.enqueue_dma source(%arg8 : memref<128x64xf32, #tpu.memory_space<vmem>>) target(%dma_start3A_74 : memref<128x64xf32, #tpu.memory_space<vmem_shared>>) target_semaphore(%run_scoped3A : memref<!tpu.dma_semaphore, #tpu.memory_space<semaphore_mem>>)
        %dma_wait3A_75 = arith.constant 0 : i32
        %dma_wait3A_76 = tpu.memref_slice %arg15[%add3A, %dma_wait3A_75] : memref<10240x64xf32, #tpu.memory_space<vmem_shared>> -> memref<128x64xf32, #tpu.memory_space<vmem_shared>>
        %dma_wait3A_77 = arith.constant 0 : i32
        %dma_wait3A_78 = tpu.memref_slice %arg15[%add3A, %dma_wait3A_77] : memref<10240x64xf32, #tpu.memory_space<vmem_shared>> -> memref<128x64xf32, #tpu.memory_space<vmem_shared>>
        tpu.wait_dma2 semaphore(%run_scoped3A : memref<!tpu.dma_semaphore, #tpu.memory_space<semaphore_mem>>) src(%arg8 : memref<128x64xf32, #tpu.memory_space<vmem>>) dst(%dma_wait3A_78 : memref<128x64xf32, #tpu.memory_space<vmem_shared>>)
        tpu.yield
      }) : () -> ()
      %scan3A_70 = arith.constant 0 : i32
      scf.yield %scan3A_70 : i32
    }
    %scan3A_12 = arith.constant 5 : i32
    "tpu.region"() ({
      %run_scoped3A = tpu.sem_alloc : memref<!tpu.dma_semaphore, #tpu.memory_space<semaphore_mem>>
      %dma_start3A_64 = arith.constant 0 : i32
      %dma_start3A_65 = arith.constant 0 : i32
      %dma_start3A_66 = tpu.memref_slice %arg2[%arg0, %arg1, %dma_start3A_64, %dma_start3A_65] : memref<2x16x157x128xi32, #tpu.memory_space<hbm>> -> memref<1x1x157x128xi32, #tpu.memory_space<hbm>>
      %dma_start3A_67 = tpu.memref_squeeze %dma_start3A_66 : memref<1x1x157x128xi32, #tpu.memory_space<hbm>> -> memref<157x128xi32, #tpu.memory_space<hbm>>
      %dma_start3A_68 = arith.constant 0 : i32
      %dma_start3A_69 = arith.constant 0 : i32
      %dma_start3A_70 = tpu.memref_slice %arg2[%arg0, %arg1, %dma_start3A_68, %dma_start3A_69] : memref<2x16x157x128xi32, #tpu.memory_space<hbm>> -> memref<1x1x157x128xi32, #tpu.memory_space<hbm>>
      %dma_start3A_71 = tpu.memref_squeeze %dma_start3A_70 : memref<1x1x157x128xi32, #tpu.memory_space<hbm>> -> memref<157x128xi32, #tpu.memory_space<hbm>>
      tpu.enqueue_dma source(%dma_start3A_71 : memref<157x128xi32, #tpu.memory_space<hbm>>) target(%arg6 : memref<157x128xi32, #tpu.memory_space<vmem>>) target_semaphore(%run_scoped3A : memref<!tpu.dma_semaphore, #tpu.memory_space<semaphore_mem>>)
      %dma_wait3A_72 = arith.constant 0 : i32
      %dma_wait3A_73 = arith.constant 0 : i32
      %dma_wait3A_74 = tpu.memref_slice %arg2[%arg0, %arg1, %dma_wait3A_72, %dma_wait3A_73] : memref<2x16x157x128xi32, #tpu.memory_space<hbm>> -> memref<1x1x157x128xi32, #tpu.memory_space<hbm>>
      %dma_wait3A_75 = tpu.memref_squeeze %dma_wait3A_74 : memref<1x1x157x128xi32, #tpu.memory_space<hbm>> -> memref<157x128xi32, #tpu.memory_space<hbm>>
      %dma_wait3A_76 = arith.constant 0 : i32
      %dma_wait3A_77 = arith.constant 0 : i32
      %dma_wait3A_78 = tpu.memref_slice %arg2[%arg0, %arg1, %dma_wait3A_76, %dma_wait3A_77] : memref<2x16x157x128xi32, #tpu.memory_space<hbm>> -> memref<1x1x157x128xi32, #tpu.memory_space<hbm>>
      %dma_wait3A_79 = tpu.memref_squeeze %dma_wait3A_78 : memref<1x1x157x128xi32, #tpu.memory_space<hbm>> -> memref<157x128xi32, #tpu.memory_space<hbm>>
      tpu.wait_dma2 semaphore(%run_scoped3A : memref<!tpu.dma_semaphore, #tpu.memory_space<semaphore_mem>>) src(%dma_wait3A_79 : memref<157x128xi32, #tpu.memory_space<hbm>>) dst(%arg6 : memref<157x128xi32, #tpu.memory_space<vmem>>)
      tpu.yield
    }) : () -> ()
    "tpu.region"() ({
      %run_scoped3A = tpu.sem_alloc : memref<!tpu.dma_semaphore, #tpu.memory_space<semaphore_mem>>
      %dma_start3A_64 = arith.constant 0 : i32
      %dma_start3A_65 = arith.constant 0 : i32
      %dma_start3A_66 = tpu.memref_slice %arg3[%arg0, %arg1, %dma_start3A_64, %dma_start3A_65] : memref<2x16x157x128xi32, #tpu.memory_space<hbm>> -> memref<1x1x157x128xi32, #tpu.memory_space<hbm>>
      %dma_start3A_67 = tpu.memref_squeeze %dma_start3A_66 : memref<1x1x157x128xi32, #tpu.memory_space<hbm>> -> memref<157x128xi32, #tpu.memory_space<hbm>>
      %dma_start3A_68 = arith.constant 0 : i32
      %dma_start3A_69 = arith.constant 0 : i32
      %dma_start3A_70 = tpu.memref_slice %arg3[%arg0, %arg1, %dma_start3A_68, %dma_start3A_69] : memref<2x16x157x128xi32, #tpu.memory_space<hbm>> -> memref<1x1x157x128xi32, #tpu.memory_space<hbm>>
      %dma_start3A_71 = tpu.memref_squeeze %dma_start3A_70 : memref<1x1x157x128xi32, #tpu.memory_space<hbm>> -> memref<157x128xi32, #tpu.memory_space<hbm>>
      tpu.enqueue_dma source(%dma_start3A_71 : memref<157x128xi32, #tpu.memory_space<hbm>>) target(%arg7 : memref<157x128xi32, #tpu.memory_space<vmem>>) target_semaphore(%run_scoped3A : memref<!tpu.dma_semaphore, #tpu.memory_space<semaphore_mem>>)
      %dma_wait3A_72 = arith.constant 0 : i32
      %dma_wait3A_73 = arith.constant 0 : i32
      %dma_wait3A_74 = tpu.memref_slice %arg3[%arg0, %arg1, %dma_wait3A_72, %dma_wait3A_73] : memref<2x16x157x128xi32, #tpu.memory_space<hbm>> -> memref<1x1x157x128xi32, #tpu.memory_space<hbm>>
      %dma_wait3A_75 = tpu.memref_squeeze %dma_wait3A_74 : memref<1x1x157x128xi32, #tpu.memory_space<hbm>> -> memref<157x128xi32, #tpu.memory_space<hbm>>
      %dma_wait3A_76 = arith.constant 0 : i32
      %dma_wait3A_77 = arith.constant 0 : i32
      %dma_wait3A_78 = tpu.memref_slice %arg3[%arg0, %arg1, %dma_wait3A_76, %dma_wait3A_77] : memref<2x16x157x128xi32, #tpu.memory_space<hbm>> -> memref<1x1x157x128xi32, #tpu.memory_space<hbm>>
      %dma_wait3A_79 = tpu.memref_squeeze %dma_wait3A_78 : memref<1x1x157x128xi32, #tpu.memory_space<hbm>> -> memref<157x128xi32, #tpu.memory_space<hbm>>
      tpu.wait_dma2 semaphore(%run_scoped3A : memref<!tpu.dma_semaphore, #tpu.memory_space<semaphore_mem>>) src(%dma_wait3A_79 : memref<157x128xi32, #tpu.memory_space<hbm>>) dst(%arg7 : memref<157x128xi32, #tpu.memory_space<vmem>>)
      tpu.yield
    }) : () -> ()
    %barrier3A = arith.constant 0 : index
    tpu.barrier barrier_id(%barrier3A)
    %dma_start3A = arith.constant 0 : i32
    %dma_start3A_13 = arith.constant 0 : i32
    %dma_start3A_14 = tpu.memref_slice %arg6[%dma_start3A, %dma_start3A_13] : memref<157x128xi32, #tpu.memory_space<vmem>> -> memref<1x128xi32, #tpu.memory_space<vmem>>
    %dma_start3A_15 = tpu.memref_squeeze %dma_start3A_14 : memref<1x128xi32, #tpu.memory_space<vmem>> -> memref<128xi32, #tpu.memory_space<vmem>>
    %dma_start3A_16 = arith.constant 0 : i32
    %dma_start3A_17 = arith.constant 0 : i32
    %dma_start3A_18 = tpu.memref_slice %arg4[%dma_start3A_16, %dma_start3A_17] : memref<20000x64xf32, #tpu.memory_space<hbm>> -> memref<20000x64xf32, #tpu.memory_space<hbm>>
    tpu.enqueue_indirect_dma source(%dma_start3A_18 : memref<20000x64xf32, #tpu.memory_space<hbm>>) target(%arg8 : memref<128x64xf32, #tpu.memory_space<vmem>>) offsets(%dma_start3A_15 : memref<128xi32, #tpu.memory_space<vmem>>) semaphore(%arg16 : memref<!tpu.dma_semaphore, #tpu.memory_space<semaphore_mem>>)
    %dma_start3A_19 = arith.constant 1 : i32
    %dma_start3A_20 = arith.constant 0 : i32
    %dma_start3A_21 = tpu.memref_slice %arg6[%dma_start3A_19, %dma_start3A_20] : memref<157x128xi32, #tpu.memory_space<vmem>> -> memref<1x128xi32, #tpu.memory_space<vmem>>
    %dma_start3A_22 = tpu.memref_squeeze %dma_start3A_21 : memref<1x128xi32, #tpu.memory_space<vmem>> -> memref<128xi32, #tpu.memory_space<vmem>>
    %dma_start3A_23 = arith.constant 0 : i32
    %dma_start3A_24 = arith.constant 0 : i32
    %dma_start3A_25 = tpu.memref_slice %arg4[%dma_start3A_23, %dma_start3A_24] : memref<20000x64xf32, #tpu.memory_space<hbm>> -> memref<20000x64xf32, #tpu.memory_space<hbm>>
    tpu.enqueue_indirect_dma source(%dma_start3A_25 : memref<20000x64xf32, #tpu.memory_space<hbm>>) target(%arg9 : memref<128x64xf32, #tpu.memory_space<vmem>>) offsets(%dma_start3A_22 : memref<128xi32, #tpu.memory_space<vmem>>) semaphore(%arg17 : memref<!tpu.dma_semaphore, #tpu.memory_space<semaphore_mem>>)
    %dma_start3A_26 = arith.constant 2 : i32
    %dma_start3A_27 = arith.constant 0 : i32
    %dma_start3A_28 = tpu.memref_slice %arg6[%dma_start3A_26, %dma_start3A_27] : memref<157x128xi32, #tpu.memory_space<vmem>> -> memref<1x128xi32, #tpu.memory_space<vmem>>
    %dma_start3A_29 = tpu.memref_squeeze %dma_start3A_28 : memref<1x128xi32, #tpu.memory_space<vmem>> -> memref<128xi32, #tpu.memory_space<vmem>>
    %dma_start3A_30 = arith.constant 0 : i32
    %dma_start3A_31 = arith.constant 0 : i32
    %dma_start3A_32 = tpu.memref_slice %arg4[%dma_start3A_30, %dma_start3A_31] : memref<20000x64xf32, #tpu.memory_space<hbm>> -> memref<20000x64xf32, #tpu.memory_space<hbm>>
    tpu.enqueue_indirect_dma source(%dma_start3A_32 : memref<20000x64xf32, #tpu.memory_space<hbm>>) target(%arg10 : memref<128x64xf32, #tpu.memory_space<vmem>>) offsets(%dma_start3A_29 : memref<128xi32, #tpu.memory_space<vmem>>) semaphore(%arg18 : memref<!tpu.dma_semaphore, #tpu.memory_space<semaphore_mem>>)
    %scan3A_33 = arith.constant 0 : i32
    %scan3A_34 = arith.constant 0 : i32
    %scan3A_35 = arith.constant 157 : i32
    %scan3A_36 = arith.addi %scan3A_34, %scan3A_35 : i32
    %scan3A_37 = arith.constant 1 : i32
    %scan3A_38 = scf.for %scan3A_64 = %scan3A_34 to %scan3A_36 step %scan3A_37 iter_args(%scan3A_65 = %scan3A_33) -> (i32)  : i32 {
      %rem3A = arith.constant 6 : i32
      %rem3A_66 = arith.remsi %scan3A_64, %rem3A : i32
      %eq3A = arith.constant 0 : i32
      %eq3A_67 = arith.cmpi eq, %rem3A_66, %eq3A : i32
      %convert_element_type3A = arith.extui %eq3A_67 : i1 to i32
      %cond3A = arith.constant 0 : i32
      %cond3A_68 = arith.cmpi ne, %convert_element_type3A, %cond3A : i32
      scf.if %cond3A_68 {
        %dma_wait3A_105 = arith.constant 0 : i32
        %dma_wait3A_106 = tpu.memref_slice %arg6[%scan3A_64, %dma_wait3A_105] : memref<157x128xi32, #tpu.memory_space<vmem>> -> memref<1x128xi32, #tpu.memory_space<vmem>>
        %dma_wait3A_107 = tpu.memref_squeeze %dma_wait3A_106 : memref<1x128xi32, #tpu.memory_space<vmem>> -> memref<128xi32, #tpu.memory_space<vmem>>
        %dma_wait3A_108 = arith.constant 0 : i32
        %dma_wait3A_109 = arith.constant 0 : i32
        %dma_wait3A_110 = tpu.memref_slice %arg4[%dma_wait3A_108, %dma_wait3A_109] : memref<20000x64xf32, #tpu.memory_space<hbm>> -> memref<20000x64xf32, #tpu.memory_space<hbm>>
        tpu.wait_indirect_dma semaphore(%arg16 : memref<!tpu.dma_semaphore, #tpu.memory_space<semaphore_mem>>) src(%dma_wait3A_110 : memref<20000x64xf32, #tpu.memory_space<hbm>>) dst(%arg8 : memref<128x64xf32, #tpu.memory_space<vmem>>)
        %dma_start3A_111 = arith.constant 0 : i32
        %dma_start3A_112 = tpu.memref_slice %arg7[%scan3A_64, %dma_start3A_111] : memref<157x128xi32, #tpu.memory_space<vmem>> -> memref<1x128xi32, #tpu.memory_space<vmem>>
        %dma_start3A_113 = tpu.memref_squeeze %dma_start3A_112 : memref<1x128xi32, #tpu.memory_space<vmem>> -> memref<128xi32, #tpu.memory_space<vmem>>
        %dma_start3A_114 = arith.constant 0 : i32
        %dma_start3A_115 = arith.constant 0 : i32
        %dma_start3A_116 = tpu.memref_slice %arg15[%dma_start3A_114, %dma_start3A_115] : memref<10240x64xf32, #tpu.memory_space<vmem_shared>> -> memref<10240x64xf32, #tpu.memory_space<vmem_shared>>
        tpu.enqueue_indirect_dma source(%arg8 : memref<128x64xf32, #tpu.memory_space<vmem>>) target(%dma_start3A_116 : memref<10240x64xf32, #tpu.memory_space<vmem_shared>>) offsets(%dma_start3A_113 : memref<128xi32, #tpu.memory_space<vmem>>) semaphore(%arg22 : memref<!tpu.dma_semaphore, #tpu.memory_space<semaphore_mem>>) {add = true}
        %ge3A = arith.constant 3 : i32
        %ge3A_117 = arith.cmpi sge, %scan3A_64, %ge3A : i32
        %convert_element_type3A_118 = arith.extui %ge3A_117 : i1 to i32
        %cond3A_119 = arith.constant 0 : i32
        %cond3A_120 = arith.cmpi ne, %convert_element_type3A_118, %cond3A_119 : i32
        scf.if %cond3A_120 {
          %sub3A = arith.constant 3 : i32
          %sub3A_126 = arith.subi %scan3A_64, %sub3A : i32
          %dma_wait3A_127 = arith.constant 0 : i32
          %dma_wait3A_128 = tpu.memref_slice %arg7[%sub3A_126, %dma_wait3A_127] : memref<157x128xi32, #tpu.memory_space<vmem>> -> memref<1x128xi32, #tpu.memory_space<vmem>>
          %dma_wait3A_129 = tpu.memref_squeeze %dma_wait3A_128 : memref<1x128xi32, #tpu.memory_space<vmem>> -> memref<128xi32, #tpu.memory_space<vmem>>
          %dma_wait3A_130 = arith.constant 0 : i32
          %dma_wait3A_131 = arith.constant 0 : i32
          %dma_wait3A_132 = tpu.memref_slice %arg15[%dma_wait3A_130, %dma_wait3A_131] : memref<10240x64xf32, #tpu.memory_space<vmem_shared>> -> memref<10240x64xf32, #tpu.memory_space<vmem_shared>>
          tpu.wait_indirect_dma semaphore(%arg25 : memref<!tpu.dma_semaphore, #tpu.memory_space<semaphore_mem>>) src(%arg11 : memref<128x64xf32, #tpu.memory_space<vmem>>) dst(%dma_wait3A_132 : memref<10240x64xf32, #tpu.memory_space<vmem_shared>>)
        } else {
        }
        %add3A = arith.constant 3 : i32
        %add3A_121 = arith.addi %scan3A_64, %add3A : i32
        %lt3A = arith.constant 157 : i32
        %lt3A_122 = arith.cmpi slt, %add3A_121, %lt3A : i32
        %convert_element_type3A_123 = arith.extui %lt3A_122 : i1 to i32
        %cond3A_124 = arith.constant 0 : i32
        %cond3A_125 = arith.cmpi ne, %convert_element_type3A_123, %cond3A_124 : i32
        scf.if %cond3A_125 {
          %add3A_126 = arith.constant 3 : i32
          %add3A_127 = arith.addi %scan3A_64, %add3A_126 : i32
          %dma_start3A_128 = arith.constant 0 : i32
          %dma_start3A_129 = tpu.memref_slice %arg6[%add3A_127, %dma_start3A_128] : memref<157x128xi32, #tpu.memory_space<vmem>> -> memref<1x128xi32, #tpu.memory_space<vmem>>
          %dma_start3A_130 = tpu.memref_squeeze %dma_start3A_129 : memref<1x128xi32, #tpu.memory_space<vmem>> -> memref<128xi32, #tpu.memory_space<vmem>>
          %dma_start3A_131 = arith.constant 0 : i32
          %dma_start3A_132 = arith.constant 0 : i32
          %dma_start3A_133 = tpu.memref_slice %arg4[%dma_start3A_131, %dma_start3A_132] : memref<20000x64xf32, #tpu.memory_space<hbm>> -> memref<20000x64xf32, #tpu.memory_space<hbm>>
          tpu.enqueue_indirect_dma source(%dma_start3A_133 : memref<20000x64xf32, #tpu.memory_space<hbm>>) target(%arg11 : memref<128x64xf32, #tpu.memory_space<vmem>>) offsets(%dma_start3A_130 : memref<128xi32, #tpu.memory_space<vmem>>) semaphore(%arg19 : memref<!tpu.dma_semaphore, #tpu.memory_space<semaphore_mem>>)
        } else {
        }
      } else {
      }
      %rem3A_69 = arith.constant 6 : i32
      %rem3A_70 = arith.remsi %scan3A_64, %rem3A_69 : i32
      %eq3A_71 = arith.constant 1 : i32
      %eq3A_72 = arith.cmpi eq, %rem3A_70, %eq3A_71 : i32
      %convert_element_type3A_73 = arith.extui %eq3A_72 : i1 to i32
      %cond3A_74 = arith.constant 0 : i32
      %cond3A_75 = arith.cmpi ne, %convert_element_type3A_73, %cond3A_74 : i32
      scf.if %cond3A_75 {
        %dma_wait3A_105 = arith.constant 0 : i32
        %dma_wait3A_106 = tpu.memref_slice %arg6[%scan3A_64, %dma_wait3A_105] : memref<157x128xi32, #tpu.memory_space<vmem>> -> memref<1x128xi32, #tpu.memory_space<vmem>>
        %dma_wait3A_107 = tpu.memref_squeeze %dma_wait3A_106 : memref<1x128xi32, #tpu.memory_space<vmem>> -> memref<128xi32, #tpu.memory_space<vmem>>
        %dma_wait3A_108 = arith.constant 0 : i32
        %dma_wait3A_109 = arith.constant 0 : i32
        %dma_wait3A_110 = tpu.memref_slice %arg4[%dma_wait3A_108, %dma_wait3A_109] : memref<20000x64xf32, #tpu.memory_space<hbm>> -> memref<20000x64xf32, #tpu.memory_space<hbm>>
        tpu.wait_indirect_dma semaphore(%arg17 : memref<!tpu.dma_semaphore, #tpu.memory_space<semaphore_mem>>) src(%dma_wait3A_110 : memref<20000x64xf32, #tpu.memory_space<hbm>>) dst(%arg9 : memref<128x64xf32, #tpu.memory_space<vmem>>)
        %dma_start3A_111 = arith.constant 0 : i32
        %dma_start3A_112 = tpu.memref_slice %arg7[%scan3A_64, %dma_start3A_111] : memref<157x128xi32, #tpu.memory_space<vmem>> -> memref<1x128xi32, #tpu.memory_space<vmem>>
        %dma_start3A_113 = tpu.memref_squeeze %dma_start3A_112 : memref<1x128xi32, #tpu.memory_space<vmem>> -> memref<128xi32, #tpu.memory_space<vmem>>
        %dma_start3A_114 = arith.constant 0 : i32
        %dma_start3A_115 = arith.constant 0 : i32
        %dma_start3A_116 = tpu.memref_slice %arg15[%dma_start3A_114, %dma_start3A_115] : memref<10240x64xf32, #tpu.memory_space<vmem_shared>> -> memref<10240x64xf32, #tpu.memory_space<vmem_shared>>
        tpu.enqueue_indirect_dma source(%arg9 : memref<128x64xf32, #tpu.memory_space<vmem>>) target(%dma_start3A_116 : memref<10240x64xf32, #tpu.memory_space<vmem_shared>>) offsets(%dma_start3A_113 : memref<128xi32, #tpu.memory_space<vmem>>) semaphore(%arg23 : memref<!tpu.dma_semaphore, #tpu.memory_space<semaphore_mem>>) {add = true}
        %ge3A = arith.constant 3 : i32
        %ge3A_117 = arith.cmpi sge, %scan3A_64, %ge3A : i32
        %convert_element_type3A_118 = arith.extui %ge3A_117 : i1 to i32
        %cond3A_119 = arith.constant 0 : i32
        %cond3A_120 = arith.cmpi ne, %convert_element_type3A_118, %cond3A_119 : i32
        scf.if %cond3A_120 {
          %sub3A = arith.constant 3 : i32
          %sub3A_126 = arith.subi %scan3A_64, %sub3A : i32
          %dma_wait3A_127 = arith.constant 0 : i32
          %dma_wait3A_128 = tpu.memref_slice %arg7[%sub3A_126, %dma_wait3A_127] : memref<157x128xi32, #tpu.memory_space<vmem>> -> memref<1x128xi32, #tpu.memory_space<vmem>>
          %dma_wait3A_129 = tpu.memref_squeeze %dma_wait3A_128 : memref<1x128xi32, #tpu.memory_space<vmem>> -> memref<128xi32, #tpu.memory_space<vmem>>
          %dma_wait3A_130 = arith.constant 0 : i32
          %dma_wait3A_131 = arith.constant 0 : i32
          %dma_wait3A_132 = tpu.memref_slice %arg15[%dma_wait3A_130, %dma_wait3A_131] : memref<10240x64xf32, #tpu.memory_space<vmem_shared>> -> memref<10240x64xf32, #tpu.memory_space<vmem_shared>>
          tpu.wait_indirect_dma semaphore(%arg26 : memref<!tpu.dma_semaphore, #tpu.memory_space<semaphore_mem>>) src(%arg12 : memref<128x64xf32, #tpu.memory_space<vmem>>) dst(%dma_wait3A_132 : memref<10240x64xf32, #tpu.memory_space<vmem_shared>>)
        } else {
        }
        %add3A = arith.constant 3 : i32
        %add3A_121 = arith.addi %scan3A_64, %add3A : i32
        %lt3A = arith.constant 157 : i32
        %lt3A_122 = arith.cmpi slt, %add3A_121, %lt3A : i32
        %convert_element_type3A_123 = arith.extui %lt3A_122 : i1 to i32
        %cond3A_124 = arith.constant 0 : i32
        %cond3A_125 = arith.cmpi ne, %convert_element_type3A_123, %cond3A_124 : i32
        scf.if %cond3A_125 {
          %add3A_126 = arith.constant 3 : i32
          %add3A_127 = arith.addi %scan3A_64, %add3A_126 : i32
          %dma_start3A_128 = arith.constant 0 : i32
          %dma_start3A_129 = tpu.memref_slice %arg6[%add3A_127, %dma_start3A_128] : memref<157x128xi32, #tpu.memory_space<vmem>> -> memref<1x128xi32, #tpu.memory_space<vmem>>
          %dma_start3A_130 = tpu.memref_squeeze %dma_start3A_129 : memref<1x128xi32, #tpu.memory_space<vmem>> -> memref<128xi32, #tpu.memory_space<vmem>>
          %dma_start3A_131 = arith.constant 0 : i32
          %dma_start3A_132 = arith.constant 0 : i32
          %dma_start3A_133 = tpu.memref_slice %arg4[%dma_start3A_131, %dma_start3A_132] : memref<20000x64xf32, #tpu.memory_space<hbm>> -> memref<20000x64xf32, #tpu.memory_space<hbm>>
          tpu.enqueue_indirect_dma source(%dma_start3A_133 : memref<20000x64xf32, #tpu.memory_space<hbm>>) target(%arg12 : memref<128x64xf32, #tpu.memory_space<vmem>>) offsets(%dma_start3A_130 : memref<128xi32, #tpu.memory_space<vmem>>) semaphore(%arg20 : memref<!tpu.dma_semaphore, #tpu.memory_space<semaphore_mem>>)
        } else {
        }
      } else {
      }
      %rem3A_76 = arith.constant 6 : i32
      %rem3A_77 = arith.remsi %scan3A_64, %rem3A_76 : i32
      %eq3A_78 = arith.constant 2 : i32
      %eq3A_79 = arith.cmpi eq, %rem3A_77, %eq3A_78 : i32
      %convert_element_type3A_80 = arith.extui %eq3A_79 : i1 to i32
      %cond3A_81 = arith.constant 0 : i32
      %cond3A_82 = arith.cmpi ne, %convert_element_type3A_80, %cond3A_81 : i32
      scf.if %cond3A_82 {
        %dma_wait3A_105 = arith.constant 0 : i32
        %dma_wait3A_106 = tpu.memref_slice %arg6[%scan3A_64, %dma_wait3A_105] : memref<157x128xi32, #tpu.memory_space<vmem>> -> memref<1x128xi32, #tpu.memory_space<vmem>>
        %dma_wait3A_107 = tpu.memref_squeeze %dma_wait3A_106 : memref<1x128xi32, #tpu.memory_space<vmem>> -> memref<128xi32, #tpu.memory_space<vmem>>
        %dma_wait3A_108 = arith.constant 0 : i32
        %dma_wait3A_109 = arith.constant 0 : i32
        %dma_wait3A_110 = tpu.memref_slice %arg4[%dma_wait3A_108, %dma_wait3A_109] : memref<20000x64xf32, #tpu.memory_space<hbm>> -> memref<20000x64xf32, #tpu.memory_space<hbm>>
        tpu.wait_indirect_dma semaphore(%arg18 : memref<!tpu.dma_semaphore, #tpu.memory_space<semaphore_mem>>) src(%dma_wait3A_110 : memref<20000x64xf32, #tpu.memory_space<hbm>>) dst(%arg10 : memref<128x64xf32, #tpu.memory_space<vmem>>)
        %dma_start3A_111 = arith.constant 0 : i32
        %dma_start3A_112 = tpu.memref_slice %arg7[%scan3A_64, %dma_start3A_111] : memref<157x128xi32, #tpu.memory_space<vmem>> -> memref<1x128xi32, #tpu.memory_space<vmem>>
        %dma_start3A_113 = tpu.memref_squeeze %dma_start3A_112 : memref<1x128xi32, #tpu.memory_space<vmem>> -> memref<128xi32, #tpu.memory_space<vmem>>
        %dma_start3A_114 = arith.constant 0 : i32
        %dma_start3A_115 = arith.constant 0 : i32
        %dma_start3A_116 = tpu.memref_slice %arg15[%dma_start3A_114, %dma_start3A_115] : memref<10240x64xf32, #tpu.memory_space<vmem_shared>> -> memref<10240x64xf32, #tpu.memory_space<vmem_shared>>
        tpu.enqueue_indirect_dma source(%arg10 : memref<128x64xf32, #tpu.memory_space<vmem>>) target(%dma_start3A_116 : memref<10240x64xf32, #tpu.memory_space<vmem_shared>>) offsets(%dma_start3A_113 : memref<128xi32, #tpu.memory_space<vmem>>) semaphore(%arg24 : memref<!tpu.dma_semaphore, #tpu.memory_space<semaphore_mem>>) {add = true}
        %ge3A = arith.constant 3 : i32
        %ge3A_117 = arith.cmpi sge, %scan3A_64, %ge3A : i32
        %convert_element_type3A_118 = arith.extui %ge3A_117 : i1 to i32
        %cond3A_119 = arith.constant 0 : i32
        %cond3A_120 = arith.cmpi ne, %convert_element_type3A_118, %cond3A_119 : i32
        scf.if %cond3A_120 {
          %sub3A = arith.constant 3 : i32
          %sub3A_126 = arith.subi %scan3A_64, %sub3A : i32
          %dma_wait3A_127 = arith.constant 0 : i32
          %dma_wait3A_128 = tpu.memref_slice %arg7[%sub3A_126, %dma_wait3A_127] : memref<157x128xi32, #tpu.memory_space<vmem>> -> memref<1x128xi32, #tpu.memory_space<vmem>>
          %dma_wait3A_129 = tpu.memref_squeeze %dma_wait3A_128 : memref<1x128xi32, #tpu.memory_space<vmem>> -> memref<128xi32, #tpu.memory_space<vmem>>
          %dma_wait3A_130 = arith.constant 0 : i32
          %dma_wait3A_131 = arith.constant 0 : i32
          %dma_wait3A_132 = tpu.memref_slice %arg15[%dma_wait3A_130, %dma_wait3A_131] : memref<10240x64xf32, #tpu.memory_space<vmem_shared>> -> memref<10240x64xf32, #tpu.memory_space<vmem_shared>>
          tpu.wait_indirect_dma semaphore(%arg27 : memref<!tpu.dma_semaphore, #tpu.memory_space<semaphore_mem>>) src(%arg13 : memref<128x64xf32, #tpu.memory_space<vmem>>) dst(%dma_wait3A_132 : memref<10240x64xf32, #tpu.memory_space<vmem_shared>>)
        } else {
        }
        %add3A = arith.constant 3 : i32
        %add3A_121 = arith.addi %scan3A_64, %add3A : i32
        %lt3A = arith.constant 157 : i32
        %lt3A_122 = arith.cmpi slt, %add3A_121, %lt3A : i32
        %convert_element_type3A_123 = arith.extui %lt3A_122 : i1 to i32
        %cond3A_124 = arith.constant 0 : i32
        %cond3A_125 = arith.cmpi ne, %convert_element_type3A_123, %cond3A_124 : i32
        scf.if %cond3A_125 {
          %add3A_126 = arith.constant 3 : i32
          %add3A_127 = arith.addi %scan3A_64, %add3A_126 : i32
          %dma_start3A_128 = arith.constant 0 : i32
          %dma_start3A_129 = tpu.memref_slice %arg6[%add3A_127, %dma_start3A_128] : memref<157x128xi32, #tpu.memory_space<vmem>> -> memref<1x128xi32, #tpu.memory_space<vmem>>
          %dma_start3A_130 = tpu.memref_squeeze %dma_start3A_129 : memref<1x128xi32, #tpu.memory_space<vmem>> -> memref<128xi32, #tpu.memory_space<vmem>>
          %dma_start3A_131 = arith.constant 0 : i32
          %dma_start3A_132 = arith.constant 0 : i32
          %dma_start3A_133 = tpu.memref_slice %arg4[%dma_start3A_131, %dma_start3A_132] : memref<20000x64xf32, #tpu.memory_space<hbm>> -> memref<20000x64xf32, #tpu.memory_space<hbm>>
          tpu.enqueue_indirect_dma source(%dma_start3A_133 : memref<20000x64xf32, #tpu.memory_space<hbm>>) target(%arg13 : memref<128x64xf32, #tpu.memory_space<vmem>>) offsets(%dma_start3A_130 : memref<128xi32, #tpu.memory_space<vmem>>) semaphore(%arg21 : memref<!tpu.dma_semaphore, #tpu.memory_space<semaphore_mem>>)
        } else {
        }
      } else {
      }
      %rem3A_83 = arith.constant 6 : i32
      %rem3A_84 = arith.remsi %scan3A_64, %rem3A_83 : i32
      %eq3A_85 = arith.constant 3 : i32
      %eq3A_86 = arith.cmpi eq, %rem3A_84, %eq3A_85 : i32
      %convert_element_type3A_87 = arith.extui %eq3A_86 : i1 to i32
      %cond3A_88 = arith.constant 0 : i32
      %cond3A_89 = arith.cmpi ne, %convert_element_type3A_87, %cond3A_88 : i32
      scf.if %cond3A_89 {
        %dma_wait3A_105 = arith.constant 0 : i32
        %dma_wait3A_106 = tpu.memref_slice %arg6[%scan3A_64, %dma_wait3A_105] : memref<157x128xi32, #tpu.memory_space<vmem>> -> memref<1x128xi32, #tpu.memory_space<vmem>>
        %dma_wait3A_107 = tpu.memref_squeeze %dma_wait3A_106 : memref<1x128xi32, #tpu.memory_space<vmem>> -> memref<128xi32, #tpu.memory_space<vmem>>
        %dma_wait3A_108 = arith.constant 0 : i32
        %dma_wait3A_109 = arith.constant 0 : i32
        %dma_wait3A_110 = tpu.memref_slice %arg4[%dma_wait3A_108, %dma_wait3A_109] : memref<20000x64xf32, #tpu.memory_space<hbm>> -> memref<20000x64xf32, #tpu.memory_space<hbm>>
        tpu.wait_indirect_dma semaphore(%arg19 : memref<!tpu.dma_semaphore, #tpu.memory_space<semaphore_mem>>) src(%dma_wait3A_110 : memref<20000x64xf32, #tpu.memory_space<hbm>>) dst(%arg11 : memref<128x64xf32, #tpu.memory_space<vmem>>)
        %dma_start3A_111 = arith.constant 0 : i32
        %dma_start3A_112 = tpu.memref_slice %arg7[%scan3A_64, %dma_start3A_111] : memref<157x128xi32, #tpu.memory_space<vmem>> -> memref<1x128xi32, #tpu.memory_space<vmem>>
        %dma_start3A_113 = tpu.memref_squeeze %dma_start3A_112 : memref<1x128xi32, #tpu.memory_space<vmem>> -> memref<128xi32, #tpu.memory_space<vmem>>
        %dma_start3A_114 = arith.constant 0 : i32
        %dma_start3A_115 = arith.constant 0 : i32
        %dma_start3A_116 = tpu.memref_slice %arg15[%dma_start3A_114, %dma_start3A_115] : memref<10240x64xf32, #tpu.memory_space<vmem_shared>> -> memref<10240x64xf32, #tpu.memory_space<vmem_shared>>
        tpu.enqueue_indirect_dma source(%arg11 : memref<128x64xf32, #tpu.memory_space<vmem>>) target(%dma_start3A_116 : memref<10240x64xf32, #tpu.memory_space<vmem_shared>>) offsets(%dma_start3A_113 : memref<128xi32, #tpu.memory_space<vmem>>) semaphore(%arg25 : memref<!tpu.dma_semaphore, #tpu.memory_space<semaphore_mem>>) {add = true}
        %ge3A = arith.constant 3 : i32
        %ge3A_117 = arith.cmpi sge, %scan3A_64, %ge3A : i32
        %convert_element_type3A_118 = arith.extui %ge3A_117 : i1 to i32
        %cond3A_119 = arith.constant 0 : i32
        %cond3A_120 = arith.cmpi ne, %convert_element_type3A_118, %cond3A_119 : i32
        scf.if %cond3A_120 {
          %sub3A = arith.constant 3 : i32
          %sub3A_126 = arith.subi %scan3A_64, %sub3A : i32
          %dma_wait3A_127 = arith.constant 0 : i32
          %dma_wait3A_128 = tpu.memref_slice %arg7[%sub3A_126, %dma_wait3A_127] : memref<157x128xi32, #tpu.memory_space<vmem>> -> memref<1x128xi32, #tpu.memory_space<vmem>>
          %dma_wait3A_129 = tpu.memref_squeeze %dma_wait3A_128 : memref<1x128xi32, #tpu.memory_space<vmem>> -> memref<128xi32, #tpu.memory_space<vmem>>
          %dma_wait3A_130 = arith.constant 0 : i32
          %dma_wait3A_131 = arith.constant 0 : i32
          %dma_wait3A_132 = tpu.memref_slice %arg15[%dma_wait3A_130, %dma_wait3A_131] : memref<10240x64xf32, #tpu.memory_space<vmem_shared>> -> memref<10240x64xf32, #tpu.memory_space<vmem_shared>>
          tpu.wait_indirect_dma semaphore(%arg22 : memref<!tpu.dma_semaphore, #tpu.memory_space<semaphore_mem>>) src(%arg8 : memref<128x64xf32, #tpu.memory_space<vmem>>) dst(%dma_wait3A_132 : memref<10240x64xf32, #tpu.memory_space<vmem_shared>>)
        } else {
        }
        %add3A = arith.constant 3 : i32
        %add3A_121 = arith.addi %scan3A_64, %add3A : i32
        %lt3A = arith.constant 157 : i32
        %lt3A_122 = arith.cmpi slt, %add3A_121, %lt3A : i32
        %convert_element_type3A_123 = arith.extui %lt3A_122 : i1 to i32
        %cond3A_124 = arith.constant 0 : i32
        %cond3A_125 = arith.cmpi ne, %convert_element_type3A_123, %cond3A_124 : i32
        scf.if %cond3A_125 {
          %add3A_126 = arith.constant 3 : i32
          %add3A_127 = arith.addi %scan3A_64, %add3A_126 : i32
          %dma_start3A_128 = arith.constant 0 : i32
          %dma_start3A_129 = tpu.memref_slice %arg6[%add3A_127, %dma_start3A_128] : memref<157x128xi32, #tpu.memory_space<vmem>> -> memref<1x128xi32, #tpu.memory_space<vmem>>
          %dma_start3A_130 = tpu.memref_squeeze %dma_start3A_129 : memref<1x128xi32, #tpu.memory_space<vmem>> -> memref<128xi32, #tpu.memory_space<vmem>>
          %dma_start3A_131 = arith.constant 0 : i32
          %dma_start3A_132 = arith.constant 0 : i32
          %dma_start3A_133 = tpu.memref_slice %arg4[%dma_start3A_131, %dma_start3A_132] : memref<20000x64xf32, #tpu.memory_space<hbm>> -> memref<20000x64xf32, #tpu.memory_space<hbm>>
          tpu.enqueue_indirect_dma source(%dma_start3A_133 : memref<20000x64xf32, #tpu.memory_space<hbm>>) target(%arg8 : memref<128x64xf32, #tpu.memory_space<vmem>>) offsets(%dma_start3A_130 : memref<128xi32, #tpu.memory_space<vmem>>) semaphore(%arg16 : memref<!tpu.dma_semaphore, #tpu.memory_space<semaphore_mem>>)
        } else {
        }
      } else {
      }
      %rem3A_90 = arith.constant 6 : i32
      %rem3A_91 = arith.remsi %scan3A_64, %rem3A_90 : i32
      %eq3A_92 = arith.constant 4 : i32
      %eq3A_93 = arith.cmpi eq, %rem3A_91, %eq3A_92 : i32
      %convert_element_type3A_94 = arith.extui %eq3A_93 : i1 to i32
      %cond3A_95 = arith.constant 0 : i32
      %cond3A_96 = arith.cmpi ne, %convert_element_type3A_94, %cond3A_95 : i32
      scf.if %cond3A_96 {
        %dma_wait3A_105 = arith.constant 0 : i32
        %dma_wait3A_106 = tpu.memref_slice %arg6[%scan3A_64, %dma_wait3A_105] : memref<157x128xi32, #tpu.memory_space<vmem>> -> memref<1x128xi32, #tpu.memory_space<vmem>>
        %dma_wait3A_107 = tpu.memref_squeeze %dma_wait3A_106 : memref<1x128xi32, #tpu.memory_space<vmem>> -> memref<128xi32, #tpu.memory_space<vmem>>
        %dma_wait3A_108 = arith.constant 0 : i32
        %dma_wait3A_109 = arith.constant 0 : i32
        %dma_wait3A_110 = tpu.memref_slice %arg4[%dma_wait3A_108, %dma_wait3A_109] : memref<20000x64xf32, #tpu.memory_space<hbm>> -> memref<20000x64xf32, #tpu.memory_space<hbm>>
        tpu.wait_indirect_dma semaphore(%arg20 : memref<!tpu.dma_semaphore, #tpu.memory_space<semaphore_mem>>) src(%dma_wait3A_110 : memref<20000x64xf32, #tpu.memory_space<hbm>>) dst(%arg12 : memref<128x64xf32, #tpu.memory_space<vmem>>)
        %dma_start3A_111 = arith.constant 0 : i32
        %dma_start3A_112 = tpu.memref_slice %arg7[%scan3A_64, %dma_start3A_111] : memref<157x128xi32, #tpu.memory_space<vmem>> -> memref<1x128xi32, #tpu.memory_space<vmem>>
        %dma_start3A_113 = tpu.memref_squeeze %dma_start3A_112 : memref<1x128xi32, #tpu.memory_space<vmem>> -> memref<128xi32, #tpu.memory_space<vmem>>
        %dma_start3A_114 = arith.constant 0 : i32
        %dma_start3A_115 = arith.constant 0 : i32
        %dma_start3A_116 = tpu.memref_slice %arg15[%dma_start3A_114, %dma_start3A_115] : memref<10240x64xf32, #tpu.memory_space<vmem_shared>> -> memref<10240x64xf32, #tpu.memory_space<vmem_shared>>
        tpu.enqueue_indirect_dma source(%arg12 : memref<128x64xf32, #tpu.memory_space<vmem>>) target(%dma_start3A_116 : memref<10240x64xf32, #tpu.memory_space<vmem_shared>>) offsets(%dma_start3A_113 : memref<128xi32, #tpu.memory_space<vmem>>) semaphore(%arg26 : memref<!tpu.dma_semaphore, #tpu.memory_space<semaphore_mem>>) {add = true}
        %ge3A = arith.constant 3 : i32
        %ge3A_117 = arith.cmpi sge, %scan3A_64, %ge3A : i32
        %convert_element_type3A_118 = arith.extui %ge3A_117 : i1 to i32
        %cond3A_119 = arith.constant 0 : i32
        %cond3A_120 = arith.cmpi ne, %convert_element_type3A_118, %cond3A_119 : i32
        scf.if %cond3A_120 {
          %sub3A = arith.constant 3 : i32
          %sub3A_126 = arith.subi %scan3A_64, %sub3A : i32
          %dma_wait3A_127 = arith.constant 0 : i32
          %dma_wait3A_128 = tpu.memref_slice %arg7[%sub3A_126, %dma_wait3A_127] : memref<157x128xi32, #tpu.memory_space<vmem>> -> memref<1x128xi32, #tpu.memory_space<vmem>>
          %dma_wait3A_129 = tpu.memref_squeeze %dma_wait3A_128 : memref<1x128xi32, #tpu.memory_space<vmem>> -> memref<128xi32, #tpu.memory_space<vmem>>
          %dma_wait3A_130 = arith.constant 0 : i32
          %dma_wait3A_131 = arith.constant 0 : i32
          %dma_wait3A_132 = tpu.memref_slice %arg15[%dma_wait3A_130, %dma_wait3A_131] : memref<10240x64xf32, #tpu.memory_space<vmem_shared>> -> memref<10240x64xf32, #tpu.memory_space<vmem_shared>>
          tpu.wait_indirect_dma semaphore(%arg23 : memref<!tpu.dma_semaphore, #tpu.memory_space<semaphore_mem>>) src(%arg9 : memref<128x64xf32, #tpu.memory_space<vmem>>) dst(%dma_wait3A_132 : memref<10240x64xf32, #tpu.memory_space<vmem_shared>>)
        } else {
        }
        %add3A = arith.constant 3 : i32
        %add3A_121 = arith.addi %scan3A_64, %add3A : i32
        %lt3A = arith.constant 157 : i32
        %lt3A_122 = arith.cmpi slt, %add3A_121, %lt3A : i32
        %convert_element_type3A_123 = arith.extui %lt3A_122 : i1 to i32
        %cond3A_124 = arith.constant 0 : i32
        %cond3A_125 = arith.cmpi ne, %convert_element_type3A_123, %cond3A_124 : i32
        scf.if %cond3A_125 {
          %add3A_126 = arith.constant 3 : i32
          %add3A_127 = arith.addi %scan3A_64, %add3A_126 : i32
          %dma_start3A_128 = arith.constant 0 : i32
          %dma_start3A_129 = tpu.memref_slice %arg6[%add3A_127, %dma_start3A_128] : memref<157x128xi32, #tpu.memory_space<vmem>> -> memref<1x128xi32, #tpu.memory_space<vmem>>
          %dma_start3A_130 = tpu.memref_squeeze %dma_start3A_129 : memref<1x128xi32, #tpu.memory_space<vmem>> -> memref<128xi32, #tpu.memory_space<vmem>>
          %dma_start3A_131 = arith.constant 0 : i32
          %dma_start3A_132 = arith.constant 0 : i32
          %dma_start3A_133 = tpu.memref_slice %arg4[%dma_start3A_131, %dma_start3A_132] : memref<20000x64xf32, #tpu.memory_space<hbm>> -> memref<20000x64xf32, #tpu.memory_space<hbm>>
          tpu.enqueue_indirect_dma source(%dma_start3A_133 : memref<20000x64xf32, #tpu.memory_space<hbm>>) target(%arg9 : memref<128x64xf32, #tpu.memory_space<vmem>>) offsets(%dma_start3A_130 : memref<128xi32, #tpu.memory_space<vmem>>) semaphore(%arg17 : memref<!tpu.dma_semaphore, #tpu.memory_space<semaphore_mem>>)
        } else {
        }
      } else {
      }
      %rem3A_97 = arith.constant 6 : i32
      %rem3A_98 = arith.remsi %scan3A_64, %rem3A_97 : i32
      %eq3A_99 = arith.constant 5 : i32
      %eq3A_100 = arith.cmpi eq, %rem3A_98, %eq3A_99 : i32
      %convert_element_type3A_101 = arith.extui %eq3A_100 : i1 to i32
      %cond3A_102 = arith.constant 0 : i32
      %cond3A_103 = arith.cmpi ne, %convert_element_type3A_101, %cond3A_102 : i32
      scf.if %cond3A_103 {
        %dma_wait3A_105 = arith.constant 0 : i32
        %dma_wait3A_106 = tpu.memref_slice %arg6[%scan3A_64, %dma_wait3A_105] : memref<157x128xi32, #tpu.memory_space<vmem>> -> memref<1x128xi32, #tpu.memory_space<vmem>>
        %dma_wait3A_107 = tpu.memref_squeeze %dma_wait3A_106 : memref<1x128xi32, #tpu.memory_space<vmem>> -> memref<128xi32, #tpu.memory_space<vmem>>
        %dma_wait3A_108 = arith.constant 0 : i32
        %dma_wait3A_109 = arith.constant 0 : i32
        %dma_wait3A_110 = tpu.memref_slice %arg4[%dma_wait3A_108, %dma_wait3A_109] : memref<20000x64xf32, #tpu.memory_space<hbm>> -> memref<20000x64xf32, #tpu.memory_space<hbm>>
        tpu.wait_indirect_dma semaphore(%arg21 : memref<!tpu.dma_semaphore, #tpu.memory_space<semaphore_mem>>) src(%dma_wait3A_110 : memref<20000x64xf32, #tpu.memory_space<hbm>>) dst(%arg13 : memref<128x64xf32, #tpu.memory_space<vmem>>)
        %dma_start3A_111 = arith.constant 0 : i32
        %dma_start3A_112 = tpu.memref_slice %arg7[%scan3A_64, %dma_start3A_111] : memref<157x128xi32, #tpu.memory_space<vmem>> -> memref<1x128xi32, #tpu.memory_space<vmem>>
        %dma_start3A_113 = tpu.memref_squeeze %dma_start3A_112 : memref<1x128xi32, #tpu.memory_space<vmem>> -> memref<128xi32, #tpu.memory_space<vmem>>
        %dma_start3A_114 = arith.constant 0 : i32
        %dma_start3A_115 = arith.constant 0 : i32
        %dma_start3A_116 = tpu.memref_slice %arg15[%dma_start3A_114, %dma_start3A_115] : memref<10240x64xf32, #tpu.memory_space<vmem_shared>> -> memref<10240x64xf32, #tpu.memory_space<vmem_shared>>
        tpu.enqueue_indirect_dma source(%arg13 : memref<128x64xf32, #tpu.memory_space<vmem>>) target(%dma_start3A_116 : memref<10240x64xf32, #tpu.memory_space<vmem_shared>>) offsets(%dma_start3A_113 : memref<128xi32, #tpu.memory_space<vmem>>) semaphore(%arg27 : memref<!tpu.dma_semaphore, #tpu.memory_space<semaphore_mem>>) {add = true}
        %ge3A = arith.constant 3 : i32
        %ge3A_117 = arith.cmpi sge, %scan3A_64, %ge3A : i32
        %convert_element_type3A_118 = arith.extui %ge3A_117 : i1 to i32
        %cond3A_119 = arith.constant 0 : i32
        %cond3A_120 = arith.cmpi ne, %convert_element_type3A_118, %cond3A_119 : i32
        scf.if %cond3A_120 {
          %sub3A = arith.constant 3 : i32
          %sub3A_126 = arith.subi %scan3A_64, %sub3A : i32
          %dma_wait3A_127 = arith.constant 0 : i32
          %dma_wait3A_128 = tpu.memref_slice %arg7[%sub3A_126, %dma_wait3A_127] : memref<157x128xi32, #tpu.memory_space<vmem>> -> memref<1x128xi32, #tpu.memory_space<vmem>>
          %dma_wait3A_129 = tpu.memref_squeeze %dma_wait3A_128 : memref<1x128xi32, #tpu.memory_space<vmem>> -> memref<128xi32, #tpu.memory_space<vmem>>
          %dma_wait3A_130 = arith.constant 0 : i32
          %dma_wait3A_131 = arith.constant 0 : i32
          %dma_wait3A_132 = tpu.memref_slice %arg15[%dma_wait3A_130, %dma_wait3A_131] : memref<10240x64xf32, #tpu.memory_space<vmem_shared>> -> memref<10240x64xf32, #tpu.memory_space<vmem_shared>>
          tpu.wait_indirect_dma semaphore(%arg24 : memref<!tpu.dma_semaphore, #tpu.memory_space<semaphore_mem>>) src(%arg10 : memref<128x64xf32, #tpu.memory_space<vmem>>) dst(%dma_wait3A_132 : memref<10240x64xf32, #tpu.memory_space<vmem_shared>>)
        } else {
        }
        %add3A = arith.constant 3 : i32
        %add3A_121 = arith.addi %scan3A_64, %add3A : i32
        %lt3A = arith.constant 157 : i32
        %lt3A_122 = arith.cmpi slt, %add3A_121, %lt3A : i32
        %convert_element_type3A_123 = arith.extui %lt3A_122 : i1 to i32
        %cond3A_124 = arith.constant 0 : i32
        %cond3A_125 = arith.cmpi ne, %convert_element_type3A_123, %cond3A_124 : i32
        scf.if %cond3A_125 {
          %add3A_126 = arith.constant 3 : i32
          %add3A_127 = arith.addi %scan3A_64, %add3A_126 : i32
          %dma_start3A_128 = arith.constant 0 : i32
          %dma_start3A_129 = tpu.memref_slice %arg6[%add3A_127, %dma_start3A_128] : memref<157x128xi32, #tpu.memory_space<vmem>> -> memref<1x128xi32, #tpu.memory_space<vmem>>
          %dma_start3A_130 = tpu.memref_squeeze %dma_start3A_129 : memref<1x128xi32, #tpu.memory_space<vmem>> -> memref<128xi32, #tpu.memory_space<vmem>>
          %dma_start3A_131 = arith.constant 0 : i32
          %dma_start3A_132 = arith.constant 0 : i32
          %dma_start3A_133 = tpu.memref_slice %arg4[%dma_start3A_131, %dma_start3A_132] : memref<20000x64xf32, #tpu.memory_space<hbm>> -> memref<20000x64xf32, #tpu.memory_space<hbm>>
          tpu.enqueue_indirect_dma source(%dma_start3A_133 : memref<20000x64xf32, #tpu.memory_space<hbm>>) target(%arg10 : memref<128x64xf32, #tpu.memory_space<vmem>>) offsets(%dma_start3A_130 : memref<128xi32, #tpu.memory_space<vmem>>) semaphore(%arg18 : memref<!tpu.dma_semaphore, #tpu.memory_space<semaphore_mem>>)
        } else {
        }
      } else {
      }
      %scan3A_104 = arith.constant 0 : i32
      scf.yield %scan3A_104 : i32
    }
    %scan3A_39 = arith.constant 157 : i32
    %dma_wait3A = arith.constant 154 : i32
    %dma_wait3A_40 = arith.constant 0 : i32
    %dma_wait3A_41 = tpu.memref_slice %arg7[%dma_wait3A, %dma_wait3A_40] : memref<157x128xi32, #tpu.memory_space<vmem>> -> memref<1x128xi32, #tpu.memory_space<vmem>>
    %dma_wait3A_42 = tpu.memref_squeeze %dma_wait3A_41 : memref<1x128xi32, #tpu.memory_space<vmem>> -> memref<128xi32, #tpu.memory_space<vmem>>
    %dma_wait3A_43 = arith.constant 0 : i32
    %dma_wait3A_44 = arith.constant 0 : i32
    %dma_wait3A_45 = tpu.memref_slice %arg15[%dma_wait3A_43, %dma_wait3A_44] : memref<10240x64xf32, #tpu.memory_space<vmem_shared>> -> memref<10240x64xf32, #tpu.memory_space<vmem_shared>>
    tpu.wait_indirect_dma semaphore(%arg26 : memref<!tpu.dma_semaphore, #tpu.memory_space<semaphore_mem>>) src(%arg12 : memref<128x64xf32, #tpu.memory_space<vmem>>) dst(%dma_wait3A_45 : memref<10240x64xf32, #tpu.memory_space<vmem_shared>>)
    %dma_wait3A_46 = arith.constant 155 : i32
    %dma_wait3A_47 = arith.constant 0 : i32
    %dma_wait3A_48 = tpu.memref_slice %arg7[%dma_wait3A_46, %dma_wait3A_47] : memref<157x128xi32, #tpu.memory_space<vmem>> -> memref<1x128xi32, #tpu.memory_space<vmem>>
    %dma_wait3A_49 = tpu.memref_squeeze %dma_wait3A_48 : memref<1x128xi32, #tpu.memory_space<vmem>> -> memref<128xi32, #tpu.memory_space<vmem>>
    %dma_wait3A_50 = arith.constant 0 : i32
    %dma_wait3A_51 = arith.constant 0 : i32
    %dma_wait3A_52 = tpu.memref_slice %arg15[%dma_wait3A_50, %dma_wait3A_51] : memref<10240x64xf32, #tpu.memory_space<vmem_shared>> -> memref<10240x64xf32, #tpu.memory_space<vmem_shared>>
    tpu.wait_indirect_dma semaphore(%arg27 : memref<!tpu.dma_semaphore, #tpu.memory_space<semaphore_mem>>) src(%arg13 : memref<128x64xf32, #tpu.memory_space<vmem>>) dst(%dma_wait3A_52 : memref<10240x64xf32, #tpu.memory_space<vmem_shared>>)
    %dma_wait3A_53 = arith.constant 156 : i32
    %dma_wait3A_54 = arith.constant 0 : i32
    %dma_wait3A_55 = tpu.memref_slice %arg7[%dma_wait3A_53, %dma_wait3A_54] : memref<157x128xi32, #tpu.memory_space<vmem>> -> memref<1x128xi32, #tpu.memory_space<vmem>>
    %dma_wait3A_56 = tpu.memref_squeeze %dma_wait3A_55 : memref<1x128xi32, #tpu.memory_space<vmem>> -> memref<128xi32, #tpu.memory_space<vmem>>
    %dma_wait3A_57 = arith.constant 0 : i32
    %dma_wait3A_58 = arith.constant 0 : i32
    %dma_wait3A_59 = tpu.memref_slice %arg15[%dma_wait3A_57, %dma_wait3A_58] : memref<10240x64xf32, #tpu.memory_space<vmem_shared>> -> memref<10240x64xf32, #tpu.memory_space<vmem_shared>>
    tpu.wait_indirect_dma semaphore(%arg22 : memref<!tpu.dma_semaphore, #tpu.memory_space<semaphore_mem>>) src(%arg8 : memref<128x64xf32, #tpu.memory_space<vmem>>) dst(%dma_wait3A_59 : memref<10240x64xf32, #tpu.memory_space<vmem_shared>>)
    %barrier3A_60 = arith.constant 0 : index
    tpu.barrier barrier_id(%barrier3A_60)
    %mul3A = arith.constant 640 : i32
    %mul3A_61 = arith.muli %arg1, %mul3A : i32
    %mul3A_62 = arith.constant 640 : i32
    %mul3A_63 = arith.muli %arg1, %mul3A_62 : i32
    "tpu.region"() ({
      %run_scoped3A = tpu.sem_alloc : memref<!tpu.dma_semaphore, #tpu.memory_space<semaphore_mem>>
      %dma_start3A_64 = arith.constant 0 : i32
      %dma_start3A_65 = tpu.memref_slice %arg5[%arg0, %mul3A_63, %dma_start3A_64] : memref<2x10240x64xf32, #tpu.memory_space<hbm>> -> memref<1x640x64xf32, #tpu.memory_space<hbm>>
      %dma_start3A_66 = tpu.memref_squeeze %dma_start3A_65 : memref<1x640x64xf32, #tpu.memory_space<hbm>> -> memref<640x64xf32, #tpu.memory_space<hbm>>
      %dma_start3A_67 = arith.constant 0 : i32
      %dma_start3A_68 = tpu.memref_slice %arg15[%mul3A_61, %dma_start3A_67] : memref<10240x64xf32, #tpu.memory_space<vmem_shared>> -> memref<640x64xf32, #tpu.memory_space<vmem_shared>>
      tpu.enqueue_dma source(%dma_start3A_68 : memref<640x64xf32, #tpu.memory_space<vmem_shared>>) target(%dma_start3A_66 : memref<640x64xf32, #tpu.memory_space<hbm>>) target_semaphore(%run_scoped3A : memref<!tpu.dma_semaphore, #tpu.memory_space<semaphore_mem>>)
      %dma_wait3A_69 = arith.constant 0 : i32
      %dma_wait3A_70 = tpu.memref_slice %arg5[%arg0, %mul3A_63, %dma_wait3A_69] : memref<2x10240x64xf32, #tpu.memory_space<hbm>> -> memref<1x640x64xf32, #tpu.memory_space<hbm>>
      %dma_wait3A_71 = tpu.memref_squeeze %dma_wait3A_70 : memref<1x640x64xf32, #tpu.memory_space<hbm>> -> memref<640x64xf32, #tpu.memory_space<hbm>>
      %dma_wait3A_72 = arith.constant 0 : i32
      %dma_wait3A_73 = tpu.memref_slice %arg15[%mul3A_61, %dma_wait3A_72] : memref<10240x64xf32, #tpu.memory_space<vmem_shared>> -> memref<640x64xf32, #tpu.memory_space<vmem_shared>>
      tpu.wait_dma2 semaphore(%run_scoped3A : memref<!tpu.dma_semaphore, #tpu.memory_space<semaphore_mem>>) src(%dma_wait3A_73 : memref<640x64xf32, #tpu.memory_space<vmem_shared>>) dst(%dma_wait3A_71 : memref<640x64xf32, #tpu.memory_space<hbm>>)
      tpu.yield
    }) : () -> ()
    return
  }
}

#map = affine_map<(d0, d1) -> (0, 0, 0, 0)>
#map1 = affine_map<(d0, d1) -> (0, 0)>
module attributes {stable_mosaic.version = 14 : i64} {
  func.func @deg_kernel(%arg0: i32, %arg1: i32, %arg2: memref<2x16x157x128xi32, #tpu.memory_space<hbm>>, %arg3: memref<2x10240xf32, #tpu.memory_space<hbm>>, %arg4: memref<157x128xi32, #tpu.memory_space<vmem>>, %arg5: memref<128xf32, #tpu.memory_space<vmem>>, %arg6: memref<640xf32, #tpu.memory_space<vmem>>, %arg7: memref<10240xf32, #tpu.memory_space<vmem_shared>>) attributes {dimension_semantics = [#tpu.dimension_semantics<core_parallel>, #tpu.dimension_semantics<subcore_parallel>], iteration_bounds = array<i64: 2, 16>, scalar_prefetch = 0 : i64, scratch_operands = 4 : i64, tpu.core_type = #tpu.core_type<sc_vector_subcore>, window_params = [{transform_indices = #map}, {transform_indices = #map1}]} {
    %scan3A = arith.constant 0 : i32
    %scan3A_0 = arith.constant 0 : i32
    %scan3A_1 = arith.constant 8 : i32
    %scan3A_2 = arith.addi %scan3A_0, %scan3A_1 : i32
    %scan3A_3 = arith.constant 1 : i32
    %scan3A_4 = scf.for %scan3A_26 = %scan3A_0 to %scan3A_2 step %scan3A_3 iter_args(%scan3A_27 = %scan3A) -> (i32)  : i32 {
      %broadcast_in_dim3A = arith.constant 1.000000e+00 : f32
      %broadcast_in_dim3A_28 = vector.broadcast %broadcast_in_dim3A : f32 to vector<16xf32>
      %mul3A_29 = arith.constant 16 : i32
      %mul3A_30 = arith.muli %scan3A_26, %mul3A_29 : i32
      %swap3A = arith.index_cast %mul3A_30 : i32 to index
      %swap3A_31 = tpu.vector_load %arg5[%swap3A] {strides = array<i32>} : memref<128xf32, #tpu.memory_space<vmem>>, vector<16xf32>,
      %swap3A_32 = vector.shape_cast %swap3A_31 : vector<16xf32> to vector<16xf32>
      %swap3A_33 = vector.shape_cast %broadcast_in_dim3A_28 : vector<16xf32> to vector<16xf32>
      tpu.vector_store %arg5[%swap3A], %swap3A_33 {strides = array<i32>} : memref<128xf32, #tpu.memory_space<vmem>>, vector<16xf32>,
      %scan3A_34 = arith.constant 0 : i32
      scf.yield %scan3A_34 : i32
    }
    %scan3A_5 = arith.constant 8 : i32
    %scan3A_6 = arith.constant 0 : i32
    %scan3A_7 = arith.constant 0 : i32
    %scan3A_8 = arith.constant 40 : i32
    %scan3A_9 = arith.addi %scan3A_7, %scan3A_8 : i32
    %scan3A_10 = arith.constant 1 : i32
    %scan3A_11 = scf.for %scan3A_26 = %scan3A_7 to %scan3A_9 step %scan3A_10 iter_args(%scan3A_27 = %scan3A_6) -> (i32)  : i32 {
      %broadcast_in_dim3A = arith.constant 0.000000e+00 : f32
      %broadcast_in_dim3A_28 = vector.broadcast %broadcast_in_dim3A : f32 to vector<16xf32>
      %mul3A_29 = arith.constant 16 : i32
      %mul3A_30 = arith.muli %scan3A_26, %mul3A_29 : i32
      %swap3A = arith.index_cast %mul3A_30 : i32 to index
      %swap3A_31 = tpu.vector_load %arg6[%swap3A] {strides = array<i32>} : memref<640xf32, #tpu.memory_space<vmem>>, vector<16xf32>,
      %swap3A_32 = vector.shape_cast %swap3A_31 : vector<16xf32> to vector<16xf32>
      %swap3A_33 = vector.shape_cast %broadcast_in_dim3A_28 : vector<16xf32> to vector<16xf32>
      tpu.vector_store %arg6[%swap3A], %swap3A_33 {strides = array<i32>} : memref<640xf32, #tpu.memory_space<vmem>>, vector<16xf32>,
      %scan3A_34 = arith.constant 0 : i32
      scf.yield %scan3A_34 : i32
    }
    %scan3A_12 = arith.constant 40 : i32
    %mul3A = arith.constant 640 : i32
    %mul3A_13 = arith.muli %arg1, %mul3A : i32
    "tpu.region"() ({
      %run_scoped3A = tpu.sem_alloc : memref<!tpu.dma_semaphore, #tpu.memory_space<semaphore_mem>>
      %dma_start3A = tpu.memref_slice %arg7[%mul3A_13] : memref<10240xf32, #tpu.memory_space<vmem_shared>> -> memref<640xf32, #tpu.memory_space<vmem_shared>>
      %dma_start3A_26 = tpu.memref_slice %arg7[%mul3A_13] : memref<10240xf32, #tpu.memory_space<vmem_shared>> -> memref<640xf32, #tpu.memory_space<vmem_shared>>
      tpu.enqueue_dma source(%arg6 : memref<640xf32, #tpu.memory_space<vmem>>) target(%dma_start3A_26 : memref<640xf32, #tpu.memory_space<vmem_shared>>) target_semaphore(%run_scoped3A : memref<!tpu.dma_semaphore, #tpu.memory_space<semaphore_mem>>)
      %dma_wait3A = tpu.memref_slice %arg7[%mul3A_13] : memref<10240xf32, #tpu.memory_space<vmem_shared>> -> memref<640xf32, #tpu.memory_space<vmem_shared>>
      %dma_wait3A_27 = tpu.memref_slice %arg7[%mul3A_13] : memref<10240xf32, #tpu.memory_space<vmem_shared>> -> memref<640xf32, #tpu.memory_space<vmem_shared>>
      tpu.wait_dma2 semaphore(%run_scoped3A : memref<!tpu.dma_semaphore, #tpu.memory_space<semaphore_mem>>) src(%arg6 : memref<640xf32, #tpu.memory_space<vmem>>) dst(%dma_wait3A_27 : memref<640xf32, #tpu.memory_space<vmem_shared>>)
      tpu.yield
    }) : () -> ()
    "tpu.region"() ({
      %run_scoped3A = tpu.sem_alloc : memref<!tpu.dma_semaphore, #tpu.memory_space<semaphore_mem>>
      %dma_start3A = arith.constant 0 : i32
      %dma_start3A_26 = arith.constant 0 : i32
      %dma_start3A_27 = tpu.memref_slice %arg2[%arg0, %arg1, %dma_start3A, %dma_start3A_26] : memref<2x16x157x128xi32, #tpu.memory_space<hbm>> -> memref<1x1x157x128xi32, #tpu.memory_space<hbm>>
      %dma_start3A_28 = tpu.memref_squeeze %dma_start3A_27 : memref<1x1x157x128xi32, #tpu.memory_space<hbm>> -> memref<157x128xi32, #tpu.memory_space<hbm>>
      %dma_start3A_29 = arith.constant 0 : i32
      %dma_start3A_30 = arith.constant 0 : i32
      %dma_start3A_31 = tpu.memref_slice %arg2[%arg0, %arg1, %dma_start3A_29, %dma_start3A_30] : memref<2x16x157x128xi32, #tpu.memory_space<hbm>> -> memref<1x1x157x128xi32, #tpu.memory_space<hbm>>
      %dma_start3A_32 = tpu.memref_squeeze %dma_start3A_31 : memref<1x1x157x128xi32, #tpu.memory_space<hbm>> -> memref<157x128xi32, #tpu.memory_space<hbm>>
      tpu.enqueue_dma source(%dma_start3A_32 : memref<157x128xi32, #tpu.memory_space<hbm>>) target(%arg4 : memref<157x128xi32, #tpu.memory_space<vmem>>) target_semaphore(%run_scoped3A : memref<!tpu.dma_semaphore, #tpu.memory_space<semaphore_mem>>)
      %dma_wait3A = arith.constant 0 : i32
      %dma_wait3A_33 = arith.constant 0 : i32
      %dma_wait3A_34 = tpu.memref_slice %arg2[%arg0, %arg1, %dma_wait3A, %dma_wait3A_33] : memref<2x16x157x128xi32, #tpu.memory_space<hbm>> -> memref<1x1x157x128xi32, #tpu.memory_space<hbm>>
      %dma_wait3A_35 = tpu.memref_squeeze %dma_wait3A_34 : memref<1x1x157x128xi32, #tpu.memory_space<hbm>> -> memref<157x128xi32, #tpu.memory_space<hbm>>
      %dma_wait3A_36 = arith.constant 0 : i32
      %dma_wait3A_37 = arith.constant 0 : i32
      %dma_wait3A_38 = tpu.memref_slice %arg2[%arg0, %arg1, %dma_wait3A_36, %dma_wait3A_37] : memref<2x16x157x128xi32, #tpu.memory_space<hbm>> -> memref<1x1x157x128xi32, #tpu.memory_space<hbm>>
      %dma_wait3A_39 = tpu.memref_squeeze %dma_wait3A_38 : memref<1x1x157x128xi32, #tpu.memory_space<hbm>> -> memref<157x128xi32, #tpu.memory_space<hbm>>
      tpu.wait_dma2 semaphore(%run_scoped3A : memref<!tpu.dma_semaphore, #tpu.memory_space<semaphore_mem>>) src(%dma_wait3A_39 : memref<157x128xi32, #tpu.memory_space<hbm>>) dst(%arg4 : memref<157x128xi32, #tpu.memory_space<vmem>>)
      tpu.yield
    }) : () -> ()
    %barrier3A = arith.constant 0 : index
    tpu.barrier barrier_id(%barrier3A)
    %scan3A_14 = arith.constant 0 : i32
    %scan3A_15 = arith.constant 0 : i32
    %scan3A_16 = arith.constant 157 : i32
    %scan3A_17 = arith.addi %scan3A_15, %scan3A_16 : i32
    %scan3A_18 = arith.constant 1 : i32
    %scan3A_19 = scf.for %scan3A_26 = %scan3A_15 to %scan3A_17 step %scan3A_18 iter_args(%scan3A_27 = %scan3A_14) -> (i32)  : i32 {
      "tpu.region"() ({
        %run_scoped3A = tpu.sem_alloc : memref<!tpu.dma_semaphore, #tpu.memory_space<semaphore_mem>>
        %dma_start3A = arith.constant 0 : i32
        %dma_start3A_29 = tpu.memref_slice %arg4[%scan3A_26, %dma_start3A] : memref<157x128xi32, #tpu.memory_space<vmem>> -> memref<1x128xi32, #tpu.memory_space<vmem>>
        %dma_start3A_30 = tpu.memref_squeeze %dma_start3A_29 : memref<1x128xi32, #tpu.memory_space<vmem>> -> memref<128xi32, #tpu.memory_space<vmem>>
        %dma_start3A_31 = arith.constant 0 : i32
        %dma_start3A_32 = tpu.memref_slice %arg7[%dma_start3A_31] : memref<10240xf32, #tpu.memory_space<vmem_shared>> -> memref<10240xf32, #tpu.memory_space<vmem_shared>>
        tpu.enqueue_indirect_dma source(%arg5 : memref<128xf32, #tpu.memory_space<vmem>>) target(%dma_start3A_32 : memref<10240xf32, #tpu.memory_space<vmem_shared>>) offsets(%dma_start3A_30 : memref<128xi32, #tpu.memory_space<vmem>>) semaphore(%run_scoped3A : memref<!tpu.dma_semaphore, #tpu.memory_space<semaphore_mem>>) {add = true}
        %dma_wait3A = arith.constant 0 : i32
        %dma_wait3A_33 = tpu.memref_slice %arg4[%scan3A_26, %dma_wait3A] : memref<157x128xi32, #tpu.memory_space<vmem>> -> memref<1x128xi32, #tpu.memory_space<vmem>>
        %dma_wait3A_34 = tpu.memref_squeeze %dma_wait3A_33 : memref<1x128xi32, #tpu.memory_space<vmem>> -> memref<128xi32, #tpu.memory_space<vmem>>
        %dma_wait3A_35 = arith.constant 0 : i32
        %dma_wait3A_36 = tpu.memref_slice %arg7[%dma_wait3A_35] : memref<10240xf32, #tpu.memory_space<vmem_shared>> -> memref<10240xf32, #tpu.memory_space<vmem_shared>>
        tpu.wait_indirect_dma semaphore(%run_scoped3A : memref<!tpu.dma_semaphore, #tpu.memory_space<semaphore_mem>>) src(%arg5 : memref<128xf32, #tpu.memory_space<vmem>>) dst(%dma_wait3A_36 : memref<10240xf32, #tpu.memory_space<vmem_shared>>)
        tpu.yield
      }) : () -> ()
      %scan3A_28 = arith.constant 0 : i32
      scf.yield %scan3A_28 : i32
    }
    %scan3A_20 = arith.constant 157 : i32
    %barrier3A_21 = arith.constant 0 : index
    tpu.barrier barrier_id(%barrier3A_21)
    %mul3A_22 = arith.constant 640 : i32
    %mul3A_23 = arith.muli %arg1, %mul3A_22 : i32
    %mul3A_24 = arith.constant 640 : i32
    %mul3A_25 = arith.muli %arg1, %mul3A_24 : i32
    "tpu.region"() ({
      %run_scoped3A = tpu.sem_alloc : memref<!tpu.dma_semaphore, #tpu.memory_space<semaphore_mem>>
      %dma_start3A = tpu.memref_slice %arg3[%arg0, %mul3A_25] : memref<2x10240xf32, #tpu.memory_space<hbm>> -> memref<1x640xf32, #tpu.memory_space<hbm>>
      %dma_start3A_26 = tpu.memref_squeeze %dma_start3A : memref<1x640xf32, #tpu.memory_space<hbm>> -> memref<640xf32, #tpu.memory_space<hbm>>
      %dma_start3A_27 = tpu.memref_slice %arg7[%mul3A_23] : memref<10240xf32, #tpu.memory_space<vmem_shared>> -> memref<640xf32, #tpu.memory_space<vmem_shared>>
      tpu.enqueue_dma source(%dma_start3A_27 : memref<640xf32, #tpu.memory_space<vmem_shared>>) target(%dma_start3A_26 : memref<640xf32, #tpu.memory_space<hbm>>) target_semaphore(%run_scoped3A : memref<!tpu.dma_semaphore, #tpu.memory_space<semaphore_mem>>)
      %dma_wait3A = tpu.memref_slice %arg3[%arg0, %mul3A_25] : memref<2x10240xf32, #tpu.memory_space<hbm>> -> memref<1x640xf32, #tpu.memory_space<hbm>>
      %dma_wait3A_28 = tpu.memref_squeeze %dma_wait3A : memref<1x640xf32, #tpu.memory_space<hbm>> -> memref<640xf32, #tpu.memory_space<hbm>>
      %dma_wait3A_29 = tpu.memref_slice %arg7[%mul3A_23] : memref<10240xf32, #tpu.memory_space<vmem_shared>> -> memref<640xf32, #tpu.memory_space<vmem_shared>>
      tpu.wait_dma2 semaphore(%run_scoped3A : memref<!tpu.dma_semaphore, #tpu.memory_space<semaphore_mem>>) src(%dma_wait3A_29 : memref<640xf32, #tpu.memory_space<vmem_shared>>) dst(%dma_wait3A_28 : memref<640xf32, #tpu.memory_space<hbm>>)
      tpu.yield
    }) : () -> ()
    return
  }
}

module attributes {stable_mosaic.version = 14 : i64} {
  func.func @_ka_body(%arg0: i32, %arg1: i32, %arg2: memref<1000x128xf32, #tpu.memory_space<vmem>>, %arg3: memref<1x128xf32, #tpu.memory_space<vmem>>, %arg4: memref<128x64xf32, #tpu.memory_space<vmem>>, %arg5: memref<1000x1xf32, #tpu.memory_space<vmem>>, %arg6: memref<1000x64xf32, #tpu.memory_space<vmem>>, %arg7: memref<1000x1xf32, #tpu.memory_space<vmem>>) attributes {dimension_semantics = [#tpu.dimension_semantics<arbitrary>, #tpu.dimension_semantics<arbitrary>], iteration_bounds = array<i64: 2, 10>, scalar_prefetch = 0 : i64, scratch_operands = 0 : i64, tpu.core_type = #tpu.core_type<tc>, window_params = [{transform_indices = @transform_0, window_bounds = array<i64: 1000, 128>}, {pipeline_mode = #tpu.pipeline_mode<synchronous>, transform_indices = @transform_1, window_bounds = array<i64: 1, 128>}, {pipeline_mode = #tpu.pipeline_mode<synchronous>, transform_indices = @transform_2, window_bounds = array<i64: 128, 64>}, {transform_indices = @transform_3, window_bounds = array<i64: 1000, 1>}, {transform_indices = @transform_4, window_bounds = array<i64: 1000, 64>}, {transform_indices = @transform_5, window_bounds = array<i64: 1000, 1>}]} {
    %get3A = arith.constant 0 : index
    %get3A_0 = arith.constant 0 : index
    %get3A_1 = vector.load %arg2[%get3A, %get3A_0] : memref<1000x128xf32, #tpu.memory_space<vmem>>, vector<1000x128xf32>
    %eq3A = arith.constant 1 : i32
    %eq3A_2 = arith.cmpi eq, %arg0, %eq3A : i32
    %get3A_3 = arith.constant 0 : index
    %get3A_4 = arith.constant 0 : index
    %get3A_5 = vector.load %arg3[%get3A_3, %get3A_4] : memref<1x128xf32, #tpu.memory_space<vmem>>, vector<1x128xf32>
    %mul3A = vector.broadcast %get3A_5 : vector<1x128xf32> to vector<1000x128xf32>
    %mul3A_6 = arith.mulf %get3A_1, %mul3A : vector<1000x128xf32>
    %select_n3A = arith.select %eq3A_2, %mul3A_6, %get3A_1 : vector<1000x128xf32>
    %get3A_7 = arith.constant 0 : index
    %get3A_8 = arith.constant 0 : index
    %get3A_9 = vector.load %arg5[%get3A_7, %get3A_8] : memref<1000x1xf32, #tpu.memory_space<vmem>>, vector<1000x1xf32>
    %add3A = arith.constant 1.000000e+00 : f32
    %add3A_10 = vector.broadcast %add3A : f32 to vector<1000x1xf32>
    %add3A_11 = arith.addf %get3A_9, %add3A_10 : vector<1000x1xf32>
    %rsqrt3A = math.rsqrt %add3A_11 : vector<1000x1xf32>
    %get3A_12 = arith.constant 0 : index
    %get3A_13 = arith.constant 0 : index
    %get3A_14 = vector.load %arg4[%get3A_12, %get3A_13] : memref<128x64xf32, #tpu.memory_space<vmem>>, vector<128x64xf32>
    %dot_general3A = arith.constant dense<0.000000e+00> : vector<1000x64xf32>
    %dot_general3A_15 = tpu.matmul %select_n3A, %get3A_14, %dot_general3A {dimension_numbers = #tpu.dot_dimension_numbers<[1], [0], [0], [1], [0, 0, 1, 1], [], []>, transpose_lhs_hint = false} : vector<1000x128xf32>, vector<128x64xf32>, vector<1000x64xf32> -> vector<1000x64xf32>
    %mul3A_16 = vector.broadcast %rsqrt3A : vector<1000x1xf32> to vector<1000x64xf32>
    %mul3A_17 = arith.mulf %dot_general3A_15, %mul3A_16 : vector<1000x64xf32>
    %swap3A = arith.constant 0 : index
    %swap3A_18 = arith.constant 0 : index
    %swap3A_19 = vector.load %arg6[%swap3A, %swap3A_18] : memref<1000x64xf32, #tpu.memory_space<vmem>>, vector<1000x64xf32>
    tpu.vector_store %arg6[%swap3A, %swap3A_18], %mul3A_17 {strides = array<i32>} : memref<1000x64xf32, #tpu.memory_space<vmem>>, vector<1000x64xf32>,
    %swap3A_20 = arith.constant 0 : index
    %swap3A_21 = arith.constant 0 : index
    %swap3A_22 = vector.load %arg7[%swap3A_20, %swap3A_21] : memref<1000x1xf32, #tpu.memory_space<vmem>>, vector<1000x1xf32>
    tpu.vector_store %arg7[%swap3A_20, %swap3A_21], %rsqrt3A {strides = array<i32>} : memref<1000x1xf32, #tpu.memory_space<vmem>>, vector<1000x1xf32>,
    return
  }
  func.func @transform_0(%arg0: i32, %arg1: i32) -> (i32, i32) {
    %c0_i32 = arith.constant 0 : i32
    %c0_i32_0 = arith.constant 0 : i32
    return %arg1, %c0_i32 : i32, i32
  }
  func.func @transform_1(%arg0: i32, %arg1: i32) -> (i32, i32) {
    %c0_i32 = arith.constant 0 : i32
    %c0_i32_0 = arith.constant 0 : i32
    %c0_i32_1 = arith.constant 0 : i32
    return %c0_i32, %c0_i32_0 : i32, i32
  }
  func.func @transform_2(%arg0: i32, %arg1: i32) -> (i32, i32) {
    %c0_i32 = arith.constant 0 : i32
    %c0_i32_0 = arith.constant 0 : i32
    %c0_i32_1 = arith.constant 0 : i32
    return %c0_i32, %c0_i32_0 : i32, i32
  }
  func.func @transform_3(%arg0: i32, %arg1: i32) -> (i32, i32) {
    %mul3A = arith.constant 10 : i32
    %mul3A_0 = arith.muli %arg0, %mul3A : i32
    %add3A = arith.addi %mul3A_0, %arg1 : i32
    %c0_i32 = arith.constant 0 : i32
    %c0_i32_1 = arith.constant 0 : i32
    return %add3A, %c0_i32 : i32, i32
  }
  func.func @transform_4(%arg0: i32, %arg1: i32) -> (i32, i32) {
    %mul3A = arith.constant 10 : i32
    %mul3A_0 = arith.muli %arg0, %mul3A : i32
    %add3A = arith.addi %mul3A_0, %arg1 : i32
    %c0_i32 = arith.constant 0 : i32
    %c0_i32_1 = arith.constant 0 : i32
    return %add3A, %c0_i32 : i32, i32
  }
  func.func @transform_5(%arg0: i32, %arg1: i32) -> (i32, i32) {
    %mul3A = arith.constant 10 : i32
    %mul3A_0 = arith.muli %arg0, %mul3A : i32
    %add3A = arith.addi %mul3A_0, %arg1 : i32
    %c0_i32 = arith.constant 0 : i32
    %c0_i32_1 = arith.constant 0 : i32
    return %add3A, %c0_i32 : i32, i32
  }
}

module attributes {stable_mosaic.version = 14 : i64} {
  func.func @_kb_body(%arg0: i32, %arg1: memref<1000x64xf32, #tpu.memory_space<vmem>>, %arg2: memref<1000x64xf32, #tpu.memory_space<vmem>>, %arg3: memref<1000x1xf32, #tpu.memory_space<vmem>>, %arg4: memref<1x64xf32, #tpu.memory_space<vmem>>, %arg5: memref<64x64xf32, #tpu.memory_space<vmem>>, %arg6: memref<1000x64xf32, #tpu.memory_space<vmem>>) attributes {dimension_semantics = [#tpu.dimension_semantics<arbitrary>], iteration_bounds = array<i64: 20>, scalar_prefetch = 0 : i64, scratch_operands = 0 : i64, tpu.core_type = #tpu.core_type<tc>, window_params = [{transform_indices = @transform_0, window_bounds = array<i64: 1000, 64>}, {transform_indices = @transform_1, window_bounds = array<i64: 1000, 64>}, {transform_indices = @transform_2, window_bounds = array<i64: 1000, 1>}, {pipeline_mode = #tpu.pipeline_mode<synchronous>, transform_indices = @transform_3, window_bounds = array<i64: 1, 64>}, {pipeline_mode = #tpu.pipeline_mode<synchronous>, transform_indices = @transform_4, window_bounds = array<i64: 64, 64>}, {transform_indices = @transform_5, window_bounds = array<i64: 1000, 64>}]} {
    %get3A = arith.constant 0 : index
    %get3A_0 = arith.constant 0 : index
    %get3A_1 = vector.load %arg3[%get3A, %get3A_0] : memref<1000x1xf32, #tpu.memory_space<vmem>>, vector<1000x1xf32>
    %get3A_2 = arith.constant 0 : index
    %get3A_3 = arith.constant 0 : index
    %get3A_4 = vector.load %arg1[%get3A_2, %get3A_3] : memref<1000x64xf32, #tpu.memory_space<vmem>>, vector<1000x64xf32>
    %mul3A = vector.broadcast %get3A_1 : vector<1000x1xf32> to vector<1000x64xf32>
    %mul3A_5 = arith.mulf %mul3A, %get3A_4 : vector<1000x64xf32>
    %get3A_6 = arith.constant 0 : index
    %get3A_7 = arith.constant 0 : index
    %get3A_8 = vector.load %arg2[%get3A_6, %get3A_7] : memref<1000x64xf32, #tpu.memory_space<vmem>>, vector<1000x64xf32>
    %mul3A_9 = vector.broadcast %get3A_1 : vector<1000x1xf32> to vector<1000x64xf32>
    %mul3A_10 = arith.mulf %mul3A_9, %get3A_8 : vector<1000x64xf32>
    %add3A = arith.addf %mul3A_5, %mul3A_10 : vector<1000x64xf32>
    %get3A_11 = arith.constant 0 : index
    %get3A_12 = arith.constant 0 : index
    %get3A_13 = vector.load %arg4[%get3A_11, %get3A_12] : memref<1x64xf32, #tpu.memory_space<vmem>>, vector<1x64xf32>
    %add3A_14 = vector.broadcast %get3A_13 : vector<1x64xf32> to vector<1000x64xf32>
    %add3A_15 = arith.addf %add3A, %add3A_14 : vector<1000x64xf32>
    %max3A = arith.constant 0.000000e+00 : f32
    %max3A_16 = vector.broadcast %max3A : f32 to vector<1000x64xf32>
    %max3A_17 = arith.maximumf %add3A_15, %max3A_16 : vector<1000x64xf32>
    %get3A_18 = arith.constant 0 : index
    %get3A_19 = arith.constant 0 : index
    %get3A_20 = vector.load %arg5[%get3A_18, %get3A_19] : memref<64x64xf32, #tpu.memory_space<vmem>>, vector<64x64xf32>
    %dot_general3A = arith.constant dense<0.000000e+00> : vector<1000x64xf32>
    %dot_general3A_21 = tpu.matmul %max3A_17, %get3A_20, %dot_general3A {dimension_numbers = #tpu.dot_dimension_numbers<[1], [0], [0], [1], [0, 0, 1, 1], [], []>, transpose_lhs_hint = false} : vector<1000x64xf32>, vector<64x64xf32>, vector<1000x64xf32> -> vector<1000x64xf32>
    %mul3A_22 = vector.broadcast %get3A_1 : vector<1000x1xf32> to vector<1000x64xf32>
    %mul3A_23 = arith.mulf %dot_general3A_21, %mul3A_22 : vector<1000x64xf32>
    %swap3A = arith.constant 0 : index
    %swap3A_24 = arith.constant 0 : index
    %swap3A_25 = vector.load %arg6[%swap3A, %swap3A_24] : memref<1000x64xf32, #tpu.memory_space<vmem>>, vector<1000x64xf32>
    tpu.vector_store %arg6[%swap3A, %swap3A_24], %mul3A_23 {strides = array<i32>} : memref<1000x64xf32, #tpu.memory_space<vmem>>, vector<1000x64xf32>,
    return
  }
  func.func @transform_0(%arg0: i32) -> (i32, i32) {
    %c0_i32 = arith.constant 0 : i32
    %c0_i32_0 = arith.constant 0 : i32
    return %arg0, %c0_i32 : i32, i32
  }
  func.func @transform_1(%arg0: i32) -> (i32, i32) {
    %c0_i32 = arith.constant 0 : i32
    %c0_i32_0 = arith.constant 0 : i32
    return %arg0, %c0_i32 : i32, i32
  }
  func.func @transform_2(%arg0: i32) -> (i32, i32) {
    %c0_i32 = arith.constant 0 : i32
    %c0_i32_0 = arith.constant 0 : i32
    return %arg0, %c0_i32 : i32, i32
  }
  func.func @transform_3(%arg0: i32) -> (i32, i32) {
    %c0_i32 = arith.constant 0 : i32
    %c0_i32_0 = arith.constant 0 : i32
    %c0_i32_1 = arith.constant 0 : i32
    return %c0_i32, %c0_i32_0 : i32, i32
  }
  func.func @transform_4(%arg0: i32) -> (i32, i32) {
    %c0_i32 = arith.constant 0 : i32
    %c0_i32_0 = arith.constant 0 : i32
    %c0_i32_1 = arith.constant 0 : i32
    return %c0_i32, %c0_i32_0 : i32, i32
  }
  func.func @transform_5(%arg0: i32) -> (i32, i32) {
    %c0_i32 = arith.constant 0 : i32
    %c0_i32_0 = arith.constant 0 : i32
    return %arg0, %c0_i32 : i32, i32
  }
}

module attributes {stable_mosaic.version = 14 : i64} {
  func.func @_kc_body(%arg0: i32, %arg1: i32, %arg2: memref<1000x64xf32, #tpu.memory_space<vmem>>, %arg3: memref<1000x64xf32, #tpu.memory_space<vmem>>, %arg4: memref<1000x1xf32, #tpu.memory_space<vmem>>, %arg5: memref<1x64xf32, #tpu.memory_space<vmem>>, %arg6: memref<1000x1xi32, #tpu.memory_space<vmem>>, %arg7: memref<1x128x64xf32, #tpu.memory_space<vmem>>) attributes {dimension_semantics = [#tpu.dimension_semantics<arbitrary>, #tpu.dimension_semantics<arbitrary>], iteration_bounds = array<i64: 2, 10>, scalar_prefetch = 0 : i64, scratch_operands = 0 : i64, tpu.core_type = #tpu.core_type<tc>, window_params = [{transform_indices = @transform_0, window_bounds = array<i64: 1000, 64>}, {transform_indices = @transform_1, window_bounds = array<i64: 1000, 64>}, {transform_indices = @transform_2, window_bounds = array<i64: 1000, 1>}, {pipeline_mode = #tpu.pipeline_mode<synchronous>, transform_indices = @transform_3, window_bounds = array<i64: 1, 64>}, {transform_indices = @transform_4, window_bounds = array<i64: 1000, 1>}, {transform_indices = @transform_5, window_bounds = array<i64: 1, 128, 64>}]} {
    %get3A = arith.constant 0 : index
    %get3A_0 = arith.constant 0 : index
    %get3A_1 = vector.load %arg4[%get3A, %get3A_0] : memref<1000x1xf32, #tpu.memory_space<vmem>>, vector<1000x1xf32>
    %get3A_2 = arith.constant 0 : index
    %get3A_3 = arith.constant 0 : index
    %get3A_4 = vector.load %arg2[%get3A_2, %get3A_3] : memref<1000x64xf32, #tpu.memory_space<vmem>>, vector<1000x64xf32>
    %mul3A = vector.broadcast %get3A_1 : vector<1000x1xf32> to vector<1000x64xf32>
    %mul3A_5 = arith.mulf %mul3A, %get3A_4 : vector<1000x64xf32>
    %get3A_6 = arith.constant 0 : index
    %get3A_7 = arith.constant 0 : index
    %get3A_8 = vector.load %arg3[%get3A_6, %get3A_7] : memref<1000x64xf32, #tpu.memory_space<vmem>>, vector<1000x64xf32>
    %mul3A_9 = vector.broadcast %get3A_1 : vector<1000x1xf32> to vector<1000x64xf32>
    %mul3A_10 = arith.mulf %mul3A_9, %get3A_8 : vector<1000x64xf32>
    %add3A = arith.addf %mul3A_5, %mul3A_10 : vector<1000x64xf32>
    %get3A_11 = arith.constant 0 : index
    %get3A_12 = arith.constant 0 : index
    %get3A_13 = vector.load %arg5[%get3A_11, %get3A_12] : memref<1x64xf32, #tpu.memory_space<vmem>>, vector<1x64xf32>
    %add3A_14 = vector.broadcast %get3A_13 : vector<1x64xf32> to vector<1000x64xf32>
    %add3A_15 = arith.addf %add3A, %add3A_14 : vector<1000x64xf32>
    %get3A_16 = arith.constant 0 : index
    %get3A_17 = arith.constant 0 : index
    %get3A_18 = vector.load %arg6[%get3A_16, %get3A_17] : memref<1000x1xi32, #tpu.memory_space<vmem>>, vector<1000x1xi32>
    %iota3A = tpu.iota {dimensions = array<i32: 1>} : vector<1x128xi32>
    %eq3A = vector.broadcast %get3A_18 : vector<1000x1xi32> to vector<1000x128xi32>
    %eq3A_19 = vector.broadcast %iota3A : vector<1x128xi32> to vector<1000x128xi32>
    %eq3A_20 = arith.cmpi eq, %eq3A, %eq3A_19 : vector<1000x128xi32>
    %convert_element_type3A = arith.extui %eq3A_20 : vector<1000x128xi1> to vector<1000x128xi32>
    %convert_element_type3A_21 = arith.sitofp %convert_element_type3A : vector<1000x128xi32> to vector<1000x128xf32>
    %dot_general3A = arith.constant dense<0.000000e+00> : vector<128x64xf32>
    %dot_general3A_22 = tpu.matmul %convert_element_type3A_21, %add3A_15, %dot_general3A {dimension_numbers = #tpu.dot_dimension_numbers<[0], [0], [1], [1], [0, 1, 1, 1], [], []>, transpose_lhs_hint = false} : vector<1000x128xf32>, vector<1000x64xf32>, vector<128x64xf32> -> vector<128x64xf32>
    %eq3A_23 = arith.constant 0 : i32
    %eq3A_24 = arith.cmpi eq, %arg1, %eq3A_23 : i32
    %convert_element_type3A_25 = arith.extui %eq3A_24 : i1 to i32
    %cond3A = arith.constant 0 : i32
    %cond3A_26 = arith.cmpi ne, %convert_element_type3A_25, %cond3A : i32
    scf.if %cond3A_26 {
      %broadcast_in_dim3A = vector.shape_cast %dot_general3A_22 : vector<128x64xf32> to vector<1x128x64xf32>
      %swap3A = arith.constant 0 : index
      %swap3A_31 = arith.constant 0 : index
      %swap3A_32 = arith.constant 0 : index
      %swap3A_33 = vector.load %arg7[%swap3A, %swap3A_31, %swap3A_32] : memref<1x128x64xf32, #tpu.memory_space<vmem>>, vector<1x128x64xf32>
      tpu.vector_store %arg7[%swap3A, %swap3A_31, %swap3A_32], %broadcast_in_dim3A {strides = array<i32>} : memref<1x128x64xf32, #tpu.memory_space<vmem>>, vector<1x128x64xf32>,
    } else {
    }
    %gt3A = arith.constant 0 : i32
    %gt3A_27 = arith.cmpi sgt, %arg1, %gt3A : i32
    %convert_element_type3A_28 = arith.extui %gt3A_27 : i1 to i32
    %cond3A_29 = arith.constant 0 : i32
    %cond3A_30 = arith.cmpi ne, %convert_element_type3A_28, %cond3A_29 : i32
    scf.if %cond3A_30 {
      %get3A_31 = arith.constant 0 : index
      %get3A_32 = arith.constant 0 : index
      %get3A_33 = arith.constant 0 : index
      %get3A_34 = vector.load %arg7[%get3A_31, %get3A_32, %get3A_33] : memref<1x128x64xf32, #tpu.memory_space<vmem>>, vector<1x128x64xf32>
      %broadcast_in_dim3A = vector.shape_cast %dot_general3A_22 : vector<128x64xf32> to vector<1x128x64xf32>
      %add3A_35 = arith.addf %get3A_34, %broadcast_in_dim3A : vector<1x128x64xf32>
      %swap3A = arith.constant 0 : index
      %swap3A_36 = arith.constant 0 : index
      %swap3A_37 = arith.constant 0 : index
      %swap3A_38 = vector.load %arg7[%swap3A, %swap3A_36, %swap3A_37] : memref<1x128x64xf32, #tpu.memory_space<vmem>>, vector<1x128x64xf32>
      tpu.vector_store %arg7[%swap3A, %swap3A_36, %swap3A_37], %add3A_35 {strides = array<i32>} : memref<1x128x64xf32, #tpu.memory_space<vmem>>, vector<1x128x64xf32>,
    } else {
    }
    return
  }
  func.func @transform_0(%arg0: i32, %arg1: i32) -> (i32, i32) {
    %mul3A = arith.constant 10 : i32
    %mul3A_0 = arith.muli %arg0, %mul3A : i32
    %add3A = arith.addi %mul3A_0, %arg1 : i32
    %c0_i32 = arith.constant 0 : i32
    %c0_i32_1 = arith.constant 0 : i32
    return %add3A, %c0_i32 : i32, i32
  }
  func.func @transform_1(%arg0: i32, %arg1: i32) -> (i32, i32) {
    %mul3A = arith.constant 10 : i32
    %mul3A_0 = arith.muli %arg0, %mul3A : i32
    %add3A = arith.addi %mul3A_0, %arg1 : i32
    %c0_i32 = arith.constant 0 : i32
    %c0_i32_1 = arith.constant 0 : i32
    return %add3A, %c0_i32 : i32, i32
  }
  func.func @transform_2(%arg0: i32, %arg1: i32) -> (i32, i32) {
    %mul3A = arith.constant 10 : i32
    %mul3A_0 = arith.muli %arg0, %mul3A : i32
    %add3A = arith.addi %mul3A_0, %arg1 : i32
    %c0_i32 = arith.constant 0 : i32
    %c0_i32_1 = arith.constant 0 : i32
    return %add3A, %c0_i32 : i32, i32
  }
  func.func @transform_3(%arg0: i32, %arg1: i32) -> (i32, i32) {
    %c0_i32 = arith.constant 0 : i32
    %c0_i32_0 = arith.constant 0 : i32
    %c0_i32_1 = arith.constant 0 : i32
    return %c0_i32, %c0_i32_0 : i32, i32
  }
  func.func @transform_4(%arg0: i32, %arg1: i32) -> (i32, i32) {
    %mul3A = arith.constant 10 : i32
    %mul3A_0 = arith.muli %arg0, %mul3A : i32
    %add3A = arith.addi %mul3A_0, %arg1 : i32
    %c0_i32 = arith.constant 0 : i32
    %c0_i32_1 = arith.constant 0 : i32
    return %add3A, %c0_i32 : i32, i32
  }
  func.func @transform_5(%arg0: i32, %arg1: i32) -> (i32, i32, i32) {
    %c0_i32 = arith.constant 0 : i32
    %c0_i32_0 = arith.constant 0 : i32
    %c0_i32_1 = arith.constant 0 : i32
    return %arg0, %c0_i32, %c0_i32_0 : i32, i32, i32
  }
}

</mosaic_0001>

<sc_bundles>
// kernel: kernel.11.cloned.1.call-start
scs
__scs_entry_jumppad:
0x0: {  	(pc) =	sbr.rel $0x88, $3  }
0x1: {  	(tag) =	ssettag $0x0;
	lr =	simm.s32 $0x1  }
0x2: {  	[smem:$0x3F9A] =	sst lr;
	_ =	strace $0xD0000000  }
0x3: {  	_ = 	snop  }
0x4: {  	_ = 	snop  }
0x5: {  	_ = 	snop  }
0x6: {  	_ = 	snop  }
0x7: {  	_ = 	snop  }
__scs_overlays_trampoline_lowered:
0x8: {  	[smem:$0x3FA9] =	sst s0  }
0x9: {  	[smem:$0x3FAA] =	sst s1  }
0xa: {  	[smem:$0x3FAB] =	sst s2  }
0xb: {  	[smem:$0x3FAC] =	sst s3  }
0xc: {  	[smem:$0x3FAD] =	sst s4  }
0xd: {  	[smem:$0x3FAE] =	sst s5  }
0xe: {  	[smem:$0x3FAF] =	sst s6  }
0xf: {  	[smem:$0x3FB0] =	sst s7  }
0x10: {  	[smem:$0x3FB1] =	sst s8  }
0x11: {  	[smem:$0x3FB2] =	sst s9;
	s0 =	simm.s32 @!p0 $0x0  }
0x12: {  	s1 =	sld [smem:$0x3F98];
	s0 =	simm.s32 @p0 $0x1  }
0x13: {  	[smem:$0x3FB3] =	sst s0;
	s0 =	simm.s32 @!p1 $0x0  }
0x14: {  	s2 =	sld [smem:$0x3F97];
	s0 =	simm.s32 @p1 $0x1  }
0x15: {  	[smem:$0x3FB4] =	sst s0;
	s0 =	simm.s32 @!p2 $0x0  }
0x16: {  	s3 =	sld [smem:$0x3FDB];
	s0 =	simm.s32 @p2 $0x1  }
0x17: {  	s4 =	simm.s32 $0x1BF5;
	[smem:$0x3FB6] =	sst s0  }
0x18: {  	s0 =	sld [smem:$0x3F99];
	_ =	swait.ge [sflag:s4], $0x0  }
0x19: {  	s7 =	sld [smem:$0x3F9A]  }
0x1a: {  	s8 =	sadd.s32 $0xFFFFE003, lr  }
0x1b: {  	s9 =	sadd.s32 $0xFFFFFEF7, lr;
	s5 =	simm.s32 $0xFFFFFFFF;
	p2 =	slt.u32 s8, $0xFFFFF086  }
0x1c: {  	p1 =	slt.u32 s9, $0xF7A;
	s5 =	simm.s32 @!p2 $0x0  }
0x1d: {  	s5 =	simm.s32 @p1 $0x1;
	p0 =	seq.s32 s7, s2  }
0x1e: {  	s7 =	smul.u32 @!p0 $0xF7A, s2;
	p2 =	seq.s32 @!p0 s5, $0x0  }
0x1f: {  	s9 =	smul.u32 $0xF7A, s1;
	s8 =	simm.s32 @!p0 $0x1BF5;
	p2 =	por !p2, p0  }
0x20: {  	[sflag:s8] =	ssyncset.s32 @!p0 $0xFFFFF086;
	s6 =	sadd.s32 @!p0 s3, s7;
	s7 =	simm.s32 @!p0 $0x108  }
0x21: {  	s3 =	sadd.s32 s3, s9;
	s6 =	sadd.s32 @!p0 $0x88, s6;
	s7 =	simm.s32 @p2 $0x1082  }
0x22: {  	[simem:s7], [sflag:s8] =	dma.local @!p0 [hbm:s6], $0xF7A  }
0x23: {  	s9 =	sor.u32 $0xD0000000, s2;
	s6 =	simm.s32 $0x108;
	_ =	swait.ge @!p0 [sflag:s8], $0x0  }
0x24: {  	s3 =	sadd.s32 $0x88, s3;
	s6 =	simm.s32 @!p1 $0x1082;
	[sflag:s4] =	ssyncset.s32 $0xFFFFF086  }
0x25: {  	[simem:s6], [sflag:s4] =	dma.local [hbm:s3], $0xF7A  }
0x26: {  	[smem:$0x3F9A] =	sst s1;
	(tag) =	ssettag s2;
	_ =	strace s9  }
0x27: {  	s1 =	sld [smem:$0x3FAA]  }
0x28: {  	s2 =	sld [smem:$0x3FAB]  }
0x29: {  	s4 =	sld [smem:$0x3FAD]  }
0x2a: {  	p0 =	seq.s32 s5, $0x0;
	s5 =	sld [smem:$0x3FAE]  }
0x2b: {  	s6 =	sld [smem:$0x3FAF]  }
0x2c: {  	s7 =	sld [smem:$0x3FB0]  }
0x2d: {  	s3 =	simm.s32 $0x108;
	s8 =	sld [smem:$0x3FB1]  }
0x2e: {  	s3 =	simm.s32 @!p0 $0x1082;
	s9 =	sld [smem:$0x3FB2]  }
0x2f: {  	lr =	sadd.s32 s0, s3;
	s0 =	sld [smem:$0x3FA9]  }
0x30: {  	s3 =	sld [smem:$0x3FAC]  }
0x31: {  	[smem:$0x3FB5] =	sst s10  }
0x32: {  	s10 =	sld [smem:$0x3FB3];
	_ =	sdelay $0x3  }
0x33: {  	p0 =	seq.s32 s10, $0x1;
	s10 =	sld [smem:$0x3FB5];
	_ =	sdelay $0x3  }
0x34: {  	[smem:$0x3FB5] =	sst s10  }
0x35: {  	s10 =	sld [smem:$0x3FB4];
	_ =	sdelay $0x3  }
0x36: {  	p1 =	seq.s32 s10, $0x1;
	s10 =	sld [smem:$0x3FB5];
	_ =	sdelay $0x3  }
0x37: {  	[smem:$0x3FB5] =	sst s10  }
0x38: {  	s10 =	sld [smem:$0x3FB6]  }
0x39: {  	_ = 	snop;
	(pc) =	sbr.ind lr, $3  }
0x3a: {  	_ = 	snop  }
0x3b: {  	_ = 	snop  }
0x3c: {  	p2 =	seq.s32 s10, $0x1;
	s10 =	sld [smem:$0x3FB5]  }
0x3d: {  	_ =	shalt  }
0x3e: {  	_ =	shalt  }
0x3f: {  	_ =	shalt  }
0x40: {  	_ =	shalt  }
0x41: {  	_ =	shalt  }
0x42: {  	_ =	shalt  }
0x43: {  	_ =	shalt  }
0x44: {  	_ =	shalt  }
0x45: {  	_ =	shalt  }
0x46: {  	_ =	shalt  }
0x47: {  	_ =	shalt  }
0x48: {  	_ =	shalt  }
0x49: {  	_ =	shalt  }
0x4a: {  	_ =	shalt  }
0x4b: {  	_ =	shalt  }
0x4c: {  	_ =	shalt  }
0x4d: {  	_ =	shalt  }
0x4e: {  	_ =	shalt  }
0x4f: {  	_ =	shalt  }
0x50: {  	_ =	shalt  }
0x51: {  	_ =	shalt  }
0x52: {  	_ =	shalt  }
0x53: {  	_ =	shalt  }
0x54: {  	_ =	shalt  }
0x55: {  	_ =	shalt  }
0x56: {  	_ =	shalt  }
0x57: {  	_ =	shalt  }
0x58: {  	_ =	shalt  }
0x59: {  	_ =	shalt  }
0x5a: {  	_ =	shalt  }
0x5b: {  	_ =	shalt  }
0x5c: {  	_ =	shalt  }
0x5d: {  	_ =	shalt  }
0x5e: {  	_ =	shalt  }
0x5f: {  	_ =	shalt  }
0x60: {  	_ =	shalt  }
0x61: {  	_ =	shalt  }
0x62: {  	_ =	shalt  }
0x63: {  	_ =	shalt  }
0x64: {  	_ =	shalt  }
0x65: {  	_ =	shalt  }
0x66: {  	_ =	shalt  }
0x67: {  	_ =	shalt  }
0x68: {  	_ =	shalt  }
0x69: {  	_ =	shalt  }
0x6a: {  	_ =	shalt  }
0x6b: {  	_ =	shalt  }
0x6c: {  	_ =	shalt  }
0x6d: {  	_ =	shalt  }
0x6e: {  	_ =	shalt  }
0x6f: {  	_ =	shalt  }
0x70: {  	_ =	shalt  }
0x71: {  	_ =	shalt  }
0x72: {  	_ =	shalt  }
0x73: {  	_ =	shalt  }
0x74: {  	_ =	shalt  }
0x75: {  	_ =	shalt  }
0x76: {  	_ =	shalt  }
0x77: {  	_ =	shalt  }
0x78: {  	_ =	shalt  }
0x79: {  	_ =	shalt  }
0x7a: {  	_ =	shalt  }
0x7b: {  	_ =	shalt  }
0x7c: {  	_ =	shalt  }
0x7d: {  	_ =	shalt  }
0x7e: {  	_ =	shalt  }
0x7f: {  	_ =	shalt  }
0x80: {  	_ =	shalt  }
0x81: {  	_ =	shalt  }
0x82: {  	_ =	shalt  }
0x83: {  	_ =	shalt  }
0x84: {  	_ =	shalt  }
0x85: {  	_ =	shalt  }
0x86: {  	_ =	shalt  }
0x87: {  	_ =	shalt  }
.Lfunc_end0:
.L_simem_size_0:
called_computation.1_lowered:
.L_overlay_start_0:
0x88: {  	s2 =	sld [smem:$0x3FD9]  }
0x89: {  	s3 =	sld [smem:$0x3FFE];
	_ =	sdelay $0x1  }
0x8a: {  	s1 =	srdreg.scid  }
0x8b: {  	s0 =	sand.u32 $0x1, s1  }
0x8c: {  	s16 =	sshll.u32 s0, $0xA;
	s2 =	sadd.s32 s3, s2  }
0x8d: {  	s2 =	sadd.s32 s2, s16  }
0x8e: {  	[smem:$0x3FC1] =	sst s2  }
0x8f: {  	_ = 	snop  }
0x90: {  	(tm) =	ssettm $0x1  }
0x91: {  	s17 =	sld [smem:$0x3FFB];
	_ =	sdelay $0x3  }
0x92: {  	_ =	strace s17  }
0x93: {  	s2 =	sld [smem:$0x3FFC];
	_ =	sdelay $0x3  }
0x94: {  	_ =	strace s2  }
0x95: {  	s2 =	sld [smem:$0x3FFD];
	_ =	sdelay $0x3  }
0x96: {  	_ =	strace s2  }
0x97: {  	_ =	strace $0x8FFFFFFF  }
0x98: {  	s18 =	sld [smem:$0x3FDB];
	_ =	sdelay $0x1  }
0x99: {  	s19 =	simm.s32 $_scs_section_size  }
0x9a: {  	s4 =	simm.s32 $_size__tile_overlayer_lowered;
	s5 =	simm.s32 $_tile_overlayer_lowered  }
0x9b: {  	s22 =	simm.s32 $0x1BFF;
	s21 =	sshll.u32 s5, $0x1;
	s2 =	sadd.s32 s19, s18  }
0x9c: {  	s6 =	simm.s32 $0x0;
	s20 =	sshll.u32 s4, $0x1;
	s4 =	sadd.s32 s21, s2  }
0x9d: {  	[timem:s6], [sflag:s22] =	dma.local [hbm:s4], s20  }
0x9e: {  	_ =	swait.ge [sflag:s22], s20  }
0x9f: {  	s3 =	ssub.s32 $0x0, s20;
	[sflag:s22] =	ssyncset.done $0x0  }
0xa0: {  	[sflag:s22] =	ssyncadd.s32 s3;
	_ =	sdelay $0x1  }
0xa1: {  	s23 =	simm.s32 $0x1B8B  }
0xa2: {  	_ =	swait.ge [sflag:s23], $0x1  }
0xa3: {  	[sflag:s23] =	ssyncset.done $0x0  }
0xa4: {  	s25 =	simm.s32 $0x1B8E;
	s24 =	sld [smem:$0x3FFE];
	[sflag:s23] =	ssyncadd.s32 $0xFFFFFFFF  }
0xa5: {  	s26 =	simm.s32 $execute0_lowered;
	[smem:$0x3FD2] =	sst s25  }
0xa6: {  	s4 =	sshll.u32 s26, $0x1;
	_ =	strace $0x80000049;
	[dreg:$0x1] =	wrdreg $0xFFFFFFFF  }
0xa7: {  	s28 =	simm.s32 $_size_execute0_lowered;
	s2 =	sadd.s32 s2, s4;
	[dreg:$0x0] =	wrdreg $0x0  }
0xa8: {  	s4 =	sshll.u32 s28, $0x1;
	[dreg:$0x2] =	wrdreg s2  }
0xa9: {  	[dreg:$0x3] =	wrdreg s4  }
0xaa: {  	[dreg:$0x4] =	wrdreg $0xC0  }
0xab: {  	_ =	task [dreg:s6], $0x5FFFF  }
0xac: {  	[dreg:$0x1] =	wrdreg $0xFFFFFFFF  }
0xad: {  	[dreg:$0x0] =	wrdreg $0x60  }
0xae: {  	[dreg:$0x2] =	wrdreg s24  }
0xaf: {  	[dreg:$0x3] =	wrdreg $0x15D000  }
0xb0: {  	[dreg:$0x4] =	wrdreg $0x9  }
0xb1: {  	_ =	task.clear_ibuf [dreg:s6], $0x5FFFF;
	_ =	strace $0x90000049  }
0xb2: {  	s29 =	simm.s32 $0x9;
	_ =	strace $0x8000004B  }
0xb3: {  	_ =	swait.ge [sflag:s29], $0x1  }
0xb4: {  	[sflag:s29] =	ssyncadd.s32 $0xFFFFFFFF  }
0xb5: {  	_ =	strace $0x9000004B  }
0xb6: {  	_ =	sfence  }
0xb7: {  	s30 =	sld [smem:$0x0];
	_ =	sdelay $0x2  }
0xb8: {  	s31 =	sshll.u32 s1, $0xD;
	s1 =	sshrl.u32 s1, $0x2  }
0xb9: {  	s3 =	sand.u32 $0x4000, s31;
	s1 =	sadd.s32 s1, s30  }
0xba: {  	s0 =	sor.u32 s3, s0;
	s1 =	sshll.u32 s1, $0x11  }
0xbb: {  	s0 =	sor.u32 s1, s0  }
0xbc: {  	s0 =	sadd.s32 $0x8F2B, s0  }
0xbd: {  	[sflag:s0] =	ssyncadd.remote.s32 $0x1  }
0xbe: {  	_ =	sfence.sel $0xFFFF  }
0xbf: {  	[dreg:$0x0] =	wrdreg $0xFFFFFFFF;
	(pc) =	sbr.abs _section_cstart, $3  }
0xc0: {  	[dreg:$0x1] =	wrdreg $0xFFFFFFFF  }
0xc1: {  	_ =	task.clear_ibuf [dreg:s6], $0x2FFFF;
	_ =	strace $0x9FFFFFFF  }
0xc2: {  	(tm) =	ssettm $0x7FFFFFFF  }
0xc3: {  	_ =	shalt  }
tec
execute0_lowered:
.L_overlay_start_1:
0x0: {  	(tag) =	ssettag $0x1  }
0x1: {  	s0 =	srdreg.scid;
	s1 =	rddreg [dreg:$0x0]  }
0x2: {  	s8 =	stileid.u32;
	s2 =	rddreg [dreg:$0x1]  }
0x3: {  	s3 =	simm.s32 $0x0;
	s14 =	simm.s32 $0x9D00;
	s15 =	simm.s32 $0xD  }
0x4: {  	s16 =	simm.s32 $0x80;
	s17 =	simm.s32 $0xBD00;
	s19 =	simm.s32 $0xDD00  }
0x5: {  	s20 =	simm.s32 $0x1;
	s21 =	simm.s32 $0xFD00;
	s5 =	smul.u32 $0x4E80, s8  }
0x6: {  	s28 =	simm.s32 $0xB;
	s0 =	sand.u32 $0x1, s0;
	s9 =	smul.u32 $0xA000, s8  }
0x7: {  	s29 =	simm.s32 $0xC;
	s30 =	simm.s32 $0x7;
	s4 =	smul.u32 $0x4E800, s0  }
0x8: {  	[smem:$0x7FF] =	sst s3;
	s6 =	smul.u32 $0xA0000, s0;
	s0 =	ssub.s32 $0x2, s0  }
0x9: {  	s23 =	smul.u32 $0x28000, s8;
	_ =	strace $0x8000004A;
	s24 =	sshrl.u32 s0, $0x1  }
0xa: {  	s31 =	sadd.s32 s9, s2;
	s4 =	sadd.s32 s5, s4;
	s22 =	sadd.s32 s9, s6  }
0xb: {  	s6 =	sshrl.u32 s23, $0x2;
	s0 =	ssub.s32 s0, s24;
	s23 =	simm.s32 $0x11D00  }
0xc: {  	s24 =	simm.s32 $0x3;
	s4 =	sshrl.u32 s4, $0x3;
	s5 =	sshrl.u32 s22, $0x3  }
0xd: {  	s9 =	smax.u32 s0, $0x1;
	s22 =	simm.s32 $0x2;
	s7 =	sadd.s32 s4, s1  }
.Ltmp0:
0xe: {  	s4 =	sadd.s32 $0xC6600, s1;
	s1 =	sadd.s32 s5, s1;
	(pc) =	sbr.rel .LBB2_1-.Ltmp0, $4  }
0xf: {  	s5 =	sadd.s32 s6, s2;
	s25 =	sadd.s32 $0x16800, s7;
	s26 =	sadd.s32 $0x2400, s7  }
0x10: {  	s8 =	sadd.s32 $0xED800, s1;
	s10 =	sadd.s32 $0x2000, s5;
	s11 =	sadd.s32 $0x4000, s5  }
0x11: {  	s12 =	sadd.s32 $0x6000, s5;
	s13 =	sadd.s32 $0x8000, s5;
	[dreg:$0x3] =	wrdreg s25  }
0x12: {  	v0 =	vimm.f32 $0.0e+00;
	[dreg:$0x4] =	wrdreg s26;
	s25 =	sshrl.u32 s31, $0x3;
	s26 =	simm.s32 $0x13D00  }
.LBB2_14:
0x13: {  	_ =	swait.ge [sflag:s28], $0x2000  }
0x14: {  	[sflag:s28] =	ssyncset.done $0x0  }
0x15: {  	[sflag:s28] =	ssyncadd.s32 $0xFFFFE000  }
0x16: {  	_ =	swait.ge [sflag:s29], $0x2000  }
0x17: {  	[sflag:s29] =	ssyncset.done $0x0  }
0x18: {  	[sflag:s29] =	ssyncadd.s32 $0xFFFFE000  }
0x19: {  	_ =	swait.ge [sflag:s30], $0x2000  }
0x1a: {  	s0 =	stileid.u32;
	s3 =	sadd.s32 $0x1, s3;
	[sflag:s30] =	ssyncset.done $0x0  }
0x1b: {  	s0 =	sshll.u32 s0, $0x6;
	p0 =	sne.s32 s3, s9;
	[sflag:s30] =	ssyncadd.s32 $0xFFFFE000  }
.Ltmp1:
0x1c: {  	s0 =	sor.u32 $0x1C0D, s0;
	[bflag:$0x0] =	sbarrier.arrive $0xFFFF;
	(pc) =	sbr.rel @!p0 .LBB2_15-.Ltmp1, $4  }
0x1d: {  	[hbm:s8], [sflag:s0] =	dma.local [spmem:s25], $0x1400  }
0x1e: {  	_ =	swait.ge [sflag:s15], $0x1400  }
0x1f: {  	[sflag:s15] =	ssyncset.done $0x0  }
0x20: {  	[sflag:s15] =	ssyncadd.s32 $0xFFFFEC00  }
.LBB2_1:
0x21: {  	s1 =	simm.s32 $0x100;
	s0 =	simm.s32 $0x0  }
.LBB2_2:
0x22: {  	p0 =	sne.s32 s1, $0x7F00;
	[tilespmem:s0+$0x9D30] =	vst v0;
	s18 =	smov.u32 s1;
	s1 =	sadd.s32 $0x100, s1  }
.Ltmp2:
0x23: {  	[tilespmem:s0+$0x9D20] =	vst v0;
	(pc) =	sbr.rel @p0 .LBB2_2-.Ltmp2, $3  }
0x24: {  	[tilespmem:s0+$0x9D00] =	vst v0  }
0x25: {  	[tilespmem:s0+$0x9D10] =	vst v0;
	_ =	sdelay $0x1  }
0x26: {  	s0 =	sshra.s32 s18, $0x2  }
0x27: {  	[tilespmem:s0+$0x9D30] =	vst v0  }
0x28: {  	[tilespmem:s0+$0x9D20] =	vst v0  }
0x29: {  	[tilespmem:s0+$0x9D00] =	vst v0  }
0x2a: {  	[tilespmem:s0+$0x9D10] =	vst v0  }
0x2b: {  	[spmem:s5] =	stream.linear.scatter [tilespmem:s14], [sflag:$0xD], $0x2000, $0x38;
	[tilespmem:$0x1FD00] =	vst v63  }
0x2c: {  	_ =	swait.ge [sflag:s15], $0x2000  }
0x2d: {  	[sflag:s15] =	ssyncset.done $0x0  }
0x2e: {  	[sflag:s15] =	ssyncadd.s32 $0xFFFFE000  }
0x2f: {  	[spmem:s10] =	stream.linear.scatter [tilespmem:s14], [sflag:$0xD], $0x2000, $0x38;
	[tilespmem:$0x1FD00] =	vst v63  }
0x30: {  	_ =	swait.ge [sflag:s15], $0x2000  }
0x31: {  	[sflag:s15] =	ssyncset.done $0x0  }
0x32: {  	[sflag:s15] =	ssyncadd.s32 $0xFFFFE000  }
0x33: {  	[spmem:s11] =	stream.linear.scatter [tilespmem:s14], [sflag:$0xD], $0x2000, $0x38;
	[tilespmem:$0x1FD00] =	vst v63  }
0x34: {  	_ =	swait.ge [sflag:s15], $0x2000  }
0x35: {  	[sflag:s15] =	ssyncset.done $0x0  }
0x36: {  	[sflag:s15] =	ssyncadd.s32 $0xFFFFE000  }
0x37: {  	[spmem:s12] =	stream.linear.scatter [tilespmem:s14], [sflag:$0xD], $0x2000, $0x38;
	[tilespmem:$0x1FD00] =	vst v63  }
0x38: {  	_ =	swait.ge [sflag:s15], $0x2000  }
0x39: {  	[sflag:s15] =	ssyncset.done $0x0  }
0x3a: {  	[sflag:s15] =	ssyncadd.s32 $0xFFFFE000  }
0x3b: {  	[spmem:s13] =	stream.linear.scatter [tilespmem:s14], [sflag:$0xD], $0x2000, $0x38;
	[tilespmem:$0x1FD00] =	vst v63  }
0x3c: {  	_ =	swait.ge [sflag:s15], $0x2000  }
0x3d: {  	[sflag:s15] =	ssyncset.done $0x0  }
0x3e: {  	s31 =	simm.s32 $0x0;
	s6 =	rddreg [dreg:$0x3];
	[sflag:s15] =	ssyncadd.s32 $0xFFFFE000  }
0x3f: {  	[tilespmem:s31], [sflag:$0xD] =	stream.linear.gather [hbm4b:s6+s31], $0x4E80, $0x38;
	[tilespmem:$0x1FD00] =	vst v63  }
0x40: {  	_ =	swait.ge [sflag:s15], $0x4E80  }
0x41: {  	[sflag:s15] =	ssyncset.done $0x0  }
0x42: {  	s1 =	simm.s32 $0x4E80;
	s7 =	rddreg [dreg:$0x4];
	[sflag:s15] =	ssyncadd.s32 $0xFFFFB180  }
0x43: {  	[tilespmem:s1], [sflag:$0xD] =	stream.linear.gather [hbm4b:s7+s31], $0x4E80, $0x38;
	[tilespmem:$0x1FD00] =	vst v63  }
0x44: {  	_ =	swait.ge [sflag:s15], $0x4E80  }
0x45: {  	[sflag:s15] =	ssyncset.done $0x0  }
0x46: {  	[sflag:s15] =	ssyncadd.s32 $0xFFFFB180  }
0x47: {  	[bflag:$0x0] =	sbarrier.arrive $0xFFFF  }
0x48: {  	[tilespmem:s14], [sflag:$0x1] =	stream.indirect.gather [hbm4b:s4+s16], $0x40, s31, s16, $0xb8;
	[tilespmem:$0x1FD00] =	vst v63  }
.Ltmp3:
0x49: {  	_ = 	snop;
	(pc) =	sbr.rel .LBB2_4-.Ltmp3, $4  }
0x4a: {  	_ = 	snop  }
0x4b: {  	[tilespmem:s17], [sflag:$0x2] =	stream.indirect.gather [hbm4b:s4+s16], $0x40, s16, s16, $0xb8;
	[tilespmem:$0x1FD00] =	vst v63  }
0x4c: {  	s18 =	simm.s32 $0x100;
	s0 =	simm.s32 $0x180  }
0x4d: {  	[tilespmem:s19], [sflag:$0x3] =	stream.indirect.gather [hbm4b:s4+s16], $0x40, s18, s16, $0xb8;
	[tilespmem:$0x1FD00] =	vst v63  }
.LBB2_9:
0x4e: {  	p0 =	seq.s32 s18, $0x3  }
0x4f: {  	s6 =	simm.s32 @p0 $0x4  }
0x50: {  	_ =	swait.ge @p0 [sflag:s6], $0x2000  }
0x51: {  	[sflag:s6] =	ssyncset.done @p0 $0x0  }
0x52: {  	s7 =	simm.s32 @p0 $0xFD00;
	[sflag:s6] =	ssyncadd.s32 @p0 $0xFFFFE000;
	s6 =	simm.s32 @p0 $0x80  }
0x53: {  	[spmem:s2] =	stream.indirect.scatter.add.f32 @p0 [tilespmem:s7], [sflag:$0xA], $0x40, s1, s6, $0xb8;
	[tilespmem:$0x1FD00] =	vst v63  }
0x54: {  	s6 =	simm.s32 @p0 $0x7  }
0x55: {  	p1 =	sgt.u32 @p0 s31, $0x99;
	_ =	swait.ge @p0 [sflag:s6], $0x2000  }
0x56: {  	p1 =	por p1, !p0;
	[sflag:s6] =	ssyncset.done @p0 $0x0  }
0x57: {  	s7 =	simm.s32 @!p1 $0x9D00;
	[sflag:s6] =	ssyncadd.s32 @p0 $0xFFFFE000;
	s6 =	simm.s32 @!p1 $0x80  }
0x58: {  	[tilespmem:s7], [sflag:$0x1] =	stream.indirect.gather @!p1 [hbm4b:s4+s6], $0x40, s0, s6, $0xb8;
	[tilespmem:$0x1FD00] =	vst v63  }
0x59: {  	p1 =	seq.s32 @!p0 s18, $0x4  }
0x5a: {  	p2 =	por !p1, p0  }
0x5b: {  	s6 =	simm.s32 @!p2 $0x5  }
0x5c: {  	_ =	swait.ge @!p2 [sflag:s6], $0x2000  }
0x5d: {  	s7 =	simm.s32 @!p2 $0x11D00;
	[sflag:s6] =	ssyncset.done @!p2 $0x0  }
0x5e: {  	p3 =	sgt.u32 @!p2 s31, $0x99;
	[sflag:s6] =	ssyncadd.s32 @!p2 $0xFFFFE000;
	s6 =	simm.s32 @!p2 $0x80  }
0x5f: {  	[spmem:s2] =	stream.indirect.scatter.add.f32 @!p2 [tilespmem:s7], [sflag:$0xB], $0x40, s1, s6, $0xb8;
	[tilespmem:$0x1FD00] =	vst v63  }
0x60: {  	p3 =	por @!p0 p3, !p1;
	s6 =	simm.s32 @!p2 $0x8  }
0x61: {  	p3 =	por p3, p0;
	_ =	swait.ge @!p2 [sflag:s6], $0x2000  }
0x62: {  	s7 =	simm.s32 @!p3 $0xBD00;
	[sflag:s6] =	ssyncset.done @!p2 $0x0  }
0x63: {  	[sflag:s6] =	ssyncadd.s32 @!p2 $0xFFFFE000;
	s6 =	simm.s32 @!p3 $0x80;
	p2 =	por p1, p0  }
0x64: {  	[tilespmem:s7], [sflag:$0x2] =	stream.indirect.gather @!p3 [hbm4b:s4+s6], $0x40, s0, s6, $0xb8;
	[tilespmem:$0x1FD00] =	vst v63  }
0x65: {  	s6 =	simm.s32 @!p2 $0x6  }
0x66: {  	_ =	swait.ge @!p2 [sflag:s6], $0x2000  }
0x67: {  	[sflag:s6] =	ssyncset.done @!p2 $0x0  }
0x68: {  	s7 =	simm.s32 @!p2 $0x13D00;
	[sflag:s6] =	ssyncadd.s32 @!p2 $0xFFFFE000;
	s6 =	simm.s32 @!p2 $0x80  }
0x69: {  	[spmem:s2] =	stream.indirect.scatter.add.f32 @!p2 [tilespmem:s7], [sflag:$0xC], $0x40, s1, s6, $0xb8;
	[tilespmem:$0x1FD00] =	vst v63  }
0x6a: {  	p3 =	sgt.u32 @!p2 s31, $0x99;
	s6 =	simm.s32 @!p2 $0x9  }
0x6b: {  	p1 =	por @!p0 p3, p1;
	_ =	swait.ge @!p2 [sflag:s6], $0x2000  }
0x6c: {  	p0 =	por p1, p0;
	[sflag:s6] =	ssyncset.done @!p2 $0x0  }
0x6d: {  	s7 =	simm.s32 @!p0 $0xDD00;
	[sflag:s6] =	ssyncadd.s32 @!p2 $0xFFFFE000;
	s6 =	simm.s32 @!p0 $0x80  }
0x6e: {  	[tilespmem:s7], [sflag:$0x3] =	stream.indirect.gather @!p0 [hbm4b:s4+s6], $0x40, s0, s6, $0xb8;
	[tilespmem:$0x1FD00] =	vst v63  }
.LBB2_13:
0x6f: {  	s31 =	sadd.s32 $0x1, s31  }
0x70: {  	p0 =	sne.s32 s31, $0x9D  }
.Ltmp4:
0x71: {  	_ = 	snop;
	(pc) =	sbr.rel @!p0 .LBB2_14-.Ltmp4, $2  }
0x72: {  	_ =	sdelay $0x2  }
0x73: {  	s0 =	sadd.s32 $0x80, s0;
	s1 =	sadd.s32 $0x80, s1  }
.LBB2_4:
0x74: {  	s18 =	smul.u32 $0xAB, s31;
	_ =	sdelay $0x1  }
0x75: {  	s18 =	sshrl.u32 s18, $0xA  }
0x76: {  	s18 =	sand.u32 $0x3F, s18  }
0x77: {  	s18 =	smul.u32 $0x6, s18;
	_ =	sdelay $0x1  }
0x78: {  	s18 =	ssub.s32 s31, s18  }
0x79: {  	s18 =	sand.u32 $0xFF, s18  }
0x7a: {  	p0 =	sgt.s32 s18, $0x2  }
.Ltmp5:
0x7b: {  	_ = 	snop;
	(pc) =	sbr.rel @p0 .LBB2_9-.Ltmp5, $1  }
0x7c: {  	_ =	sdelay $0x3  }
0x7d: {  	p0 =	seq.s32 s18, $0x0  }
.Ltmp6:
0x7e: {  	_ = 	snop;
	(pc) =	sbr.rel @p0 .LBB2_10-.Ltmp6, $1  }
0x7f: {  	_ =	sdelay $0x3  }
0x80: {  	p0 =	seq.s32 s18, $0x1  }
.Ltmp7:
0x81: {  	_ = 	snop;
	(pc) =	sbr.rel @!p0 .LBB2_12-.Ltmp7, $1  }
0x82: {  	_ =	sdelay $0x3  }
0x83: {  	p0 =	slt.u32 s31, $0x3  }
0x84: {  	_ =	swait.ge [sflag:s22], $0x2000;
	p1 =	sgt.u32 @!p0 s31, $0x99  }
0x85: {  	[sflag:s22] =	ssyncset.done $0x0;
	p1 =	por p0, !p1  }
.Ltmp8:
0x86: {  	s6 =	simm.s32 @!p0 $0xB;
	[sflag:s22] =	ssyncadd.s32 $0xFFFFE000;
	(pc) =	sbr.rel @!p1 .LBB2_13-.Ltmp8, $4  }
0x87: {  	[spmem:s2] =	stream.indirect.scatter.add.f32 [tilespmem:s17], [sflag:$0x8], $0x40, s1, s16, $0xb8;
	[tilespmem:$0x1FD00] =	vst v63  }
0x88: {  	_ =	swait.ge @!p0 [sflag:s6], $0x2000  }
0x89: {  	[sflag:s6] =	ssyncset.done @!p0 $0x0  }
0x8a: {  	[sflag:s6] =	ssyncadd.s32 @!p0 $0xFFFFE000  }
.Ltmp9:
0x8b: {  	(pc) =	sbr.rel .LBB2_13-.Ltmp9, $2  }
0x8c: {  	_ =	sdelay $0x2  }
0x8d: {  	[tilespmem:s23], [sflag:$0x5] =	stream.indirect.gather [hbm4b:s4+s16], $0x40, s0, s16, $0xb8;
	[tilespmem:$0x1FD00] =	vst v63  }
.LBB2_10:
0x8e: {  	p0 =	slt.u32 s31, $0x3  }
0x8f: {  	_ =	swait.ge [sflag:s20], $0x2000;
	p1 =	sgt.u32 @!p0 s31, $0x99  }
0x90: {  	[sflag:s20] =	ssyncset.done $0x0;
	p1 =	por p0, !p1  }
.Ltmp10:
0x91: {  	s6 =	simm.s32 @!p0 $0xA;
	[sflag:s20] =	ssyncadd.s32 $0xFFFFE000;
	(pc) =	sbr.rel @!p1 .LBB2_13-.Ltmp10, $4  }
0x92: {  	[spmem:s2] =	stream.indirect.scatter.add.f32 [tilespmem:s14], [sflag:$0x7], $0x40, s1, s16, $0xb8;
	[tilespmem:$0x1FD00] =	vst v63  }
0x93: {  	_ =	swait.ge @!p0 [sflag:s6], $0x2000  }
0x94: {  	[sflag:s6] =	ssyncset.done @!p0 $0x0  }
0x95: {  	[sflag:s6] =	ssyncadd.s32 @!p0 $0xFFFFE000  }
.Ltmp11:
0x96: {  	(pc) =	sbr.rel .LBB2_13-.Ltmp11, $2  }
0x97: {  	_ =	sdelay $0x2  }
0x98: {  	[tilespmem:s21], [sflag:$0x4] =	stream.indirect.gather [hbm4b:s4+s16], $0x40, s0, s16, $0xb8;
	[tilespmem:$0x1FD00] =	vst v63  }
.LBB2_12:
0x99: {  	_ =	swait.ge [sflag:s24], $0x2000  }
0x9a: {  	[sflag:s24] =	ssyncset.done $0x0  }
0x9b: {  	p0 =	slt.u32 s31, $0x3;
	[sflag:s24] =	ssyncadd.s32 $0xFFFFE000  }
0x9c: {  	[spmem:s2] =	stream.indirect.scatter.add.f32 [tilespmem:s19], [sflag:$0x9], $0x40, s1, s16, $0xb8;
	[tilespmem:$0x1FD00] =	vst v63  }
.Ltmp12:
0x9d: {  	s6 =	simm.s32 @!p0 $0xC;
	(pc) =	sbr.rel .LBB2_13-.Ltmp12, $4  }
0x9e: {  	_ =	swait.ge @!p0 [sflag:s6], $0x2000  }
0x9f: {  	p1 =	sgt.u32 @!p0 s31, $0x99;
	[sflag:s6] =	ssyncset.done @!p0 $0x0  }
0xa0: {  	p1 =	por p0, !p1;
	[sflag:s6] =	ssyncadd.s32 @!p0 $0xFFFFE000  }
0xa1: {  	[tilespmem:s26], [sflag:$0x6] =	stream.indirect.gather @p1 [hbm4b:s4+s16], $0x40, s0, s16, $0xb8;
	[tilespmem:$0x1FD00] =	vst v63  }
.LBB2_15:
0xa2: {  	_ =	sfence.sel $0x180000  }
0xa3: {  	[bflag:$0x0] =	sbarrier.arrive $0xFFFF  }
0xa4: {  	_ =	strace $0x9000004A  }
0xa5: {  	s0 =	stileid.u32;
	[bflag:$0x2] =	sbarrier.arrive $0xFFFF  }
0xa6: {  	p0 =	sne.s32 s0, $0x0;
	s0 =	rddreg [dreg:$0x2]  }
0xa7: {  	s0 =	sadd.s32 @!p0 $0x100000, s0  }
0xa8: {  	[sflag:s0] =	ssyncadd.tile.s32 @!p0 $0x1;
	_ =	shalt  }
.Lfunc_end2:
_tile_overlayer_lowered:
.L_overlay_start_2:
0xa9: {  	(tag) =	ssettag $0x2  }
0xaa: {  	s0 =	rddreg [dreg:$0x0];
	s2 =	stileid.u32  }
0xab: {  	s1 =	rddreg [dreg:$0x1];
	p0 =	sne.s32 s2, $0x0  }
0xac: {  	s3 =	rddreg [dreg:$0x2];
	[bflag:$0x3] =	sbarrier.arrive $0xFFFF;
	s2 =	simm.s32 @!p0 $0x1C0D  }
0xad: {  	[timem:s3], [sflag:s2] =	dma.local @!p0 [hbm:s0], s1  }
0xae: {  	s0 =	simm.s32 @!p0 $0xD  }
0xaf: {  	_ =	swait.ge @!p0 [sflag:s0], s1  }
0xb0: {  	s1 =	ssub.s32 @!p0 $0x0, s1;
	[sflag:s0] =	ssyncset.done @!p0 $0x0  }
0xb1: {  	[sflag:s0] =	ssyncadd.s32 @!p0 s1  }
0xb2: {  	[bflag:$0x3] =	sbarrier.arrive $0xFFFF  }
0xb3: {  	_ =	shalt  }

// kernel: kernel.14.cloned.1.call-start
scs
__scs_entry_jumppad:
0x0: {  	(pc) =	sbr.rel $0x88, $3  }
0x1: {  	(tag) =	ssettag $0x0;
	lr =	simm.s32 $0x1  }
0x2: {  	[smem:$0x3F9A] =	sst lr;
	_ =	strace $0xD0000000  }
0x3: {  	_ = 	snop  }
0x4: {  	_ = 	snop  }
0x5: {  	_ = 	snop  }
0x6: {  	_ = 	snop  }
0x7: {  	_ = 	snop  }
__scs_overlays_trampoline_lowered:
0x8: {  	[smem:$0x3FA9] =	sst s0  }
0x9: {  	[smem:$0x3FAA] =	sst s1  }
0xa: {  	[smem:$0x3FAB] =	sst s2  }
0xb: {  	[smem:$0x3FAC] =	sst s3  }
0xc: {  	[smem:$0x3FAD] =	sst s4  }
0xd: {  	[smem:$0x3FAE] =	sst s5  }
0xe: {  	[smem:$0x3FAF] =	sst s6  }
0xf: {  	[smem:$0x3FB0] =	sst s7  }
0x10: {  	[smem:$0x3FB1] =	sst s8  }
0x11: {  	[smem:$0x3FB2] =	sst s9;
	s0 =	simm.s32 @!p0 $0x0  }
0x12: {  	s1 =	sld [smem:$0x3F98];
	s0 =	simm.s32 @p0 $0x1  }
0x13: {  	[smem:$0x3FB3] =	sst s0;
	s0 =	simm.s32 @!p1 $0x0  }
0x14: {  	s2 =	sld [smem:$0x3F97];
	s0 =	simm.s32 @p1 $0x1  }
0x15: {  	[smem:$0x3FB4] =	sst s0;
	s0 =	simm.s32 @!p2 $0x0  }
0x16: {  	s3 =	sld [smem:$0x3FDB];
	s0 =	simm.s32 @p2 $0x1  }
0x17: {  	s4 =	simm.s32 $0x1BF5;
	[smem:$0x3FB6] =	sst s0  }
0x18: {  	s0 =	sld [smem:$0x3F99];
	_ =	swait.ge [sflag:s4], $0x0  }
0x19: {  	s7 =	sld [smem:$0x3F9A]  }
0x1a: {  	s8 =	sadd.s32 $0xFFFFE003, lr  }
0x1b: {  	s9 =	sadd.s32 $0xFFFFFEF7, lr;
	s5 =	simm.s32 $0xFFFFFFFF;
	p2 =	slt.u32 s8, $0xFFFFF086  }
0x1c: {  	p1 =	slt.u32 s9, $0xF7A;
	s5 =	simm.s32 @!p2 $0x0  }
0x1d: {  	s5 =	simm.s32 @p1 $0x1;
	p0 =	seq.s32 s7, s2  }
0x1e: {  	s7 =	smul.u32 @!p0 $0xF7A, s2;
	p2 =	seq.s32 @!p0 s5, $0x0  }
0x1f: {  	s9 =	smul.u32 $0xF7A, s1;
	s8 =	simm.s32 @!p0 $0x1BF5;
	p2 =	por !p2, p0  }
0x20: {  	[sflag:s8] =	ssyncset.s32 @!p0 $0xFFFFF086;
	s6 =	sadd.s32 @!p0 s3, s7;
	s7 =	simm.s32 @!p0 $0x108  }
0x21: {  	s3 =	sadd.s32 s3, s9;
	s6 =	sadd.s32 @!p0 $0x88, s6;
	s7 =	simm.s32 @p2 $0x1082  }
0x22: {  	[simem:s7], [sflag:s8] =	dma.local @!p0 [hbm:s6], $0xF7A  }
0x23: {  	s9 =	sor.u32 $0xD0000000, s2;
	s6 =	simm.s32 $0x108;
	_ =	swait.ge @!p0 [sflag:s8], $0x0  }
0x24: {  	s3 =	sadd.s32 $0x88, s3;
	s6 =	simm.s32 @!p1 $0x1082;
	[sflag:s4] =	ssyncset.s32 $0xFFFFF086  }
0x25: {  	[simem:s6], [sflag:s4] =	dma.local [hbm:s3], $0xF7A  }
0x26: {  	[smem:$0x3F9A] =	sst s1;
	(tag) =	ssettag s2;
	_ =	strace s9  }
0x27: {  	s1 =	sld [smem:$0x3FAA]  }
0x28: {  	s2 =	sld [smem:$0x3FAB]  }
0x29: {  	s4 =	sld [smem:$0x3FAD]  }
0x2a: {  	p0 =	seq.s32 s5, $0x0;
	s5 =	sld [smem:$0x3FAE]  }
0x2b: {  	s6 =	sld [smem:$0x3FAF]  }
0x2c: {  	s7 =	sld [smem:$0x3FB0]  }
0x2d: {  	s3 =	simm.s32 $0x108;
	s8 =	sld [smem:$0x3FB1]  }
0x2e: {  	s3 =	simm.s32 @!p0 $0x1082;
	s9 =	sld [smem:$0x3FB2]  }
0x2f: {  	lr =	sadd.s32 s0, s3;
	s0 =	sld [smem:$0x3FA9]  }
0x30: {  	s3 =	sld [smem:$0x3FAC]  }
0x31: {  	[smem:$0x3FB5] =	sst s10  }
0x32: {  	s10 =	sld [smem:$0x3FB3];
	_ =	sdelay $0x3  }
0x33: {  	p0 =	seq.s32 s10, $0x1;
	s10 =	sld [smem:$0x3FB5];
	_ =	sdelay $0x3  }
0x34: {  	[smem:$0x3FB5] =	sst s10  }
0x35: {  	s10 =	sld [smem:$0x3FB4];
	_ =	sdelay $0x3  }
0x36: {  	p1 =	seq.s32 s10, $0x1;
	s10 =	sld [smem:$0x3FB5];
	_ =	sdelay $0x3  }
0x37: {  	[smem:$0x3FB5] =	sst s10  }
0x38: {  	s10 =	sld [smem:$0x3FB6]  }
0x39: {  	_ = 	snop;
	(pc) =	sbr.ind lr, $3  }
0x3a: {  	_ = 	snop  }
0x3b: {  	_ = 	snop  }
0x3c: {  	p2 =	seq.s32 s10, $0x1;
	s10 =	sld [smem:$0x3FB5]  }
0x3d: {  	_ =	shalt  }
0x3e: {  	_ =	shalt  }
0x3f: {  	_ =	shalt  }
0x40: {  	_ =	shalt  }
0x41: {  	_ =	shalt  }
0x42: {  	_ =	shalt  }
0x43: {  	_ =	shalt  }
0x44: {  	_ =	shalt  }
0x45: {  	_ =	shalt  }
0x46: {  	_ =	shalt  }
0x47: {  	_ =	shalt  }
0x48: {  	_ =	shalt  }
0x49: {  	_ =	shalt  }
0x4a: {  	_ =	shalt  }
0x4b: {  	_ =	shalt  }
0x4c: {  	_ =	shalt  }
0x4d: {  	_ =	shalt  }
0x4e: {  	_ =	shalt  }
0x4f: {  	_ =	shalt  }
0x50: {  	_ =	shalt  }
0x51: {  	_ =	shalt  }
0x52: {  	_ =	shalt  }
0x53: {  	_ =	shalt  }
0x54: {  	_ =	shalt  }
0x55: {  	_ =	shalt  }
0x56: {  	_ =	shalt  }
0x57: {  	_ =	shalt  }
0x58: {  	_ =	shalt  }
0x59: {  	_ =	shalt  }
0x5a: {  	_ =	shalt  }
0x5b: {  	_ =	shalt  }
0x5c: {  	_ =	shalt  }
0x5d: {  	_ =	shalt  }
0x5e: {  	_ =	shalt  }
0x5f: {  	_ =	shalt  }
0x60: {  	_ =	shalt  }
0x61: {  	_ =	shalt  }
0x62: {  	_ =	shalt  }
0x63: {  	_ =	shalt  }
0x64: {  	_ =	shalt  }
0x65: {  	_ =	shalt  }
0x66: {  	_ =	shalt  }
0x67: {  	_ =	shalt  }
0x68: {  	_ =	shalt  }
0x69: {  	_ =	shalt  }
0x6a: {  	_ =	shalt  }
0x6b: {  	_ =	shalt  }
0x6c: {  	_ =	shalt  }
0x6d: {  	_ =	shalt  }
0x6e: {  	_ =	shalt  }
0x6f: {  	_ =	shalt  }
0x70: {  	_ =	shalt  }
0x71: {  	_ =	shalt  }
0x72: {  	_ =	shalt  }
0x73: {  	_ =	shalt  }
0x74: {  	_ =	shalt  }
0x75: {  	_ =	shalt  }
0x76: {  	_ =	shalt  }
0x77: {  	_ =	shalt  }
0x78: {  	_ =	shalt  }
0x79: {  	_ =	shalt  }
0x7a: {  	_ =	shalt  }
0x7b: {  	_ =	shalt  }
0x7c: {  	_ =	shalt  }
0x7d: {  	_ =	shalt  }
0x7e: {  	_ =	shalt  }
0x7f: {  	_ =	shalt  }
0x80: {  	_ =	shalt  }
0x81: {  	_ =	shalt  }
0x82: {  	_ =	shalt  }
0x83: {  	_ =	shalt  }
0x84: {  	_ =	shalt  }
0x85: {  	_ =	shalt  }
0x86: {  	_ =	shalt  }
0x87: {  	_ =	shalt  }
.Lfunc_end0:
.L_simem_size_0:
called_computation.2_lowered:
.L_overlay_start_0:
0x88: {  	s2 =	sld [smem:$0x3FD9]  }
0x89: {  	s3 =	sld [smem:$0x3FFE];
	_ =	sdelay $0x1  }
0x8a: {  	s1 =	srdreg.scid  }
0x8b: {  	s0 =	sand.u32 $0x1, s1  }
0x8c: {  	s16 =	sshll.u32 s0, $0xA;
	s2 =	sadd.s32 s3, s2  }
0x8d: {  	s2 =	sadd.s32 s2, s16  }
0x8e: {  	[smem:$0x3FC1] =	sst s2  }
0x8f: {  	_ = 	snop  }
0x90: {  	(tm) =	ssettm $0x1  }
0x91: {  	s17 =	sld [smem:$0x3FFB];
	_ =	sdelay $0x3  }
0x92: {  	_ =	strace s17  }
0x93: {  	s2 =	sld [smem:$0x3FFC];
	_ =	sdelay $0x3  }
0x94: {  	_ =	strace s2  }
0x95: {  	s2 =	sld [smem:$0x3FFD];
	_ =	sdelay $0x3  }
0x96: {  	_ =	strace s2  }
0x97: {  	_ =	strace $0x8FFFFFFF  }
0x98: {  	s18 =	sld [smem:$0x3FDB];
	_ =	sdelay $0x1  }
0x99: {  	s19 =	simm.s32 $_scs_section_size  }
0x9a: {  	s4 =	simm.s32 $_size__tile_overlayer_lowered;
	s5 =	simm.s32 $_tile_overlayer_lowered  }
0x9b: {  	s22 =	simm.s32 $0x1BFF;
	s21 =	sshll.u32 s5, $0x1;
	s2 =	sadd.s32 s19, s18  }
0x9c: {  	s6 =	simm.s32 $0x0;
	s20 =	sshll.u32 s4, $0x1;
	s4 =	sadd.s32 s21, s2  }
0x9d: {  	[timem:s6], [sflag:s22] =	dma.local [hbm:s4], s20  }
0x9e: {  	_ =	swait.ge [sflag:s22], s20  }
0x9f: {  	s3 =	ssub.s32 $0x0, s20;
	[sflag:s22] =	ssyncset.done $0x0  }
0xa0: {  	[sflag:s22] =	ssyncadd.s32 s3;
	_ =	sdelay $0x1  }
0xa1: {  	s23 =	simm.s32 $0x1B8B  }
0xa2: {  	_ =	swait.ge [sflag:s23], $0x1  }
0xa3: {  	[sflag:s23] =	ssyncset.done $0x0  }
0xa4: {  	s25 =	simm.s32 $0x1B8E;
	s24 =	sld [smem:$0x3FFE];
	[sflag:s23] =	ssyncadd.s32 $0xFFFFFFFF  }
0xa5: {  	s26 =	simm.s32 $execute0_lowered;
	[smem:$0x3FD2] =	sst s25  }
0xa6: {  	s4 =	sshll.u32 s26, $0x1;
	_ =	strace $0x8000004C;
	[dreg:$0x1] =	wrdreg $0xFFFFFFFF  }
0xa7: {  	s28 =	simm.s32 $_size_execute0_lowered;
	s2 =	sadd.s32 s2, s4;
	[dreg:$0x0] =	wrdreg $0x0  }
0xa8: {  	s4 =	sshll.u32 s28, $0x1;
	[dreg:$0x2] =	wrdreg s2  }
0xa9: {  	[dreg:$0x3] =	wrdreg s4  }
0xaa: {  	[dreg:$0x4] =	wrdreg $0xC0  }
0xab: {  	_ =	task [dreg:s6], $0x5FFFF  }
0xac: {  	[dreg:$0x1] =	wrdreg $0xFFFFFFFF  }
0xad: {  	[dreg:$0x0] =	wrdreg $0x60  }
0xae: {  	[dreg:$0x2] =	wrdreg s24  }
0xaf: {  	[dreg:$0x3] =	wrdreg $0x15D000  }
0xb0: {  	[dreg:$0x4] =	wrdreg $0x9  }
0xb1: {  	_ =	task.clear_ibuf [dreg:s6], $0x5FFFF;
	_ =	strace $0x9000004C  }
0xb2: {  	s29 =	simm.s32 $0x9;
	_ =	strace $0x8000004E  }
0xb3: {  	_ =	swait.ge [sflag:s29], $0x1  }
0xb4: {  	[sflag:s29] =	ssyncadd.s32 $0xFFFFFFFF  }
0xb5: {  	_ =	strace $0x9000004E  }
0xb6: {  	_ =	sfence  }
0xb7: {  	s30 =	sld [smem:$0x0];
	_ =	sdelay $0x2  }
0xb8: {  	s31 =	sshll.u32 s1, $0xD;
	s1 =	sshrl.u32 s1, $0x2  }
0xb9: {  	s3 =	sand.u32 $0x4000, s31;
	s1 =	sadd.s32 s1, s30  }
0xba: {  	s0 =	sor.u32 s3, s0;
	s1 =	sshll.u32 s1, $0x11  }
0xbb: {  	s0 =	sor.u32 s1, s0  }
0xbc: {  	s0 =	sadd.s32 $0x8F2B, s0  }
0xbd: {  	[sflag:s0] =	ssyncadd.remote.s32 $0x1  }
0xbe: {  	_ =	sfence.sel $0xFFFF  }
0xbf: {  	[dreg:$0x0] =	wrdreg $0xFFFFFFFF;
	(pc) =	sbr.abs _section_cstart, $3  }
0xc0: {  	[dreg:$0x1] =	wrdreg $0xFFFFFFFF  }
0xc1: {  	_ =	task.clear_ibuf [dreg:s6], $0x2FFFF;
	_ =	strace $0x9FFFFFFF  }
0xc2: {  	(tm) =	ssettm $0x7FFFFFFF  }
0xc3: {  	_ =	shalt  }
tec
execute0_lowered:
.L_overlay_start_1:
0x0: {  	(tag) =	ssettag $0x1  }
0x1: {  	s0 =	srdreg.scid;
	s1 =	rddreg [dreg:$0x0]  }
0x2: {  	s8 =	stileid.u32;
	s2 =	rddreg [dreg:$0x1]  }
0x3: {  	s3 =	simm.s32 $0x0;
	s14 =	simm.s32 $0x9D00;
	s15 =	simm.s32 $0xD  }
0x4: {  	s16 =	simm.s32 $0x80;
	s17 =	simm.s32 $0xBD00;
	s19 =	simm.s32 $0xDD00  }
0x5: {  	s20 =	simm.s32 $0x1;
	s21 =	simm.s32 $0xFD00;
	s5 =	smul.u32 $0x4E80, s8  }
0x6: {  	s28 =	simm.s32 $0xB;
	s0 =	sand.u32 $0x1, s0;
	s9 =	smul.u32 $0xA000, s8  }
0x7: {  	s29 =	simm.s32 $0xC;
	s30 =	simm.s32 $0x7;
	s4 =	smul.u32 $0x4E800, s0  }
0x8: {  	[smem:$0x7FF] =	sst s3;
	s6 =	smul.u32 $0xA0000, s0;
	s0 =	ssub.s32 $0x2, s0  }
0x9: {  	s23 =	smul.u32 $0x28000, s8;
	_ =	strace $0x8000004D;
	s24 =	sshrl.u32 s0, $0x1  }
0xa: {  	s31 =	sadd.s32 s9, s2;
	s4 =	sadd.s32 s5, s4;
	s22 =	sadd.s32 s9, s6  }
0xb: {  	s6 =	sshrl.u32 s23, $0x2;
	s0 =	ssub.s32 s0, s24;
	s23 =	simm.s32 $0x11D00  }
0xc: {  	s24 =	simm.s32 $0x3;
	s4 =	sshrl.u32 s4, $0x3;
	s5 =	sshrl.u32 s22, $0x3  }
0xd: {  	s9 =	smax.u32 s0, $0x1;
	s22 =	simm.s32 $0x2;
	s7 =	sadd.s32 s4, s1  }
.Ltmp0:
0xe: {  	s4 =	sadd.s32 $0x2A200, s1;
	s1 =	sadd.s32 s5, s1;
	(pc) =	sbr.rel .LBB2_1-.Ltmp0, $4  }
0xf: {  	s5 =	sadd.s32 s6, s2;
	s25 =	sadd.s32 $0x16800, s7;
	s26 =	sadd.s32 $0x2400, s7  }
0x10: {  	s8 =	sadd.s32 $0xC6600, s1;
	s10 =	sadd.s32 $0x2000, s5;
	s11 =	sadd.s32 $0x4000, s5  }
0x11: {  	s12 =	sadd.s32 $0x6000, s5;
	s13 =	sadd.s32 $0x8000, s5;
	[dreg:$0x3] =	wrdreg s25  }
0x12: {  	v0 =	vimm.f32 $0.0e+00;
	[dreg:$0x4] =	wrdreg s26;
	s25 =	sshrl.u32 s31, $0x3;
	s26 =	simm.s32 $0x13D00  }
.LBB2_14:
0x13: {  	_ =	swait.ge [sflag:s28], $0x2000  }
0x14: {  	[sflag:s28] =	ssyncset.done $0x0  }
0x15: {  	[sflag:s28] =	ssyncadd.s32 $0xFFFFE000  }
0x16: {  	_ =	swait.ge [sflag:s29], $0x2000  }
0x17: {  	[sflag:s29] =	ssyncset.done $0x0  }
0x18: {  	[sflag:s29] =	ssyncadd.s32 $0xFFFFE000  }
0x19: {  	_ =	swait.ge [sflag:s30], $0x2000  }
0x1a: {  	s0 =	stileid.u32;
	s3 =	sadd.s32 $0x1, s3;
	[sflag:s30] =	ssyncset.done $0x0  }
0x1b: {  	s0 =	sshll.u32 s0, $0x6;
	p0 =	sne.s32 s3, s9;
	[sflag:s30] =	ssyncadd.s32 $0xFFFFE000  }
.Ltmp1:
0x1c: {  	s0 =	sor.u32 $0x1C0D, s0;
	[bflag:$0x0] =	sbarrier.arrive $0xFFFF;
	(pc) =	sbr.rel @!p0 .LBB2_15-.Ltmp1, $4  }
0x1d: {  	[hbm:s8], [sflag:s0] =	dma.local [spmem:s25], $0x1400  }
0x1e: {  	_ =	swait.ge [sflag:s15], $0x1400  }
0x1f: {  	[sflag:s15] =	ssyncset.done $0x0  }
0x20: {  	[sflag:s15] =	ssyncadd.s32 $0xFFFFEC00  }
.LBB2_1:
0x21: {  	s1 =	simm.s32 $0x100;
	s0 =	simm.s32 $0x0  }
.LBB2_2:
0x22: {  	p0 =	sne.s32 s1, $0x7F00;
	[tilespmem:s0+$0x9D30] =	vst v0;
	s18 =	smov.u32 s1;
	s1 =	sadd.s32 $0x100, s1  }
.Ltmp2:
0x23: {  	[tilespmem:s0+$0x9D20] =	vst v0;
	(pc) =	sbr.rel @p0 .LBB2_2-.Ltmp2, $3  }
0x24: {  	[tilespmem:s0+$0x9D00] =	vst v0  }
0x25: {  	[tilespmem:s0+$0x9D10] =	vst v0;
	_ =	sdelay $0x1  }
0x26: {  	s0 =	sshra.s32 s18, $0x2  }
0x27: {  	[tilespmem:s0+$0x9D30] =	vst v0  }
0x28: {  	[tilespmem:s0+$0x9D20] =	vst v0  }
0x29: {  	[tilespmem:s0+$0x9D00] =	vst v0  }
0x2a: {  	[tilespmem:s0+$0x9D10] =	vst v0  }
0x2b: {  	[spmem:s5] =	stream.linear.scatter [tilespmem:s14], [sflag:$0xD], $0x2000, $0x38;
	[tilespmem:$0x1FD00] =	vst v63  }
0x2c: {  	_ =	swait.ge [sflag:s15], $0x2000  }
0x2d: {  	[sflag:s15] =	ssyncset.done $0x0  }
0x2e: {  	[sflag:s15] =	ssyncadd.s32 $0xFFFFE000  }
0x2f: {  	[spmem:s10] =	stream.linear.scatter [tilespmem:s14], [sflag:$0xD], $0x2000, $0x38;
	[tilespmem:$0x1FD00] =	vst v63  }
0x30: {  	_ =	swait.ge [sflag:s15], $0x2000  }
0x31: {  	[sflag:s15] =	ssyncset.done $0x0  }
0x32: {  	[sflag:s15] =	ssyncadd.s32 $0xFFFFE000  }
0x33: {  	[spmem:s11] =	stream.linear.scatter [tilespmem:s14], [sflag:$0xD], $0x2000, $0x38;
	[tilespmem:$0x1FD00] =	vst v63  }
0x34: {  	_ =	swait.ge [sflag:s15], $0x2000  }
0x35: {  	[sflag:s15] =	ssyncset.done $0x0  }
0x36: {  	[sflag:s15] =	ssyncadd.s32 $0xFFFFE000  }
0x37: {  	[spmem:s12] =	stream.linear.scatter [tilespmem:s14], [sflag:$0xD], $0x2000, $0x38;
	[tilespmem:$0x1FD00] =	vst v63  }
0x38: {  	_ =	swait.ge [sflag:s15], $0x2000  }
0x39: {  	[sflag:s15] =	ssyncset.done $0x0  }
0x3a: {  	[sflag:s15] =	ssyncadd.s32 $0xFFFFE000  }
0x3b: {  	[spmem:s13] =	stream.linear.scatter [tilespmem:s14], [sflag:$0xD], $0x2000, $0x38;
	[tilespmem:$0x1FD00] =	vst v63  }
0x3c: {  	_ =	swait.ge [sflag:s15], $0x2000  }
0x3d: {  	[sflag:s15] =	ssyncset.done $0x0  }
0x3e: {  	s31 =	simm.s32 $0x0;
	s6 =	rddreg [dreg:$0x3];
	[sflag:s15] =	ssyncadd.s32 $0xFFFFE000  }
0x3f: {  	[tilespmem:s31], [sflag:$0xD] =	stream.linear.gather [hbm4b:s6+s31], $0x4E80, $0x38;
	[tilespmem:$0x1FD00] =	vst v63  }
0x40: {  	_ =	swait.ge [sflag:s15], $0x4E80  }
0x41: {  	[sflag:s15] =	ssyncset.done $0x0  }
0x42: {  	s1 =	simm.s32 $0x4E80;
	s7 =	rddreg [dreg:$0x4];
	[sflag:s15] =	ssyncadd.s32 $0xFFFFB180  }
0x43: {  	[tilespmem:s1], [sflag:$0xD] =	stream.linear.gather [hbm4b:s7+s31], $0x4E80, $0x38;
	[tilespmem:$0x1FD00] =	vst v63  }
0x44: {  	_ =	swait.ge [sflag:s15], $0x4E80  }
0x45: {  	[sflag:s15] =	ssyncset.done $0x0  }
0x46: {  	[sflag:s15] =	ssyncadd.s32 $0xFFFFB180  }
0x47: {  	[bflag:$0x0] =	sbarrier.arrive $0xFFFF  }
0x48: {  	[tilespmem:s14], [sflag:$0x1] =	stream.indirect.gather [hbm4b:s4+s16], $0x40, s31, s16, $0xb8;
	[tilespmem:$0x1FD00] =	vst v63  }
.Ltmp3:
0x49: {  	_ = 	snop;
	(pc) =	sbr.rel .LBB2_4-.Ltmp3, $4  }
0x4a: {  	_ = 	snop  }
0x4b: {  	[tilespmem:s17], [sflag:$0x2] =	stream.indirect.gather [hbm4b:s4+s16], $0x40, s16, s16, $0xb8;
	[tilespmem:$0x1FD00] =	vst v63  }
0x4c: {  	s18 =	simm.s32 $0x100;
	s0 =	simm.s32 $0x180  }
0x4d: {  	[tilespmem:s19], [sflag:$0x3] =	stream.indirect.gather [hbm4b:s4+s16], $0x40, s18, s16, $0xb8;
	[tilespmem:$0x1FD00] =	vst v63  }
.LBB2_9:
0x4e: {  	p0 =	seq.s32 s18, $0x3  }
0x4f: {  	s6 =	simm.s32 @p0 $0x4  }
0x50: {  	_ =	swait.ge @p0 [sflag:s6], $0x2000  }
0x51: {  	[sflag:s6] =	ssyncset.done @p0 $0x0  }
0x52: {  	s7 =	simm.s32 @p0 $0xFD00;
	[sflag:s6] =	ssyncadd.s32 @p0 $0xFFFFE000;
	s6 =	simm.s32 @p0 $0x80  }
0x53: {  	[spmem:s2] =	stream.indirect.scatter.add.f32 @p0 [tilespmem:s7], [sflag:$0xA], $0x40, s1, s6, $0xb8;
	[tilespmem:$0x1FD00] =	vst v63  }
0x54: {  	s6 =	simm.s32 @p0 $0x7  }
0x55: {  	p1 =	sgt.u32 @p0 s31, $0x99;
	_ =	swait.ge @p0 [sflag:s6], $0x2000  }
0x56: {  	p1 =	por p1, !p0;
	[sflag:s6] =	ssyncset.done @p0 $0x0  }
0x57: {  	s7 =	simm.s32 @!p1 $0x9D00;
	[sflag:s6] =	ssyncadd.s32 @p0 $0xFFFFE000;
	s6 =	simm.s32 @!p1 $0x80  }
0x58: {  	[tilespmem:s7], [sflag:$0x1] =	stream.indirect.gather @!p1 [hbm4b:s4+s6], $0x40, s0, s6, $0xb8;
	[tilespmem:$0x1FD00] =	vst v63  }
0x59: {  	p1 =	seq.s32 @!p0 s18, $0x4  }
0x5a: {  	p2 =	por !p1, p0  }
0x5b: {  	s6 =	simm.s32 @!p2 $0x5  }
0x5c: {  	_ =	swait.ge @!p2 [sflag:s6], $0x2000  }
0x5d: {  	s7 =	simm.s32 @!p2 $0x11D00;
	[sflag:s6] =	ssyncset.done @!p2 $0x0  }
0x5e: {  	p3 =	sgt.u32 @!p2 s31, $0x99;
	[sflag:s6] =	ssyncadd.s32 @!p2 $0xFFFFE000;
	s6 =	simm.s32 @!p2 $0x80  }
0x5f: {  	[spmem:s2] =	stream.indirect.scatter.add.f32 @!p2 [tilespmem:s7], [sflag:$0xB], $0x40, s1, s6, $0xb8;
	[tilespmem:$0x1FD00] =	vst v63  }
0x60: {  	p3 =	por @!p0 p3, !p1;
	s6 =	simm.s32 @!p2 $0x8  }
0x61: {  	p3 =	por p3, p0;
	_ =	swait.ge @!p2 [sflag:s6], $0x2000  }
0x62: {  	s7 =	simm.s32 @!p3 $0xBD00;
	[sflag:s6] =	ssyncset.done @!p2 $0x0  }
0x63: {  	[sflag:s6] =	ssyncadd.s32 @!p2 $0xFFFFE000;
	s6 =	simm.s32 @!p3 $0x80;
	p2 =	por p1, p0  }
0x64: {  	[tilespmem:s7], [sflag:$0x2] =	stream.indirect.gather @!p3 [hbm4b:s4+s6], $0x40, s0, s6, $0xb8;
	[tilespmem:$0x1FD00] =	vst v63  }
0x65: {  	s6 =	simm.s32 @!p2 $0x6  }
0x66: {  	_ =	swait.ge @!p2 [sflag:s6], $0x2000  }
0x67: {  	[sflag:s6] =	ssyncset.done @!p2 $0x0  }
0x68: {  	s7 =	simm.s32 @!p2 $0x13D00;
	[sflag:s6] =	ssyncadd.s32 @!p2 $0xFFFFE000;
	s6 =	simm.s32 @!p2 $0x80  }
0x69: {  	[spmem:s2] =	stream.indirect.scatter.add.f32 @!p2 [tilespmem:s7], [sflag:$0xC], $0x40, s1, s6, $0xb8;
	[tilespmem:$0x1FD00] =	vst v63  }
0x6a: {  	p3 =	sgt.u32 @!p2 s31, $0x99;
	s6 =	simm.s32 @!p2 $0x9  }
0x6b: {  	p1 =	por @!p0 p3, p1;
	_ =	swait.ge @!p2 [sflag:s6], $0x2000  }
0x6c: {  	p0 =	por p1, p0;
	[sflag:s6] =	ssyncset.done @!p2 $0x0  }
0x6d: {  	s7 =	simm.s32 @!p0 $0xDD00;
	[sflag:s6] =	ssyncadd.s32 @!p2 $0xFFFFE000;
	s6 =	simm.s32 @!p0 $0x80  }
0x6e: {  	[tilespmem:s7], [sflag:$0x3] =	stream.indirect.gather @!p0 [hbm4b:s4+s6], $0x40, s0, s6, $0xb8;
	[tilespmem:$0x1FD00] =	vst v63  }
.LBB2_13:
0x6f: {  	s31 =	sadd.s32 $0x1, s31  }
0x70: {  	p0 =	sne.s32 s31, $0x9D  }
.Ltmp4:
0x71: {  	_ = 	snop;
	(pc) =	sbr.rel @!p0 .LBB2_14-.Ltmp4, $2  }
0x72: {  	_ =	sdelay $0x2  }
0x73: {  	s0 =	sadd.s32 $0x80, s0;
	s1 =	sadd.s32 $0x80, s1  }
.LBB2_4:
0x74: {  	s18 =	smul.u32 $0xAB, s31;
	_ =	sdelay $0x1  }
0x75: {  	s18 =	sshrl.u32 s18, $0xA  }
0x76: {  	s18 =	sand.u32 $0x3F, s18  }
0x77: {  	s18 =	smul.u32 $0x6, s18;
	_ =	sdelay $0x1  }
0x78: {  	s18 =	ssub.s32 s31, s18  }
0x79: {  	s18 =	sand.u32 $0xFF, s18  }
0x7a: {  	p0 =	sgt.s32 s18, $0x2  }
.Ltmp5:
0x7b: {  	_ = 	snop;
	(pc) =	sbr.rel @p0 .LBB2_9-.Ltmp5, $1  }
0x7c: {  	_ =	sdelay $0x3  }
0x7d: {  	p0 =	seq.s32 s18, $0x0  }
.Ltmp6:
0x7e: {  	_ = 	snop;
	(pc) =	sbr.rel @p0 .LBB2_10-.Ltmp6, $1  }
0x7f: {  	_ =	sdelay $0x3  }
0x80: {  	p0 =	seq.s32 s18, $0x1  }
.Ltmp7:
0x81: {  	_ = 	snop;
	(pc) =	sbr.rel @!p0 .LBB2_12-.Ltmp7, $1  }
0x82: {  	_ =	sdelay $0x3  }
0x83: {  	p0 =	slt.u32 s31, $0x3  }
0x84: {  	_ =	swait.ge [sflag:s22], $0x2000;
	p1 =	sgt.u32 @!p0 s31, $0x99  }
0x85: {  	[sflag:s22] =	ssyncset.done $0x0;
	p1 =	por p0, !p1  }
.Ltmp8:
0x86: {  	s6 =	simm.s32 @!p0 $0xB;
	[sflag:s22] =	ssyncadd.s32 $0xFFFFE000;
	(pc) =	sbr.rel @!p1 .LBB2_13-.Ltmp8, $4  }
0x87: {  	[spmem:s2] =	stream.indirect.scatter.add.f32 [tilespmem:s17], [sflag:$0x8], $0x40, s1, s16, $0xb8;
	[tilespmem:$0x1FD00] =	vst v63  }
0x88: {  	_ =	swait.ge @!p0 [sflag:s6], $0x2000  }
0x89: {  	[sflag:s6] =	ssyncset.done @!p0 $0x0  }
0x8a: {  	[sflag:s6] =	ssyncadd.s32 @!p0 $0xFFFFE000  }
.Ltmp9:
0x8b: {  	(pc) =	sbr.rel .LBB2_13-.Ltmp9, $2  }
0x8c: {  	_ =	sdelay $0x2  }
0x8d: {  	[tilespmem:s23], [sflag:$0x5] =	stream.indirect.gather [hbm4b:s4+s16], $0x40, s0, s16, $0xb8;
	[tilespmem:$0x1FD00] =	vst v63  }
.LBB2_10:
0x8e: {  	p0 =	slt.u32 s31, $0x3  }
0x8f: {  	_ =	swait.ge [sflag:s20], $0x2000;
	p1 =	sgt.u32 @!p0 s31, $0x99  }
0x90: {  	[sflag:s20] =	ssyncset.done $0x0;
	p1 =	por p0, !p1  }
.Ltmp10:
0x91: {  	s6 =	simm.s32 @!p0 $0xA;
	[sflag:s20] =	ssyncadd.s32 $0xFFFFE000;
	(pc) =	sbr.rel @!p1 .LBB2_13-.Ltmp10, $4  }
0x92: {  	[spmem:s2] =	stream.indirect.scatter.add.f32 [tilespmem:s14], [sflag:$0x7], $0x40, s1, s16, $0xb8;
	[tilespmem:$0x1FD00] =	vst v63  }
0x93: {  	_ =	swait.ge @!p0 [sflag:s6], $0x2000  }
0x94: {  	[sflag:s6] =	ssyncset.done @!p0 $0x0  }
0x95: {  	[sflag:s6] =	ssyncadd.s32 @!p0 $0xFFFFE000  }
.Ltmp11:
0x96: {  	(pc) =	sbr.rel .LBB2_13-.Ltmp11, $2  }
0x97: {  	_ =	sdelay $0x2  }
0x98: {  	[tilespmem:s21], [sflag:$0x4] =	stream.indirect.gather [hbm4b:s4+s16], $0x40, s0, s16, $0xb8;
	[tilespmem:$0x1FD00] =	vst v63  }
.LBB2_12:
0x99: {  	_ =	swait.ge [sflag:s24], $0x2000  }
0x9a: {  	[sflag:s24] =	ssyncset.done $0x0  }
0x9b: {  	p0 =	slt.u32 s31, $0x3;
	[sflag:s24] =	ssyncadd.s32 $0xFFFFE000  }
0x9c: {  	[spmem:s2] =	stream.indirect.scatter.add.f32 [tilespmem:s19], [sflag:$0x9], $0x40, s1, s16, $0xb8;
	[tilespmem:$0x1FD00] =	vst v63  }
.Ltmp12:
0x9d: {  	s6 =	simm.s32 @!p0 $0xC;
	(pc) =	sbr.rel .LBB2_13-.Ltmp12, $4  }
0x9e: {  	_ =	swait.ge @!p0 [sflag:s6], $0x2000  }
0x9f: {  	p1 =	sgt.u32 @!p0 s31, $0x99;
	[sflag:s6] =	ssyncset.done @!p0 $0x0  }
0xa0: {  	p1 =	por p0, !p1;
	[sflag:s6] =	ssyncadd.s32 @!p0 $0xFFFFE000  }
0xa1: {  	[tilespmem:s26], [sflag:$0x6] =	stream.indirect.gather @p1 [hbm4b:s4+s16], $0x40, s0, s16, $0xb8;
	[tilespmem:$0x1FD00] =	vst v63  }
.LBB2_15:
0xa2: {  	_ =	sfence.sel $0x180000  }
0xa3: {  	[bflag:$0x0] =	sbarrier.arrive $0xFFFF  }
0xa4: {  	_ =	strace $0x9000004D  }
0xa5: {  	s0 =	stileid.u32;
	[bflag:$0x2] =	sbarrier.arrive $0xFFFF  }
0xa6: {  	p0 =	sne.s32 s0, $0x0;
	s0 =	rddreg [dreg:$0x2]  }
0xa7: {  	s0 =	sadd.s32 @!p0 $0x100000, s0  }
0xa8: {  	[sflag:s0] =	ssyncadd.tile.s32 @!p0 $0x1;
	_ =	shalt  }
.Lfunc_end2:
_tile_overlayer_lowered:
.L_overlay_start_2:
0xa9: {  	(tag) =	ssettag $0x2  }
0xaa: {  	s0 =	rddreg [dreg:$0x0];
	s2 =	stileid.u32  }
0xab: {  	s1 =	rddreg [dreg:$0x1];
	p0 =	sne.s32 s2, $0x0  }
0xac: {  	s3 =	rddreg [dreg:$0x2];
	[bflag:$0x3] =	sbarrier.arrive $0xFFFF;
	s2 =	simm.s32 @!p0 $0x1C0D  }
0xad: {  	[timem:s3], [sflag:s2] =	dma.local @!p0 [hbm:s0], s1  }
0xae: {  	s0 =	simm.s32 @!p0 $0xD  }
0xaf: {  	_ =	swait.ge @!p0 [sflag:s0], s1  }
0xb0: {  	s1 =	ssub.s32 @!p0 $0x0, s1;
	[sflag:s0] =	ssyncset.done @!p0 $0x0  }
0xb1: {  	[sflag:s0] =	ssyncadd.s32 @!p0 s1  }
0xb2: {  	[bflag:$0x3] =	sbarrier.arrive $0xFFFF  }
0xb3: {  	_ =	shalt  }

// kernel: kernel.8.cloned.1.call-start
scs
__scs_entry_jumppad:
0x0: {  	(pc) =	sbr.rel $0x88, $3  }
0x1: {  	(tag) =	ssettag $0x0;
	lr =	simm.s32 $0x1  }
0x2: {  	[smem:$0x3F9A] =	sst lr;
	_ =	strace $0xD0000000  }
0x3: {  	_ = 	snop  }
0x4: {  	_ = 	snop  }
0x5: {  	_ = 	snop  }
0x6: {  	_ = 	snop  }
0x7: {  	_ = 	snop  }
__scs_overlays_trampoline_lowered:
0x8: {  	[smem:$0x3FA9] =	sst s0  }
0x9: {  	[smem:$0x3FAA] =	sst s1  }
0xa: {  	[smem:$0x3FAB] =	sst s2  }
0xb: {  	[smem:$0x3FAC] =	sst s3  }
0xc: {  	[smem:$0x3FAD] =	sst s4  }
0xd: {  	[smem:$0x3FAE] =	sst s5  }
0xe: {  	[smem:$0x3FAF] =	sst s6  }
0xf: {  	[smem:$0x3FB0] =	sst s7  }
0x10: {  	[smem:$0x3FB1] =	sst s8  }
0x11: {  	[smem:$0x3FB2] =	sst s9;
	s0 =	simm.s32 @!p0 $0x0  }
0x12: {  	s1 =	sld [smem:$0x3F98];
	s0 =	simm.s32 @p0 $0x1  }
0x13: {  	[smem:$0x3FB3] =	sst s0;
	s0 =	simm.s32 @!p1 $0x0  }
0x14: {  	s2 =	sld [smem:$0x3F97];
	s0 =	simm.s32 @p1 $0x1  }
0x15: {  	[smem:$0x3FB4] =	sst s0;
	s0 =	simm.s32 @!p2 $0x0  }
0x16: {  	s3 =	sld [smem:$0x3FDB];
	s0 =	simm.s32 @p2 $0x1  }
0x17: {  	s4 =	simm.s32 $0x1BF5;
	[smem:$0x3FB6] =	sst s0  }
0x18: {  	s0 =	sld [smem:$0x3F99];
	_ =	swait.ge [sflag:s4], $0x0  }
0x19: {  	s7 =	sld [smem:$0x3F9A]  }
0x1a: {  	s8 =	sadd.s32 $0xFFFFE003, lr  }
0x1b: {  	s9 =	sadd.s32 $0xFFFFFEF7, lr;
	s5 =	simm.s32 $0xFFFFFFFF;
	p2 =	slt.u32 s8, $0xFFFFF086  }
0x1c: {  	p1 =	slt.u32 s9, $0xF7A;
	s5 =	simm.s32 @!p2 $0x0  }
0x1d: {  	s5 =	simm.s32 @p1 $0x1;
	p0 =	seq.s32 s7, s2  }
0x1e: {  	s7 =	smul.u32 @!p0 $0xF7A, s2;
	p2 =	seq.s32 @!p0 s5, $0x0  }
0x1f: {  	s9 =	smul.u32 $0xF7A, s1;
	s8 =	simm.s32 @!p0 $0x1BF5;
	p2 =	por !p2, p0  }
0x20: {  	[sflag:s8] =	ssyncset.s32 @!p0 $0xFFFFF086;
	s6 =	sadd.s32 @!p0 s3, s7;
	s7 =	simm.s32 @!p0 $0x108  }
0x21: {  	s3 =	sadd.s32 s3, s9;
	s6 =	sadd.s32 @!p0 $0x88, s6;
	s7 =	simm.s32 @p2 $0x1082  }
0x22: {  	[simem:s7], [sflag:s8] =	dma.local @!p0 [hbm:s6], $0xF7A  }
0x23: {  	s9 =	sor.u32 $0xD0000000, s2;
	s6 =	simm.s32 $0x108;
	_ =	swait.ge @!p0 [sflag:s8], $0x0  }
0x24: {  	s3 =	sadd.s32 $0x88, s3;
	s6 =	simm.s32 @!p1 $0x1082;
	[sflag:s4] =	ssyncset.s32 $0xFFFFF086  }
0x25: {  	[simem:s6], [sflag:s4] =	dma.local [hbm:s3], $0xF7A  }
0x26: {  	[smem:$0x3F9A] =	sst s1;
	(tag) =	ssettag s2;
	_ =	strace s9  }
0x27: {  	s1 =	sld [smem:$0x3FAA]  }
0x28: {  	s2 =	sld [smem:$0x3FAB]  }
0x29: {  	s4 =	sld [smem:$0x3FAD]  }
0x2a: {  	p0 =	seq.s32 s5, $0x0;
	s5 =	sld [smem:$0x3FAE]  }
0x2b: {  	s6 =	sld [smem:$0x3FAF]  }
0x2c: {  	s7 =	sld [smem:$0x3FB0]  }
0x2d: {  	s3 =	simm.s32 $0x108;
	s8 =	sld [smem:$0x3FB1]  }
0x2e: {  	s3 =	simm.s32 @!p0 $0x1082;
	s9 =	sld [smem:$0x3FB2]  }
0x2f: {  	lr =	sadd.s32 s0, s3;
	s0 =	sld [smem:$0x3FA9]  }
0x30: {  	s3 =	sld [smem:$0x3FAC]  }
0x31: {  	[smem:$0x3FB5] =	sst s10  }
0x32: {  	s10 =	sld [smem:$0x3FB3];
	_ =	sdelay $0x3  }
0x33: {  	p0 =	seq.s32 s10, $0x1;
	s10 =	sld [smem:$0x3FB5];
	_ =	sdelay $0x3  }
0x34: {  	[smem:$0x3FB5] =	sst s10  }
0x35: {  	s10 =	sld [smem:$0x3FB4];
	_ =	sdelay $0x3  }
0x36: {  	p1 =	seq.s32 s10, $0x1;
	s10 =	sld [smem:$0x3FB5];
	_ =	sdelay $0x3  }
0x37: {  	[smem:$0x3FB5] =	sst s10  }
0x38: {  	s10 =	sld [smem:$0x3FB6]  }
0x39: {  	_ = 	snop;
	(pc) =	sbr.ind lr, $3  }
0x3a: {  	_ = 	snop  }
0x3b: {  	_ = 	snop  }
0x3c: {  	p2 =	seq.s32 s10, $0x1;
	s10 =	sld [smem:$0x3FB5]  }
0x3d: {  	_ =	shalt  }
0x3e: {  	_ =	shalt  }
0x3f: {  	_ =	shalt  }
0x40: {  	_ =	shalt  }
0x41: {  	_ =	shalt  }
0x42: {  	_ =	shalt  }
0x43: {  	_ =	shalt  }
0x44: {  	_ =	shalt  }
0x45: {  	_ =	shalt  }
0x46: {  	_ =	shalt  }
0x47: {  	_ =	shalt  }
0x48: {  	_ =	shalt  }
0x49: {  	_ =	shalt  }
0x4a: {  	_ =	shalt  }
0x4b: {  	_ =	shalt  }
0x4c: {  	_ =	shalt  }
0x4d: {  	_ =	shalt  }
0x4e: {  	_ =	shalt  }
0x4f: {  	_ =	shalt  }
0x50: {  	_ =	shalt  }
0x51: {  	_ =	shalt  }
0x52: {  	_ =	shalt  }
0x53: {  	_ =	shalt  }
0x54: {  	_ =	shalt  }
0x55: {  	_ =	shalt  }
0x56: {  	_ =	shalt  }
0x57: {  	_ =	shalt  }
0x58: {  	_ =	shalt  }
0x59: {  	_ =	shalt  }
0x5a: {  	_ =	shalt  }
0x5b: {  	_ =	shalt  }
0x5c: {  	_ =	shalt  }
0x5d: {  	_ =	shalt  }
0x5e: {  	_ =	shalt  }
0x5f: {  	_ =	shalt  }
0x60: {  	_ =	shalt  }
0x61: {  	_ =	shalt  }
0x62: {  	_ =	shalt  }
0x63: {  	_ =	shalt  }
0x64: {  	_ =	shalt  }
0x65: {  	_ =	shalt  }
0x66: {  	_ =	shalt  }
0x67: {  	_ =	shalt  }
0x68: {  	_ =	shalt  }
0x69: {  	_ =	shalt  }
0x6a: {  	_ =	shalt  }
0x6b: {  	_ =	shalt  }
0x6c: {  	_ =	shalt  }
0x6d: {  	_ =	shalt  }
0x6e: {  	_ =	shalt  }
0x6f: {  	_ =	shalt  }
0x70: {  	_ =	shalt  }
0x71: {  	_ =	shalt  }
0x72: {  	_ =	shalt  }
0x73: {  	_ =	shalt  }
0x74: {  	_ =	shalt  }
0x75: {  	_ =	shalt  }
0x76: {  	_ =	shalt  }
0x77: {  	_ =	shalt  }
0x78: {  	_ =	shalt  }
0x79: {  	_ =	shalt  }
0x7a: {  	_ =	shalt  }
0x7b: {  	_ =	shalt  }
0x7c: {  	_ =	shalt  }
0x7d: {  	_ =	shalt  }
0x7e: {  	_ =	shalt  }
0x7f: {  	_ =	shalt  }
0x80: {  	_ =	shalt  }
0x81: {  	_ =	shalt  }
0x82: {  	_ =	shalt  }
0x83: {  	_ =	shalt  }
0x84: {  	_ =	shalt  }
0x85: {  	_ =	shalt  }
0x86: {  	_ =	shalt  }
0x87: {  	_ =	shalt  }
.Lfunc_end0:
.L_simem_size_0:
called_computation_lowered:
.L_overlay_start_0:
0x88: {  	s2 =	sld [smem:$0x3FD9]  }
0x89: {  	s3 =	sld [smem:$0x3FFE];
	_ =	sdelay $0x1  }
0x8a: {  	s1 =	srdreg.scid  }
0x8b: {  	s0 =	sand.u32 $0x1, s1  }
0x8c: {  	s16 =	sshll.u32 s0, $0xA;
	s2 =	sadd.s32 s3, s2  }
0x8d: {  	s2 =	sadd.s32 s2, s16  }
0x8e: {  	[smem:$0x3FC1] =	sst s2  }
0x8f: {  	_ = 	snop  }
0x90: {  	(tm) =	ssettm $0x1  }
0x91: {  	s17 =	sld [smem:$0x3FFB];
	_ =	sdelay $0x3  }
0x92: {  	_ =	strace s17  }
0x93: {  	s2 =	sld [smem:$0x3FFC];
	_ =	sdelay $0x3  }
0x94: {  	_ =	strace s2  }
0x95: {  	s2 =	sld [smem:$0x3FFD];
	_ =	sdelay $0x3  }
0x96: {  	_ =	strace s2  }
0x97: {  	_ =	strace $0x8FFFFFFF  }
0x98: {  	s18 =	sld [smem:$0x3FDB];
	_ =	sdelay $0x1  }
0x99: {  	s19 =	simm.s32 $_scs_section_size  }
0x9a: {  	s4 =	simm.s32 $_size__tile_overlayer_lowered;
	s5 =	simm.s32 $_tile_overlayer_lowered  }
0x9b: {  	s22 =	simm.s32 $0x1BFF;
	s21 =	sshll.u32 s5, $0x1;
	s2 =	sadd.s32 s19, s18  }
0x9c: {  	s6 =	simm.s32 $0x0;
	s20 =	sshll.u32 s4, $0x1;
	s4 =	sadd.s32 s21, s2  }
0x9d: {  	[timem:s6], [sflag:s22] =	dma.local [hbm:s4], s20  }
0x9e: {  	_ =	swait.ge [sflag:s22], s20  }
0x9f: {  	s3 =	ssub.s32 $0x0, s20;
	[sflag:s22] =	ssyncset.done $0x0  }
0xa0: {  	[sflag:s22] =	ssyncadd.s32 s3;
	_ =	sdelay $0x1  }
0xa1: {  	s23 =	simm.s32 $0x1B8B  }
0xa2: {  	_ =	swait.ge [sflag:s23], $0x1  }
0xa3: {  	[sflag:s23] =	ssyncset.done $0x0  }
0xa4: {  	s25 =	simm.s32 $0x1B8E;
	s24 =	sld [smem:$0x3FFE];
	[sflag:s23] =	ssyncadd.s32 $0xFFFFFFFF  }
0xa5: {  	s26 =	simm.s32 $execute0_lowered;
	[smem:$0x3FD2] =	sst s25  }
0xa6: {  	s4 =	sshll.u32 s26, $0x1;
	_ =	strace $0x80000046;
	[dreg:$0x1] =	wrdreg $0xFFFFFFFF  }
0xa7: {  	s28 =	simm.s32 $_size_execute0_lowered;
	s2 =	sadd.s32 s2, s4;
	[dreg:$0x0] =	wrdreg $0x0  }
0xa8: {  	s4 =	sshll.u32 s28, $0x1;
	[dreg:$0x2] =	wrdreg s2  }
0xa9: {  	[dreg:$0x3] =	wrdreg s4  }
0xaa: {  	[dreg:$0x4] =	wrdreg $0xC0  }
0xab: {  	_ =	task [dreg:s6], $0x5FFFF  }
0xac: {  	[dreg:$0x1] =	wrdreg $0xFFFFFFFF  }
0xad: {  	[dreg:$0x0] =	wrdreg $0x60  }
0xae: {  	[dreg:$0x2] =	wrdreg s24  }
0xaf: {  	[dreg:$0x3] =	wrdreg $0x51800  }
0xb0: {  	[dreg:$0x4] =	wrdreg $0x9  }
0xb1: {  	_ =	task.clear_ibuf [dreg:s6], $0x5FFFF;
	_ =	strace $0x90000046  }
0xb2: {  	s29 =	simm.s32 $0x9;
	_ =	strace $0x80000048  }
0xb3: {  	_ =	swait.ge [sflag:s29], $0x1  }
0xb4: {  	[sflag:s29] =	ssyncadd.s32 $0xFFFFFFFF  }
0xb5: {  	_ =	strace $0x90000048  }
0xb6: {  	_ =	sfence  }
0xb7: {  	s30 =	sld [smem:$0x0];
	_ =	sdelay $0x2  }
0xb8: {  	s31 =	sshll.u32 s1, $0xD;
	s1 =	sshrl.u32 s1, $0x2  }
0xb9: {  	s3 =	sand.u32 $0x4000, s31;
	s1 =	sadd.s32 s1, s30  }
0xba: {  	s0 =	sor.u32 s3, s0;
	s1 =	sshll.u32 s1, $0x11  }
0xbb: {  	s0 =	sor.u32 s1, s0  }
0xbc: {  	s0 =	sadd.s32 $0x8F2B, s0  }
0xbd: {  	[sflag:s0] =	ssyncadd.remote.s32 $0x1  }
0xbe: {  	_ =	sfence.sel $0xFFFF  }
0xbf: {  	[dreg:$0x0] =	wrdreg $0xFFFFFFFF;
	(pc) =	sbr.abs _section_cstart, $3  }
0xc0: {  	[dreg:$0x1] =	wrdreg $0xFFFFFFFF  }
0xc1: {  	_ =	task.clear_ibuf [dreg:s6], $0x2FFFF;
	_ =	strace $0x9FFFFFFF  }
0xc2: {  	(tm) =	ssettm $0x7FFFFFFF  }
0xc3: {  	_ =	shalt  }
tec
execute0_lowered:
.L_overlay_start_1:
0x0: {  	(tag) =	ssettag $0x1  }
0x1: {  	s4 =	rddreg [dreg:$0x0]  }
0x2: {  	s0 =	srdreg.scid;
	s2 =	rddreg [dreg:$0x1]  }
0x3: {  	s1 =	rddreg [dreg:$0x2];
	s5 =	sand.u32 $0x1, s0  }
0x4: {  	s0 =	stileid.u32;
	s6 =	smul.u32 $0x4E800, s5  }
0x5: {  	s3 =	simm.s32 $0x0;
	s10 =	simm.s32 $0x80;
	s7 =	smul.u32 $0x4E80, s0  }
0x6: {  	s11 =	simm.s32 $0x4E80;
	s14 =	simm.s32 $0x0;
	s8 =	smul.u32 $0x280, s0  }
0x7: {  	[smem:$0x7FF] =	sst s3;
	s9 =	smul.u32 $0x2800, s5;
	s5 =	ssub.s32 $0x2, s5  }
0x8: {  	_ =	strace $0x80000047;
	s12 =	sshll.u32 s0, $0x6;
	s31 =	sshrl.u32 s5, $0x1  }
0x9: {  	s12 =	sor.u32 $0x1C01, s12;
	s6 =	sadd.s32 s7, s6;
	s30 =	sadd.s32 s8, s9  }
0xa: {  	s9 =	ssub.s32 s5, s31;
	s6 =	sshrl.u32 s6, $0x3;
	s7 =	sshrl.u32 s30, $0x3  }
0xb: {  	s6 =	sadd.s32 s6, s4;
	s7 =	sadd.s32 s7, s4;
	s4 =	sadd.s32 s8, s2  }
0xc: {  	s8 =	simm.s32 $0x4F00;
	s5 =	sadd.s32 $0x2400, s6;
	s6 =	sadd.s32 $0x15E00, s7  }
0xd: {  	v0 =	vimm.f32 $1.000000000e+00;
	v1 =	vimm.f32 $0.0e+00;
	s7 =	smax.u32 s9, $0x1;
	s9 =	simm.s32 $0x1;
	s13 =	sshrl.u32 s4, $0x3  }
.LBB2_1:
0xe: {  	[tilespmem:$0x4E80] =	vst v0  }
0xf: {  	[tilespmem:$0x4E90] =	vst v0  }
0x10: {  	[tilespmem:$0x4EA0] =	vst v0  }
0x11: {  	[tilespmem:$0x4EB0] =	vst v0  }
0x12: {  	[tilespmem:$0x4EC0] =	vst v0  }
0x13: {  	[tilespmem:$0x4ED0] =	vst v0  }
0x14: {  	[tilespmem:$0x4EE0] =	vst v0  }
0x15: {  	[tilespmem:$0x4EF0] =	vst v0  }
0x16: {  	[tilespmem:$0x4F00] =	vst v1  }
0x17: {  	[tilespmem:$0x4F10] =	vst v1  }
0x18: {  	[tilespmem:$0x4F20] =	vst v1  }
0x19: {  	[tilespmem:$0x4F30] =	vst v1  }
0x1a: {  	[tilespmem:$0x4F40] =	vst v1  }
0x1b: {  	[tilespmem:$0x4F50] =	vst v1  }
0x1c: {  	[tilespmem:$0x4F60] =	vst v1  }
0x1d: {  	[tilespmem:$0x4F70] =	vst v1  }
0x1e: {  	[tilespmem:$0x4F80] =	vst v1  }
0x1f: {  	[tilespmem:$0x4F90] =	vst v1  }
0x20: {  	[tilespmem:$0x4FA0] =	vst v1  }
0x21: {  	[tilespmem:$0x4FB0] =	vst v1  }
0x22: {  	[tilespmem:$0x4FC0] =	vst v1  }
0x23: {  	[tilespmem:$0x4FD0] =	vst v1  }
0x24: {  	[tilespmem:$0x4FE0] =	vst v1  }
0x25: {  	[tilespmem:$0x4FF0] =	vst v1  }
0x26: {  	[tilespmem:$0x5000] =	vst v1  }
0x27: {  	[tilespmem:$0x5010] =	vst v1  }
0x28: {  	[tilespmem:$0x5020] =	vst v1  }
0x29: {  	[tilespmem:$0x5030] =	vst v1  }
0x2a: {  	[tilespmem:$0x5040] =	vst v1  }
0x2b: {  	[tilespmem:$0x5050] =	vst v1  }
0x2c: {  	[tilespmem:$0x5060] =	vst v1  }
0x2d: {  	[tilespmem:$0x5070] =	vst v1  }
0x2e: {  	[tilespmem:$0x5080] =	vst v1  }
0x2f: {  	[tilespmem:$0x5090] =	vst v1  }
0x30: {  	[tilespmem:$0x50A0] =	vst v1  }
0x31: {  	[tilespmem:$0x50B0] =	vst v1  }
0x32: {  	[tilespmem:$0x50C0] =	vst v1  }
0x33: {  	[tilespmem:$0x50D0] =	vst v1  }
0x34: {  	[tilespmem:$0x50E0] =	vst v1  }
0x35: {  	[tilespmem:$0x50F0] =	vst v1  }
0x36: {  	[tilespmem:$0x5100] =	vst v1  }
0x37: {  	[tilespmem:$0x5110] =	vst v1  }
0x38: {  	[tilespmem:$0x5120] =	vst v1  }
0x39: {  	[tilespmem:$0x5130] =	vst v1  }
0x3a: {  	[tilespmem:$0x5140] =	vst v1  }
0x3b: {  	[tilespmem:$0x5150] =	vst v1  }
0x3c: {  	[tilespmem:$0x5160] =	vst v1  }
0x3d: {  	[tilespmem:$0x5170] =	vst v1  }
0x3e: {  	[spmem:s4] =	stream.linear.scatter [tilespmem:s8], [sflag:$0x1], $0x280, $0x38;
	[tilespmem:$0x5400] =	vst v63  }
0x3f: {  	_ =	swait.ge [sflag:s9], $0x280  }
0x40: {  	[sflag:s9] =	ssyncset.done $0x0  }
0x41: {  	[sflag:s9] =	ssyncadd.s32 $0xFFFFFD80  }
0x42: {  	[tilespmem:s3], [sflag:$0x1] =	stream.linear.gather [hbm4b:s5+s3], $0x4E80, $0x38;
	[tilespmem:$0x5400] =	vst v63  }
0x43: {  	_ =	swait.ge [sflag:s9], $0x4E80  }
0x44: {  	[sflag:s9] =	ssyncset.done $0x0  }
0x45: {  	[sflag:s9] =	ssyncadd.s32 $0xFFFFB180  }
0x46: {  	s15 =	simm.s32 $0x0;
	[bflag:$0x0] =	sbarrier.arrive $0xFFFF  }
0x47: {  	[spmem:s2] =	stream.indirect.scatter.add.f32 [tilespmem:s11], [sflag:$0x1], $0x1, s15, s10, $0xb8;
	[tilespmem:$0x5400] =	vst v63  }
0x48: {  	_ =	swait.ge [sflag:s9], $0x80  }
0x49: {  	s15 =	simm.s32 $0x200;
	[sflag:s9] =	ssyncset.done $0x0  }
.LBB2_2:
0x4a: {  	s16 =	sshra.s32 s15, $0x2;
	[sflag:s9] =	ssyncadd.s32 $0xFFFFFF80;
	p0 =	sne.s32 s15, $0x13800  }
0x4b: {  	[spmem:s2] =	stream.indirect.scatter.add.f32 [tilespmem:s11], [sflag:$0x1], $0x1, s16, s10, $0xb8;
	[tilespmem:$0x5400] =	vst v63  }
.Ltmp0:
0x4c: {  	_ = 	snop;
	(pc) =	sbr.rel @p0 .LBB2_2-.Ltmp0, $4  }
0x4d: {  	_ = 	snop  }
0x4e: {  	s15 =	sadd.s32 $0x200, s15  }
0x4f: {  	_ =	swait.ge [sflag:s9], $0x80  }
0x50: {  	[sflag:s9] =	ssyncset.done $0x0  }
0x51: {  	s14 =	sadd.s32 $0x1, s14  }
0x52: {  	[sflag:s9] =	ssyncadd.s32 $0xFFFFFF80;
	p0 =	sne.s32 s14, s7  }
.Ltmp1:
0x53: {  	[bflag:$0x0] =	sbarrier.arrive $0xFFFF;
	(pc) =	sbr.rel @p0 .LBB2_1-.Ltmp1, $4  }
0x54: {  	[hbm:s6], [sflag:s12] =	dma.local [spmem:s13], $0x50  }
0x55: {  	_ =	swait.ge [sflag:s9], $0x50  }
0x56: {  	[sflag:s9] =	ssyncset.done $0x0  }
0x57: {  	[sflag:s9] =	ssyncadd.s32 $0xFFFFFFB0  }
0x58: {  	_ =	sfence.sel $0x180000  }
0x59: {  	[bflag:$0x0] =	sbarrier.arrive $0xFFFF  }
0x5a: {  	p0 =	sne.s32 s0, $0x0;
	_ =	strace $0x90000047  }
0x5b: {  	s0 =	sadd.s32 @!p0 $0x100000, s1;
	[bflag:$0x2] =	sbarrier.arrive $0xFFFF  }
0x5c: {  	[sflag:s0] =	ssyncadd.tile.s32 @!p0 $0x1;
	_ =	shalt  }
.Lfunc_end2:
_tile_overlayer_lowered:
.L_overlay_start_2:
0x5d: {  	(tag) =	ssettag $0x2  }
0x5e: {  	s0 =	rddreg [dreg:$0x0];
	s2 =	stileid.u32  }
0x5f: {  	s1 =	rddreg [dreg:$0x1];
	p0 =	sne.s32 s2, $0x0  }
0x60: {  	s3 =	rddreg [dreg:$0x2];
	[bflag:$0x3] =	sbarrier.arrive $0xFFFF;
	s2 =	simm.s32 @!p0 $0x1C01  }
0x61: {  	[timem:s3], [sflag:s2] =	dma.local @!p0 [hbm:s0], s1  }
0x62: {  	s0 =	simm.s32 @!p0 $0x1  }
0x63: {  	_ =	swait.ge @!p0 [sflag:s0], s1  }
0x64: {  	s1 =	ssub.s32 @!p0 $0x0, s1;
	[sflag:s0] =	ssyncset.done @!p0 $0x0  }
0x65: {  	[sflag:s0] =	ssyncadd.s32 @!p0 s1  }
0x66: {  	[bflag:$0x3] =	sbarrier.arrive $0xFFFF  }
0x67: {  	_ =	shalt  }

</sc_bundles>
